<compile_context>
chip_gen: v7x
topology: tpu7x:2x2x1
jax: 0.10.2.dev20260603
libtpu: 0.0.44.dev20260713+nightly
codegen_flags: <defaults>
</compile_context>

<pallas_src>
import functools

import jax
import jax.numpy as jnp
from jax import lax
from jax.experimental import pallas as pl
from jax.experimental.pallas import tpu as pltpu
from jax.experimental.pallas import tpu_sc as plsc

N_NODES = 10000
N_EDGES = 320000
D_NODE = 128
D_EDGE = 16
D_HIDDEN = 128
D_OUT = 128
N_GRAPHS = 64

NC = 2
NS = 16
NW = NC * NS
CH = 128
NCHUNK = N_EDGES // CH
MAIN = 2 * ((NCHUNK // NW) // 2)
HALF = MAIN // 2
EXTRA = NCHUNK - MAIN * NW
NPAD = 10112
RPW = NPAD // NS

_MESH = plsc.VectorSubcoreMesh(core_axis_name="c", subcore_axis_name="s",
                               num_cores=NC, num_subcores=NS)


def _chunk_off(q, w):
    return pl.multiple_of(q * (NW * CH) + w * CH, CH)


def _sc_x_body(src_hbm, dst_hbm, x_hbm, zx_hbm, aggx_out,
               src_v, dst_v, rows_v, aggx_sh, sg0, sg1, sg2):
    c = lax.axis_index("c")
    s = lax.axis_index("s")
    w = s * NC + c

    pltpu.sync_copy(zx_hbm, aggx_sh.at[pl.ds(s * RPW, RPW)])
    plsc.subcore_barrier()

    sg = (sg0, sg1, sg2)

    def load(q, b):
        off = _chunk_off(q, w)
        pltpu.sync_copy(src_hbm.at[pl.ds(off, CH)], src_v.at[b])
        pltpu.sync_copy(dst_hbm.at[pl.ds(off, CH)], dst_v.at[b])
        pltpu.async_copy(x_hbm.at[src_v.at[b]], rows_v.at[b], sg[b])

    def consume(b):
        pltpu.make_async_copy(x_hbm.at[src_v.at[b]], rows_v.at[b],
                              sg[b]).wait()
        pltpu.sync_copy(rows_v.at[b], aggx_sh.at[dst_v.at[b]], add=True)

    load(0, 0)
    load(1, 1)

    def outer(i, carry):
        for b in range(3):
            q = 3 * i + b

            @pl.when(q + 2 < MAIN)
            def _():
                load(q + 2, (b + 2) % 3)

            consume(b)
        return carry

    lax.fori_loop(0, MAIN // 3, outer, 0)

    @pl.when(w < EXTRA)
    def _():
        load(MAIN + 0, 0)
        consume(0)

    plsc.subcore_barrier()
    pltpu.sync_copy(aggx_sh.at[pl.ds(s * RPW, RPW)],
                    aggx_out.at[c, pl.ds(s * RPW, RPW)])


_sc_scatter_x = functools.partial(
    pl.kernel,
    out_type=jax.ShapeDtypeStruct((NC, NPAD, D_NODE), jnp.float32),
    mesh=_MESH,
    scratch_types=[
        pltpu.VMEM((3, CH), jnp.int32),
        pltpu.VMEM((3, CH), jnp.int32),
        pltpu.VMEM((3, CH, D_NODE), jnp.float32),
        pltpu.VMEM_SHARED((NPAD, D_NODE), jnp.float32),
        pltpu.SemaphoreType.DMA,
        pltpu.SemaphoreType.DMA,
        pltpu.SemaphoreType.DMA,
    ],
    compiler_params=pltpu.CompilerParams(use_tc_tiling_on_sc=False),
)(_sc_x_body)


def _sc_ea_body(dst_hbm, ea_hbm, ze_hbm, aggx_hbm, agge_out,
                dst_v, ea_v, agge_sh, dep_v, se0, se1, se2):
    c = lax.axis_index("c")
    s = lax.axis_index("s")
    w = s * NC + c

    pltpu.sync_copy(aggx_hbm.at[0, pl.ds(0, 8)], dep_v)
    pltpu.sync_copy(ze_hbm, agge_sh.at[pl.ds(s * RPW, RPW)])
    plsc.subcore_barrier()

    se = (se0, se1, se2)

    def load(q, b):
        off = _chunk_off(q, w)
        pltpu.sync_copy(dst_hbm.at[pl.ds(off, CH)], dst_v.at[b])
        pltpu.async_copy(ea_hbm.at[pl.ds(off, CH)], ea_v.at[b], se[b])

    def consume(b):
        pltpu.make_async_copy(ea_hbm.at[pl.ds(0, CH)], ea_v.at[b],
                              se[b]).wait()
        pltpu.sync_copy(ea_v.at[b], agge_sh.at[dst_v.at[b]], add=True)

    load(0, 0)
    load(1, 1)

    def outer(i, carry):
        for b in range(3):
            q = 3 * i + b

            @pl.when(q + 2 < MAIN)
            def _():
                load(q + 2, (b + 2) % 3)

            consume(b)
        return carry

    lax.fori_loop(0, MAIN // 3, outer, 0)

    @pl.when(w < EXTRA)
    def _():
        load(MAIN, 0)
        consume(0)

    plsc.subcore_barrier()
    pltpu.sync_copy(agge_sh.at[pl.ds(s * RPW, RPW)],
                    agge_out.at[c, pl.ds(s * RPW, RPW)])


_sc_scatter_ea = functools.partial(
    pl.kernel,
    out_type=jax.ShapeDtypeStruct((NC, NPAD, D_EDGE), jnp.float32),
    mesh=_MESH,
    scratch_types=[
        pltpu.VMEM((3, CH), jnp.int32),
        pltpu.VMEM((3, CH, D_EDGE), jnp.float32),
        pltpu.VMEM_SHARED((NPAD, D_EDGE), jnp.float32),
        pltpu.VMEM((8, D_NODE), jnp.float32),
        pltpu.SemaphoreType.DMA,
        pltpu.SemaphoreType.DMA,
        pltpu.SemaphoreType.DMA,
    ],
    compiler_params=pltpu.CompilerParams(use_tc_tiling_on_sc=False),
)(_sc_ea_body)


TC_BLOCK = 1264
TC_STEPS = NPAD // TC_BLOCK


def _tc_body(aggx_ref, agge_ref, batch_ref, w1a_ref, w1b_ref,
             b1_ref, w2_ref, b2_ref, out_ref, sum_sc, cnt_sc):
    i = pl.program_id(0)
    ax = aggx_ref[0] + aggx_ref[1]
    ae = agge_ref[0] + agge_ref[1]
    h = jnp.dot(ax, w1a_ref[...], preferred_element_type=jnp.float32)
    h += jnp.dot(ae, w1b_ref[...], preferred_element_type=jnp.float32)
    h = jnp.maximum(h + b1_ref[...], 0.0)
    h2 = jnp.dot(h, w2_ref[...], preferred_element_type=jnp.float32) + b2_ref[...]
    bt = batch_ref[0, 0, :]
    oh = (bt[:, None] == lax.broadcasted_iota(jnp.int32, (1, N_GRAPHS), 1))
    oh = oh.astype(jnp.float32)
    psum = lax.dot_general(oh, h2, (((0,), (0,)), ((), ())),
                           preferred_element_type=jnp.float32)
    ones = jnp.ones((TC_BLOCK, 1), jnp.float32)
    pcnt = lax.dot_general(oh, ones, (((0,), (0,)), ((), ())),
                           preferred_element_type=jnp.float32)

    @pl.when(i == 0)
    def _():
        sum_sc[...] = psum
        cnt_sc[...] = pcnt

    @pl.when(i > 0)
    def _():
        sum_sc[...] += psum
        cnt_sc[...] += pcnt

    @pl.when(i == TC_STEPS - 1)
    def _():
        out_ref[...] = sum_sc[...] / jnp.maximum(cnt_sc[...], 1.0)


_tc_mlp_pool = pl.pallas_call(
    _tc_body,
    grid=(TC_STEPS,),
    in_specs=[
        pl.BlockSpec((NC, TC_BLOCK, D_NODE), lambda i: (0, i, 0)),
        pl.BlockSpec((NC, TC_BLOCK, D_EDGE), lambda i: (0, i, 0)),
        pl.BlockSpec((1, 1, TC_BLOCK), lambda i: (i, 0, 0)),
        pl.BlockSpec((D_NODE, D_HIDDEN), lambda i: (0, 0)),
        pl.BlockSpec((D_EDGE, D_HIDDEN), lambda i: (0, 0)),
        pl.BlockSpec((1, D_HIDDEN), lambda i: (0, 0)),
        pl.BlockSpec((D_HIDDEN, D_OUT), lambda i: (0, 0)),
        pl.BlockSpec((1, D_OUT), lambda i: (0, 0)),
    ],
    out_specs=pl.BlockSpec((N_GRAPHS, D_OUT), lambda i: (0, 0)),
    out_shape=jax.ShapeDtypeStruct((N_GRAPHS, D_OUT), jnp.float32),
    scratch_shapes=[
        pltpu.VMEM((N_GRAPHS, D_OUT), jnp.float32),
        pltpu.VMEM((N_GRAPHS, 1), jnp.float32),
    ],
    compiler_params=pltpu.CompilerParams(
        dimension_semantics=("arbitrary",)),
)


def kernel(x, edge_index, edge_attr, batch, W1, b1, W2, b2):
    src = edge_index[0].astype(jnp.int32)
    dst = edge_index[1].astype(jnp.int32)
    zx = jnp.zeros((RPW, D_NODE), jnp.float32)
    ze = jnp.zeros((RPW, D_EDGE), jnp.float32)

    aggx = _sc_scatter_x(src, dst, x, zx)
    agge = _sc_scatter_ea(dst, edge_attr, ze, aggx)

    batchp = jnp.full((NPAD,), N_GRAPHS, jnp.int32).at[:N_NODES].set(
        batch.astype(jnp.int32)).reshape(TC_STEPS, 1, TC_BLOCK)
    pooled = _tc_mlp_pool(aggx, agge, batchp, W1[:D_NODE], W1[D_NODE:],
                          b1.reshape(1, D_HIDDEN), W2, b2.reshape(1, D_OUT))
    return pooled

# --- scband reference (transcript-rebuilt; emitter-appended) ---
"""Pipeline reference for scband-mpnnencoder-18528488915135 (READ-ONLY COPY).

The authoritative reference and input builder live on the scoring server;
editing this copy changes nothing except your own understanding.
"""

import jax, jax.numpy as jnp
import numpy as np

N_NODES = 10000
N_EDGES = 320000
D_NODE = 128
D_EDGE = 16
D_HIDDEN = 128
D_OUT = 128
N_GRAPHS = 64


def setup_inputs(seed: int = 0) -> dict:
    key = jax.random.key(seed)
    k1, k2, k3, k4, k5, k6, k7, k8 = jax.random.split(key, 8)
    x = jax.random.normal(k1, (N_NODES, D_NODE), dtype=jnp.float32)
    edge_index = jax.random.randint(k2, (2, N_EDGES), 0, N_NODES, dtype=jnp.int64)
    edge_attr = jax.random.normal(k3, (N_EDGES, D_EDGE), dtype=jnp.float32)
    batch = jnp.sort(jax.random.randint(k4, (N_NODES,), 0, N_GRAPHS, dtype=jnp.int64))
    # Linear layer params (PyTorch default init scale)
    lim1 = 1.0 / np.sqrt(D_NODE + D_EDGE)
    W1 = jax.random.uniform(k5, (D_NODE + D_EDGE, D_HIDDEN), dtype=jnp.float32, minval=-lim1, maxval=lim1)
    b1 = jax.random.uniform(k6, (D_HIDDEN,), dtype=jnp.float32, minval=-lim1, maxval=lim1)
    lim2 = 1.0 / np.sqrt(D_HIDDEN)
    W2 = jax.random.uniform(k7, (D_HIDDEN, D_OUT), dtype=jnp.float32, minval=-lim2, maxval=lim2)
    b2 = jax.random.uniform(k8, (D_OUT,), dtype=jnp.float32, minval=-lim2, maxval=lim2)
    return {"x": x, "edge_index": edge_index, "edge_attr": edge_attr, "batch": batch,
            "W1": W1, "b1": b1, "W2": W2, "b2": b2}


def reference(x, edge_index, edge_attr, batch, W1, b1, W2, b2):
    src = edge_index[0]
    dst = edge_index[1]
    # MessagePassing(aggr='add'): message = concat(x_j, edge_attr), scatter-add to dst
    msg = jnp.concatenate([jnp.take(x, src, axis=0), edge_attr], axis=1)
    agg = jnp.zeros((x.shape[0], D_NODE + D_EDGE), dtype=msg.dtype).at[dst].add(msg)
    h = jax.nn.relu(agg @ W1 + b1)
    h = h @ W2 + b2
    # global_mean_pool over graph assignment `batch`
    sums = jax.ops.segment_sum(h, batch, num_segments=N_GRAPHS)
    counts = jnp.bincount(batch, length=N_GRAPHS).astype(h.dtype)
    pooled = sums / jnp.maximum(counts, 1.0)[:, None]
    return pooled

if __name__ == "__main__":
    import jax
    _d = setup_inputs()
    print(jax.jit(kernel)(*tuple(_d.values())))

</pallas_src>

<mosaic_0001>
#map = affine_map<(d0, d1) -> (0)>
#map1 = affine_map<(d0, d1) -> (0, 0)>
#map2 = affine_map<(d0, d1) -> (0, 0, 0)>
module attributes {stable_mosaic.version = 14 : i64} {
  func.func @_sc_ea_body(%arg0: i32, %arg1: i32, %arg2: memref<320000xi32, #tpu.memory_space<hbm>>, %arg3: memref<320000x16xf32, #tpu.memory_space<hbm>>, %arg4: memref<632x16xf32, #tpu.memory_space<hbm>>, %arg5: memref<2x10112x128xf32, #tpu.memory_space<hbm>>, %arg6: memref<2x10112x16xf32, #tpu.memory_space<hbm>>, %arg7: memref<3x128xi32, #tpu.memory_space<vmem>>, %arg8: memref<3x128x16xf32, #tpu.memory_space<vmem>>, %arg9: memref<10112x16xf32, #tpu.memory_space<vmem_shared>>, %arg10: memref<8x128xf32, #tpu.memory_space<vmem>>, %arg11: memref<!tpu.dma_semaphore, #tpu.memory_space<semaphore_mem>>, %arg12: memref<!tpu.dma_semaphore, #tpu.memory_space<semaphore_mem>>, %arg13: memref<!tpu.dma_semaphore, #tpu.memory_space<semaphore_mem>>) attributes {dimension_semantics = [#tpu.dimension_semantics<core_parallel>, #tpu.dimension_semantics<subcore_parallel>], iteration_bounds = array<i64: 2, 16>, scalar_prefetch = 0 : i64, scratch_operands = 7 : i64, tpu.core_type = #tpu.core_type<sc_vector_subcore>, window_params = [{transform_indices = #map}, {transform_indices = #map1}, {transform_indices = #map1}, {transform_indices = #map2}, {transform_indices = #map2}]} {
    %mul3A = arith.constant 2 : i32
    %mul3A_0 = arith.muli %arg1, %mul3A : i32
    %add3A = arith.addi %mul3A_0, %arg0 : i32
    %run_scoped3A = arith.constant 0 : i32
    "tpu.region"() ({
      %run_scoped3A_51 = tpu.sem_alloc : memref<!tpu.dma_semaphore, #tpu.memory_space<semaphore_mem>>
      %dma_start3A_52 = arith.constant 0 : i32
      %dma_start3A_53 = arith.constant 0 : i32
      %dma_start3A_54 = tpu.memref_slice %arg5[%run_scoped3A, %dma_start3A_52, %dma_start3A_53] : memref<2x10112x128xf32, #tpu.memory_space<hbm>> -> memref<1x8x128xf32, #tpu.memory_space<hbm>>
      %dma_start3A_55 = tpu.memref_squeeze %dma_start3A_54 : memref<1x8x128xf32, #tpu.memory_space<hbm>> -> memref<8x128xf32, #tpu.memory_space<hbm>>
      %dma_start3A_56 = arith.constant 0 : i32
      %dma_start3A_57 = arith.constant 0 : i32
      %dma_start3A_58 = tpu.memref_slice %arg5[%run_scoped3A, %dma_start3A_56, %dma_start3A_57] : memref<2x10112x128xf32, #tpu.memory_space<hbm>> -> memref<1x8x128xf32, #tpu.memory_space<hbm>>
      %dma_start3A_59 = tpu.memref_squeeze %dma_start3A_58 : memref<1x8x128xf32, #tpu.memory_space<hbm>> -> memref<8x128xf32, #tpu.memory_space<hbm>>
      tpu.enqueue_dma source(%dma_start3A_59 : memref<8x128xf32, #tpu.memory_space<hbm>>) target(%arg10 : memref<8x128xf32, #tpu.memory_space<vmem>>) target_semaphore(%run_scoped3A_51 : memref<!tpu.dma_semaphore, #tpu.memory_space<semaphore_mem>>)
      %dma_wait3A = arith.constant 0 : i32
      %dma_wait3A_60 = arith.constant 0 : i32
      %dma_wait3A_61 = tpu.memref_slice %arg5[%run_scoped3A, %dma_wait3A, %dma_wait3A_60] : memref<2x10112x128xf32, #tpu.memory_space<hbm>> -> memref<1x8x128xf32, #tpu.memory_space<hbm>>
      %dma_wait3A_62 = tpu.memref_squeeze %dma_wait3A_61 : memref<1x8x128xf32, #tpu.memory_space<hbm>> -> memref<8x128xf32, #tpu.memory_space<hbm>>
      %dma_wait3A_63 = arith.constant 0 : i32
      %dma_wait3A_64 = arith.constant 0 : i32
      %dma_wait3A_65 = tpu.memref_slice %arg5[%run_scoped3A, %dma_wait3A_63, %dma_wait3A_64] : memref<2x10112x128xf32, #tpu.memory_space<hbm>> -> memref<1x8x128xf32, #tpu.memory_space<hbm>>
      %dma_wait3A_66 = tpu.memref_squeeze %dma_wait3A_65 : memref<1x8x128xf32, #tpu.memory_space<hbm>> -> memref<8x128xf32, #tpu.memory_space<hbm>>
      tpu.wait_dma2 semaphore(%run_scoped3A_51 : memref<!tpu.dma_semaphore, #tpu.memory_space<semaphore_mem>>) src(%dma_wait3A_66 : memref<8x128xf32, #tpu.memory_space<hbm>>) dst(%arg10 : memref<8x128xf32, #tpu.memory_space<vmem>>)
      tpu.yield
    }) : () -> ()
    %mul3A_1 = arith.constant 632 : i32
    %mul3A_2 = arith.muli %arg1, %mul3A_1 : i32
    "tpu.region"() ({
      %run_scoped3A_51 = tpu.sem_alloc : memref<!tpu.dma_semaphore, #tpu.memory_space<semaphore_mem>>
      %dma_start3A_52 = arith.constant 0 : i32
      %dma_start3A_53 = tpu.memref_slice %arg9[%mul3A_2, %dma_start3A_52] : memref<10112x16xf32, #tpu.memory_space<vmem_shared>> -> memref<632x16xf32, #tpu.memory_space<vmem_shared>>
      tpu.enqueue_dma source(%arg4 : memref<632x16xf32, #tpu.memory_space<hbm>>) target(%dma_start3A_53 : memref<632x16xf32, #tpu.memory_space<vmem_shared>>) target_semaphore(%run_scoped3A_51 : memref<!tpu.dma_semaphore, #tpu.memory_space<semaphore_mem>>)
      %dma_wait3A = arith.constant 0 : i32
      %dma_wait3A_54 = tpu.memref_slice %arg9[%mul3A_2, %dma_wait3A] : memref<10112x16xf32, #tpu.memory_space<vmem_shared>> -> memref<632x16xf32, #tpu.memory_space<vmem_shared>>
      tpu.wait_dma2 semaphore(%run_scoped3A_51 : memref<!tpu.dma_semaphore, #tpu.memory_space<semaphore_mem>>) src(%arg4 : memref<632x16xf32, #tpu.memory_space<hbm>>) dst(%dma_wait3A_54 : memref<632x16xf32, #tpu.memory_space<vmem_shared>>)
      tpu.yield
    }) : () -> ()
    %barrier3A = arith.constant 0 : index
    tpu.barrier barrier_id(%barrier3A)
    %mul3A_3 = arith.constant 128 : i32
    %mul3A_4 = arith.muli %add3A, %mul3A_3 : i32
    %add3A_5 = arith.constant 0 : i32
    %add3A_6 = arith.addi %add3A_5, %mul3A_4 : i32
    %multiple_of3A = tpu.assume_multiple %add3A_6, 128 : i32
    %run_scoped3A_7 = arith.constant 0 : i32
    "tpu.region"() ({
      %run_scoped3A_51 = tpu.sem_alloc : memref<!tpu.dma_semaphore, #tpu.memory_space<semaphore_mem>>
      %dma_start3A_52 = arith.constant 0 : i32
      %dma_start3A_53 = tpu.memref_slice %arg7[%run_scoped3A_7, %dma_start3A_52] : memref<3x128xi32, #tpu.memory_space<vmem>> -> memref<1x128xi32, #tpu.memory_space<vmem>>
      %dma_start3A_54 = tpu.memref_squeeze %dma_start3A_53 : memref<1x128xi32, #tpu.memory_space<vmem>> -> memref<128xi32, #tpu.memory_space<vmem>>
      %dma_start3A_55 = tpu.memref_slice %arg2[%multiple_of3A] : memref<320000xi32, #tpu.memory_space<hbm>> -> memref<128xi32, #tpu.memory_space<hbm>>
      %dma_start3A_56 = arith.constant 0 : i32
      %dma_start3A_57 = tpu.memref_slice %arg7[%run_scoped3A_7, %dma_start3A_56] : memref<3x128xi32, #tpu.memory_space<vmem>> -> memref<1x128xi32, #tpu.memory_space<vmem>>
      %dma_start3A_58 = tpu.memref_squeeze %dma_start3A_57 : memref<1x128xi32, #tpu.memory_space<vmem>> -> memref<128xi32, #tpu.memory_space<vmem>>
      %dma_start3A_59 = tpu.memref_slice %arg2[%multiple_of3A] : memref<320000xi32, #tpu.memory_space<hbm>> -> memref<128xi32, #tpu.memory_space<hbm>>
      tpu.enqueue_dma source(%dma_start3A_59 : memref<128xi32, #tpu.memory_space<hbm>>) target(%dma_start3A_58 : memref<128xi32, #tpu.memory_space<vmem>>) target_semaphore(%run_scoped3A_51 : memref<!tpu.dma_semaphore, #tpu.memory_space<semaphore_mem>>)
      %dma_wait3A = arith.constant 0 : i32
      %dma_wait3A_60 = tpu.memref_slice %arg7[%run_scoped3A_7, %dma_wait3A] : memref<3x128xi32, #tpu.memory_space<vmem>> -> memref<1x128xi32, #tpu.memory_space<vmem>>
      %dma_wait3A_61 = tpu.memref_squeeze %dma_wait3A_60 : memref<1x128xi32, #tpu.memory_space<vmem>> -> memref<128xi32, #tpu.memory_space<vmem>>
      %dma_wait3A_62 = tpu.memref_slice %arg2[%multiple_of3A] : memref<320000xi32, #tpu.memory_space<hbm>> -> memref<128xi32, #tpu.memory_space<hbm>>
      %dma_wait3A_63 = arith.constant 0 : i32
      %dma_wait3A_64 = tpu.memref_slice %arg7[%run_scoped3A_7, %dma_wait3A_63] : memref<3x128xi32, #tpu.memory_space<vmem>> -> memref<1x128xi32, #tpu.memory_space<vmem>>
      %dma_wait3A_65 = tpu.memref_squeeze %dma_wait3A_64 : memref<1x128xi32, #tpu.memory_space<vmem>> -> memref<128xi32, #tpu.memory_space<vmem>>
      %dma_wait3A_66 = tpu.memref_slice %arg2[%multiple_of3A] : memref<320000xi32, #tpu.memory_space<hbm>> -> memref<128xi32, #tpu.memory_space<hbm>>
      tpu.wait_dma2 semaphore(%run_scoped3A_51 : memref<!tpu.dma_semaphore, #tpu.memory_space<semaphore_mem>>) src(%dma_wait3A_66 : memref<128xi32, #tpu.memory_space<hbm>>) dst(%dma_wait3A_65 : memref<128xi32, #tpu.memory_space<vmem>>)
      tpu.yield
    }) : () -> ()
    %dma_start3A = arith.constant 0 : i32
    %dma_start3A_8 = arith.constant 0 : i32
    %dma_start3A_9 = arith.constant 0 : i32
    %dma_start3A_10 = tpu.memref_slice %arg8[%dma_start3A, %dma_start3A_8, %dma_start3A_9] : memref<3x128x16xf32, #tpu.memory_space<vmem>> -> memref<1x128x16xf32, #tpu.memory_space<vmem>>
    %dma_start3A_11 = tpu.memref_squeeze %dma_start3A_10 : memref<1x128x16xf32, #tpu.memory_space<vmem>> -> memref<128x16xf32, #tpu.memory_space<vmem>>
    %dma_start3A_12 = arith.constant 0 : i32
    %dma_start3A_13 = tpu.memref_slice %arg3[%multiple_of3A, %dma_start3A_12] : memref<320000x16xf32, #tpu.memory_space<hbm>> -> memref<128x16xf32, #tpu.memory_space<hbm>>
    %dma_start3A_14 = arith.constant 0 : i32
    %dma_start3A_15 = arith.constant 0 : i32
    %dma_start3A_16 = tpu.memref_slice %arg8[%dma_start3A, %dma_start3A_14, %dma_start3A_15] : memref<3x128x16xf32, #tpu.memory_space<vmem>> -> memref<1x128x16xf32, #tpu.memory_space<vmem>>
    %dma_start3A_17 = tpu.memref_squeeze %dma_start3A_16 : memref<1x128x16xf32, #tpu.memory_space<vmem>> -> memref<128x16xf32, #tpu.memory_space<vmem>>
    %dma_start3A_18 = arith.constant 0 : i32
    %dma_start3A_19 = tpu.memref_slice %arg3[%multiple_of3A, %dma_start3A_18] : memref<320000x16xf32, #tpu.memory_space<hbm>> -> memref<128x16xf32, #tpu.memory_space<hbm>>
    tpu.enqueue_dma source(%dma_start3A_19 : memref<128x16xf32, #tpu.memory_space<hbm>>) target(%dma_start3A_17 : memref<128x16xf32, #tpu.memory_space<vmem>>) target_semaphore(%arg11 : memref<!tpu.dma_semaphore, #tpu.memory_space<semaphore_mem>>)
    %mul3A_20 = arith.constant 128 : i32
    %mul3A_21 = arith.muli %add3A, %mul3A_20 : i32
    %add3A_22 = arith.constant 4096 : i32
    %add3A_23 = arith.addi %add3A_22, %mul3A_21 : i32
    %multiple_of3A_24 = tpu.assume_multiple %add3A_23, 128 : i32
    %run_scoped3A_25 = arith.constant 1 : i32
    "tpu.region"() ({
      %run_scoped3A_51 = tpu.sem_alloc : memref<!tpu.dma_semaphore, #tpu.memory_space<semaphore_mem>>
      %dma_start3A_52 = arith.constant 0 : i32
      %dma_start3A_53 = tpu.memref_slice %arg7[%run_scoped3A_25, %dma_start3A_52] : memref<3x128xi32, #tpu.memory_space<vmem>> -> memref<1x128xi32, #tpu.memory_space<vmem>>
      %dma_start3A_54 = tpu.memref_squeeze %dma_start3A_53 : memref<1x128xi32, #tpu.memory_space<vmem>> -> memref<128xi32, #tpu.memory_space<vmem>>
      %dma_start3A_55 = tpu.memref_slice %arg2[%multiple_of3A_24] : memref<320000xi32, #tpu.memory_space<hbm>> -> memref<128xi32, #tpu.memory_space<hbm>>
      %dma_start3A_56 = arith.constant 0 : i32
      %dma_start3A_57 = tpu.memref_slice %arg7[%run_scoped3A_25, %dma_start3A_56] : memref<3x128xi32, #tpu.memory_space<vmem>> -> memref<1x128xi32, #tpu.memory_space<vmem>>
      %dma_start3A_58 = tpu.memref_squeeze %dma_start3A_57 : memref<1x128xi32, #tpu.memory_space<vmem>> -> memref<128xi32, #tpu.memory_space<vmem>>
      %dma_start3A_59 = tpu.memref_slice %arg2[%multiple_of3A_24] : memref<320000xi32, #tpu.memory_space<hbm>> -> memref<128xi32, #tpu.memory_space<hbm>>
      tpu.enqueue_dma source(%dma_start3A_59 : memref<128xi32, #tpu.memory_space<hbm>>) target(%dma_start3A_58 : memref<128xi32, #tpu.memory_space<vmem>>) target_semaphore(%run_scoped3A_51 : memref<!tpu.dma_semaphore, #tpu.memory_space<semaphore_mem>>)
      %dma_wait3A = arith.constant 0 : i32
      %dma_wait3A_60 = tpu.memref_slice %arg7[%run_scoped3A_25, %dma_wait3A] : memref<3x128xi32, #tpu.memory_space<vmem>> -> memref<1x128xi32, #tpu.memory_space<vmem>>
      %dma_wait3A_61 = tpu.memref_squeeze %dma_wait3A_60 : memref<1x128xi32, #tpu.memory_space<vmem>> -> memref<128xi32, #tpu.memory_space<vmem>>
      %dma_wait3A_62 = tpu.memref_slice %arg2[%multiple_of3A_24] : memref<320000xi32, #tpu.memory_space<hbm>> -> memref<128xi32, #tpu.memory_space<hbm>>
      %dma_wait3A_63 = arith.constant 0 : i32
      %dma_wait3A_64 = tpu.memref_slice %arg7[%run_scoped3A_25, %dma_wait3A_63] : memref<3x128xi32, #tpu.memory_space<vmem>> -> memref<1x128xi32, #tpu.memory_space<vmem>>
      %dma_wait3A_65 = tpu.memref_squeeze %dma_wait3A_64 : memref<1x128xi32, #tpu.memory_space<vmem>> -> memref<128xi32, #tpu.memory_space<vmem>>
      %dma_wait3A_66 = tpu.memref_slice %arg2[%multiple_of3A_24] : memref<320000xi32, #tpu.memory_space<hbm>> -> memref<128xi32, #tpu.memory_space<hbm>>
      tpu.wait_dma2 semaphore(%run_scoped3A_51 : memref<!tpu.dma_semaphore, #tpu.memory_space<semaphore_mem>>) src(%dma_wait3A_66 : memref<128xi32, #tpu.memory_space<hbm>>) dst(%dma_wait3A_65 : memref<128xi32, #tpu.memory_space<vmem>>)
      tpu.yield
    }) : () -> ()
    %dma_start3A_26 = arith.constant 1 : i32
    %dma_start3A_27 = arith.constant 0 : i32
    %dma_start3A_28 = arith.constant 0 : i32
    %dma_start3A_29 = tpu.memref_slice %arg8[%dma_start3A_26, %dma_start3A_27, %dma_start3A_28] : memref<3x128x16xf32, #tpu.memory_space<vmem>> -> memref<1x128x16xf32, #tpu.memory_space<vmem>>
    %dma_start3A_30 = tpu.memref_squeeze %dma_start3A_29 : memref<1x128x16xf32, #tpu.memory_space<vmem>> -> memref<128x16xf32, #tpu.memory_space<vmem>>
    %dma_start3A_31 = arith.constant 0 : i32
    %dma_start3A_32 = tpu.memref_slice %arg3[%multiple_of3A_24, %dma_start3A_31] : memref<320000x16xf32, #tpu.memory_space<hbm>> -> memref<128x16xf32, #tpu.memory_space<hbm>>
    %dma_start3A_33 = arith.constant 0 : i32
    %dma_start3A_34 = arith.constant 0 : i32
    %dma_start3A_35 = tpu.memref_slice %arg8[%dma_start3A_26, %dma_start3A_33, %dma_start3A_34] : memref<3x128x16xf32, #tpu.memory_space<vmem>> -> memref<1x128x16xf32, #tpu.memory_space<vmem>>
    %dma_start3A_36 = tpu.memref_squeeze %dma_start3A_35 : memref<1x128x16xf32, #tpu.memory_space<vmem>> -> memref<128x16xf32, #tpu.memory_space<vmem>>
    %dma_start3A_37 = arith.constant 0 : i32
    %dma_start3A_38 = tpu.memref_slice %arg3[%multiple_of3A_24, %dma_start3A_37] : memref<320000x16xf32, #tpu.memory_space<hbm>> -> memref<128x16xf32, #tpu.memory_space<hbm>>
    tpu.enqueue_dma source(%dma_start3A_38 : memref<128x16xf32, #tpu.memory_space<hbm>>) target(%dma_start3A_36 : memref<128x16xf32, #tpu.memory_space<vmem>>) target_semaphore(%arg12 : memref<!tpu.dma_semaphore, #tpu.memory_space<semaphore_mem>>)
    %scan3A = arith.constant 0 : i32
    %scan3A_39 = arith.constant 0 : i32
    %scan3A_40 = arith.constant 26 : i32
    %scan3A_41 = arith.addi %scan3A_39, %scan3A_40 : i32
    %scan3A_42 = arith.constant 1 : i32
    scf.for %scan3A_51 = %scan3A_39 to %scan3A_41 step %scan3A_42  : i32 {
      %mul3A_52 = arith.constant 3 : i32
      %mul3A_53 = arith.muli %mul3A_52, %scan3A_51 : i32
      %add3A_54 = arith.constant 0 : i32
      %add3A_55 = arith.addi %mul3A_53, %add3A_54 : i32
      %add3A_56 = arith.constant 2 : i32
      %add3A_57 = arith.addi %add3A_55, %add3A_56 : i32
      %lt3A_58 = arith.constant 78 : i32
      %lt3A_59 = arith.cmpi slt, %add3A_57, %lt3A_58 : i32
      %convert_element_type3A_60 = arith.extui %lt3A_59 : i1 to i32
      %cond3A_61 = arith.constant 0 : i32
      %cond3A_62 = arith.cmpi ne, %convert_element_type3A_60, %cond3A_61 : i32
      scf.if %cond3A_62 {
        %add3A_135 = arith.constant 2 : i32
        %add3A_136 = arith.addi %add3A_55, %add3A_135 : i32
        %mul3A_137 = arith.constant 4096 : i32
        %mul3A_138 = arith.muli %add3A_136, %mul3A_137 : i32
        %mul3A_139 = arith.constant 128 : i32
        %mul3A_140 = arith.muli %add3A, %mul3A_139 : i32
        %add3A_141 = arith.addi %mul3A_138, %mul3A_140 : i32
        %multiple_of3A_142 = tpu.assume_multiple %add3A_141, 128 : i32
        %run_scoped3A_143 = arith.constant 2 : i32
        "tpu.region"() ({
          %run_scoped3A_157 = tpu.sem_alloc : memref<!tpu.dma_semaphore, #tpu.memory_space<semaphore_mem>>
          %dma_start3A_158 = arith.constant 0 : i32
          %dma_start3A_159 = tpu.memref_slice %arg7[%run_scoped3A_143, %dma_start3A_158] : memref<3x128xi32, #tpu.memory_space<vmem>> -> memref<1x128xi32, #tpu.memory_space<vmem>>
          %dma_start3A_160 = tpu.memref_squeeze %dma_start3A_159 : memref<1x128xi32, #tpu.memory_space<vmem>> -> memref<128xi32, #tpu.memory_space<vmem>>
          %dma_start3A_161 = tpu.memref_slice %arg2[%multiple_of3A_142] : memref<320000xi32, #tpu.memory_space<hbm>> -> memref<128xi32, #tpu.memory_space<hbm>>
          %dma_start3A_162 = arith.constant 0 : i32
          %dma_start3A_163 = tpu.memref_slice %arg7[%run_scoped3A_143, %dma_start3A_162] : memref<3x128xi32, #tpu.memory_space<vmem>> -> memref<1x128xi32, #tpu.memory_space<vmem>>
          %dma_start3A_164 = tpu.memref_squeeze %dma_start3A_163 : memref<1x128xi32, #tpu.memory_space<vmem>> -> memref<128xi32, #tpu.memory_space<vmem>>
          %dma_start3A_165 = tpu.memref_slice %arg2[%multiple_of3A_142] : memref<320000xi32, #tpu.memory_space<hbm>> -> memref<128xi32, #tpu.memory_space<hbm>>
          tpu.enqueue_dma source(%dma_start3A_165 : memref<128xi32, #tpu.memory_space<hbm>>) target(%dma_start3A_164 : memref<128xi32, #tpu.memory_space<vmem>>) target_semaphore(%run_scoped3A_157 : memref<!tpu.dma_semaphore, #tpu.memory_space<semaphore_mem>>)
          %dma_wait3A_166 = arith.constant 0 : i32
          %dma_wait3A_167 = tpu.memref_slice %arg7[%run_scoped3A_143, %dma_wait3A_166] : memref<3x128xi32, #tpu.memory_space<vmem>> -> memref<1x128xi32, #tpu.memory_space<vmem>>
          %dma_wait3A_168 = tpu.memref_squeeze %dma_wait3A_167 : memref<1x128xi32, #tpu.memory_space<vmem>> -> memref<128xi32, #tpu.memory_space<vmem>>
          %dma_wait3A_169 = tpu.memref_slice %arg2[%multiple_of3A_142] : memref<320000xi32, #tpu.memory_space<hbm>> -> memref<128xi32, #tpu.memory_space<hbm>>
          %dma_wait3A_170 = arith.constant 0 : i32
          %dma_wait3A_171 = tpu.memref_slice %arg7[%run_scoped3A_143, %dma_wait3A_170] : memref<3x128xi32, #tpu.memory_space<vmem>> -> memref<1x128xi32, #tpu.memory_space<vmem>>
          %dma_wait3A_172 = tpu.memref_squeeze %dma_wait3A_171 : memref<1x128xi32, #tpu.memory_space<vmem>> -> memref<128xi32, #tpu.memory_space<vmem>>
          %dma_wait3A_173 = tpu.memref_slice %arg2[%multiple_of3A_142] : memref<320000xi32, #tpu.memory_space<hbm>> -> memref<128xi32, #tpu.memory_space<hbm>>
          tpu.wait_dma2 semaphore(%run_scoped3A_157 : memref<!tpu.dma_semaphore, #tpu.memory_space<semaphore_mem>>) src(%dma_wait3A_173 : memref<128xi32, #tpu.memory_space<hbm>>) dst(%dma_wait3A_172 : memref<128xi32, #tpu.memory_space<vmem>>)
          tpu.yield
        }) : () -> ()
        %dma_start3A_144 = arith.constant 2 : i32
        %dma_start3A_145 = arith.constant 0 : i32
        %dma_start3A_146 = arith.constant 0 : i32
        %dma_start3A_147 = tpu.memref_slice %arg8[%dma_start3A_144, %dma_start3A_145, %dma_start3A_146] : memref<3x128x16xf32, #tpu.memory_space<vmem>> -> memref<1x128x16xf32, #tpu.memory_space<vmem>>
        %dma_start3A_148 = tpu.memref_squeeze %dma_start3A_147 : memref<1x128x16xf32, #tpu.memory_space<vmem>> -> memref<128x16xf32, #tpu.memory_space<vmem>>
        %dma_start3A_149 = arith.constant 0 : i32
        %dma_start3A_150 = tpu.memref_slice %arg3[%multiple_of3A_142, %dma_start3A_149] : memref<320000x16xf32, #tpu.memory_space<hbm>> -> memref<128x16xf32, #tpu.memory_space<hbm>>
        %dma_start3A_151 = arith.constant 0 : i32
        %dma_start3A_152 = arith.constant 0 : i32
        %dma_start3A_153 = tpu.memref_slice %arg8[%dma_start3A_144, %dma_start3A_151, %dma_start3A_152] : memref<3x128x16xf32, #tpu.memory_space<vmem>> -> memref<1x128x16xf32, #tpu.memory_space<vmem>>
        %dma_start3A_154 = tpu.memref_squeeze %dma_start3A_153 : memref<1x128x16xf32, #tpu.memory_space<vmem>> -> memref<128x16xf32, #tpu.memory_space<vmem>>
        %dma_start3A_155 = arith.constant 0 : i32
        %dma_start3A_156 = tpu.memref_slice %arg3[%multiple_of3A_142, %dma_start3A_155] : memref<320000x16xf32, #tpu.memory_space<hbm>> -> memref<128x16xf32, #tpu.memory_space<hbm>>
        tpu.enqueue_dma source(%dma_start3A_156 : memref<128x16xf32, #tpu.memory_space<hbm>>) target(%dma_start3A_154 : memref<128x16xf32, #tpu.memory_space<vmem>>) target_semaphore(%arg13 : memref<!tpu.dma_semaphore, #tpu.memory_space<semaphore_mem>>)
      } else {
      }
      %dma_wait3A = arith.constant 0 : i32
      %dma_wait3A_63 = arith.constant 0 : i32
      %dma_wait3A_64 = arith.constant 0 : i32
      %dma_wait3A_65 = tpu.memref_slice %arg8[%dma_wait3A, %dma_wait3A_63, %dma_wait3A_64] : memref<3x128x16xf32, #tpu.memory_space<vmem>> -> memref<1x128x16xf32, #tpu.memory_space<vmem>>
      %dma_wait3A_66 = tpu.memref_squeeze %dma_wait3A_65 : memref<1x128x16xf32, #tpu.memory_space<vmem>> -> memref<128x16xf32, #tpu.memory_space<vmem>>
      %dma_wait3A_67 = arith.constant 0 : i32
      %dma_wait3A_68 = arith.constant 0 : i32
      %dma_wait3A_69 = tpu.memref_slice %arg3[%dma_wait3A_67, %dma_wait3A_68] : memref<320000x16xf32, #tpu.memory_space<hbm>> -> memref<128x16xf32, #tpu.memory_space<hbm>>
      %dma_wait3A_70 = arith.constant 0 : i32
      %dma_wait3A_71 = arith.constant 0 : i32
      %dma_wait3A_72 = tpu.memref_slice %arg8[%dma_wait3A, %dma_wait3A_70, %dma_wait3A_71] : memref<3x128x16xf32, #tpu.memory_space<vmem>> -> memref<1x128x16xf32, #tpu.memory_space<vmem>>
      %dma_wait3A_73 = tpu.memref_squeeze %dma_wait3A_72 : memref<1x128x16xf32, #tpu.memory_space<vmem>> -> memref<128x16xf32, #tpu.memory_space<vmem>>
      %dma_wait3A_74 = arith.constant 0 : i32
      %dma_wait3A_75 = arith.constant 0 : i32
      %dma_wait3A_76 = tpu.memref_slice %arg3[%dma_wait3A_74, %dma_wait3A_75] : memref<320000x16xf32, #tpu.memory_space<hbm>> -> memref<128x16xf32, #tpu.memory_space<hbm>>
      tpu.wait_dma2 semaphore(%arg11 : memref<!tpu.dma_semaphore, #tpu.memory_space<semaphore_mem>>) src(%dma_wait3A_76 : memref<128x16xf32, #tpu.memory_space<hbm>>) dst(%dma_wait3A_73 : memref<128x16xf32, #tpu.memory_space<vmem>>)
      %run_scoped3A_77 = arith.constant 0 : i32
      %run_scoped3A_78 = arith.constant 0 : i32
      "tpu.region"() ({
        %run_scoped3A_135 = tpu.sem_alloc : memref<!tpu.dma_semaphore, #tpu.memory_space<semaphore_mem>>
        %dma_start3A_136 = arith.constant 0 : i32
        %dma_start3A_137 = arith.constant 0 : i32
        %dma_start3A_138 = tpu.memref_slice %arg8[%run_scoped3A_77, %dma_start3A_136, %dma_start3A_137] : memref<3x128x16xf32, #tpu.memory_space<vmem>> -> memref<1x128x16xf32, #tpu.memory_space<vmem>>
        %dma_start3A_139 = tpu.memref_squeeze %dma_start3A_138 : memref<1x128x16xf32, #tpu.memory_space<vmem>> -> memref<128x16xf32, #tpu.memory_space<vmem>>
        %dma_start3A_140 = arith.constant 0 : i32
        %dma_start3A_141 = tpu.memref_slice %arg7[%run_scoped3A_78, %dma_start3A_140] : memref<3x128xi32, #tpu.memory_space<vmem>> -> memref<1x128xi32, #tpu.memory_space<vmem>>
        %dma_start3A_142 = tpu.memref_squeeze %dma_start3A_141 : memref<1x128xi32, #tpu.memory_space<vmem>> -> memref<128xi32, #tpu.memory_space<vmem>>
        %dma_start3A_143 = arith.constant 0 : i32
        %dma_start3A_144 = arith.constant 0 : i32
        %dma_start3A_145 = tpu.memref_slice %arg9[%dma_start3A_143, %dma_start3A_144] : memref<10112x16xf32, #tpu.memory_space<vmem_shared>> -> memref<10112x16xf32, #tpu.memory_space<vmem_shared>>
        tpu.enqueue_indirect_dma source(%dma_start3A_139 : memref<128x16xf32, #tpu.memory_space<vmem>>) target(%dma_start3A_145 : memref<10112x16xf32, #tpu.memory_space<vmem_shared>>) offsets(%dma_start3A_142 : memref<128xi32, #tpu.memory_space<vmem>>) semaphore(%run_scoped3A_135 : memref<!tpu.dma_semaphore, #tpu.memory_space<semaphore_mem>>) {add = true}
        %dma_wait3A_146 = arith.constant 0 : i32
        %dma_wait3A_147 = arith.constant 0 : i32
        %dma_wait3A_148 = tpu.memref_slice %arg8[%run_scoped3A_77, %dma_wait3A_146, %dma_wait3A_147] : memref<3x128x16xf32, #tpu.memory_space<vmem>> -> memref<1x128x16xf32, #tpu.memory_space<vmem>>
        %dma_wait3A_149 = tpu.memref_squeeze %dma_wait3A_148 : memref<1x128x16xf32, #tpu.memory_space<vmem>> -> memref<128x16xf32, #tpu.memory_space<vmem>>
        %dma_wait3A_150 = arith.constant 0 : i32
        %dma_wait3A_151 = tpu.memref_slice %arg7[%run_scoped3A_78, %dma_wait3A_150] : memref<3x128xi32, #tpu.memory_space<vmem>> -> memref<1x128xi32, #tpu.memory_space<vmem>>
        %dma_wait3A_152 = tpu.memref_squeeze %dma_wait3A_151 : memref<1x128xi32, #tpu.memory_space<vmem>> -> memref<128xi32, #tpu.memory_space<vmem>>
        %dma_wait3A_153 = arith.constant 0 : i32
        %dma_wait3A_154 = arith.constant 0 : i32
        %dma_wait3A_155 = tpu.memref_slice %arg9[%dma_wait3A_153, %dma_wait3A_154] : memref<10112x16xf32, #tpu.memory_space<vmem_shared>> -> memref<10112x16xf32, #tpu.memory_space<vmem_shared>>
        tpu.wait_indirect_dma semaphore(%run_scoped3A_135 : memref<!tpu.dma_semaphore, #tpu.memory_space<semaphore_mem>>) src(%dma_wait3A_149 : memref<128x16xf32, #tpu.memory_space<vmem>>) dst(%dma_wait3A_155 : memref<10112x16xf32, #tpu.memory_space<vmem_shared>>)
        tpu.yield
      }) : () -> ()
      %mul3A_79 = arith.constant 3 : i32
      %mul3A_80 = arith.muli %mul3A_79, %scan3A_51 : i32
      %add3A_81 = arith.constant 1 : i32
      %add3A_82 = arith.addi %mul3A_80, %add3A_81 : i32
      %add3A_83 = arith.constant 2 : i32
      %add3A_84 = arith.addi %add3A_82, %add3A_83 : i32
      %lt3A_85 = arith.constant 78 : i32
      %lt3A_86 = arith.cmpi slt, %add3A_84, %lt3A_85 : i32
      %convert_element_type3A_87 = arith.extui %lt3A_86 : i1 to i32
      %cond3A_88 = arith.constant 0 : i32
      %cond3A_89 = arith.cmpi ne, %convert_element_type3A_87, %cond3A_88 : i32
      scf.if %cond3A_89 {
        %add3A_135 = arith.constant 2 : i32
        %add3A_136 = arith.addi %add3A_82, %add3A_135 : i32
        %mul3A_137 = arith.constant 4096 : i32
        %mul3A_138 = arith.muli %add3A_136, %mul3A_137 : i32
        %mul3A_139 = arith.constant 128 : i32
        %mul3A_140 = arith.muli %add3A, %mul3A_139 : i32
        %add3A_141 = arith.addi %mul3A_138, %mul3A_140 : i32
        %multiple_of3A_142 = tpu.assume_multiple %add3A_141, 128 : i32
        %run_scoped3A_143 = arith.constant 0 : i32
        "tpu.region"() ({
          %run_scoped3A_157 = tpu.sem_alloc : memref<!tpu.dma_semaphore, #tpu.memory_space<semaphore_mem>>
          %dma_start3A_158 = arith.constant 0 : i32
          %dma_start3A_159 = tpu.memref_slice %arg7[%run_scoped3A_143, %dma_start3A_158] : memref<3x128xi32, #tpu.memory_space<vmem>> -> memref<1x128xi32, #tpu.memory_space<vmem>>
          %dma_start3A_160 = tpu.memref_squeeze %dma_start3A_159 : memref<1x128xi32, #tpu.memory_space<vmem>> -> memref<128xi32, #tpu.memory_space<vmem>>
          %dma_start3A_161 = tpu.memref_slice %arg2[%multiple_of3A_142] : memref<320000xi32, #tpu.memory_space<hbm>> -> memref<128xi32, #tpu.memory_space<hbm>>
          %dma_start3A_162 = arith.constant 0 : i32
          %dma_start3A_163 = tpu.memref_slice %arg7[%run_scoped3A_143, %dma_start3A_162] : memref<3x128xi32, #tpu.memory_space<vmem>> -> memref<1x128xi32, #tpu.memory_space<vmem>>
          %dma_start3A_164 = tpu.memref_squeeze %dma_start3A_163 : memref<1x128xi32, #tpu.memory_space<vmem>> -> memref<128xi32, #tpu.memory_space<vmem>>
          %dma_start3A_165 = tpu.memref_slice %arg2[%multiple_of3A_142] : memref<320000xi32, #tpu.memory_space<hbm>> -> memref<128xi32, #tpu.memory_space<hbm>>
          tpu.enqueue_dma source(%dma_start3A_165 : memref<128xi32, #tpu.memory_space<hbm>>) target(%dma_start3A_164 : memref<128xi32, #tpu.memory_space<vmem>>) target_semaphore(%run_scoped3A_157 : memref<!tpu.dma_semaphore, #tpu.memory_space<semaphore_mem>>)
          %dma_wait3A_166 = arith.constant 0 : i32
          %dma_wait3A_167 = tpu.memref_slice %arg7[%run_scoped3A_143, %dma_wait3A_166] : memref<3x128xi32, #tpu.memory_space<vmem>> -> memref<1x128xi32, #tpu.memory_space<vmem>>
          %dma_wait3A_168 = tpu.memref_squeeze %dma_wait3A_167 : memref<1x128xi32, #tpu.memory_space<vmem>> -> memref<128xi32, #tpu.memory_space<vmem>>
          %dma_wait3A_169 = tpu.memref_slice %arg2[%multiple_of3A_142] : memref<320000xi32, #tpu.memory_space<hbm>> -> memref<128xi32, #tpu.memory_space<hbm>>
          %dma_wait3A_170 = arith.constant 0 : i32
          %dma_wait3A_171 = tpu.memref_slice %arg7[%run_scoped3A_143, %dma_wait3A_170] : memref<3x128xi32, #tpu.memory_space<vmem>> -> memref<1x128xi32, #tpu.memory_space<vmem>>
          %dma_wait3A_172 = tpu.memref_squeeze %dma_wait3A_171 : memref<1x128xi32, #tpu.memory_space<vmem>> -> memref<128xi32, #tpu.memory_space<vmem>>
          %dma_wait3A_173 = tpu.memref_slice %arg2[%multiple_of3A_142] : memref<320000xi32, #tpu.memory_space<hbm>> -> memref<128xi32, #tpu.memory_space<hbm>>
          tpu.wait_dma2 semaphore(%run_scoped3A_157 : memref<!tpu.dma_semaphore, #tpu.memory_space<semaphore_mem>>) src(%dma_wait3A_173 : memref<128xi32, #tpu.memory_space<hbm>>) dst(%dma_wait3A_172 : memref<128xi32, #tpu.memory_space<vmem>>)
          tpu.yield
        }) : () -> ()
        %dma_start3A_144 = arith.constant 0 : i32
        %dma_start3A_145 = arith.constant 0 : i32
        %dma_start3A_146 = arith.constant 0 : i32
        %dma_start3A_147 = tpu.memref_slice %arg8[%dma_start3A_144, %dma_start3A_145, %dma_start3A_146] : memref<3x128x16xf32, #tpu.memory_space<vmem>> -> memref<1x128x16xf32, #tpu.memory_space<vmem>>
        %dma_start3A_148 = tpu.memref_squeeze %dma_start3A_147 : memref<1x128x16xf32, #tpu.memory_space<vmem>> -> memref<128x16xf32, #tpu.memory_space<vmem>>
        %dma_start3A_149 = arith.constant 0 : i32
        %dma_start3A_150 = tpu.memref_slice %arg3[%multiple_of3A_142, %dma_start3A_149] : memref<320000x16xf32, #tpu.memory_space<hbm>> -> memref<128x16xf32, #tpu.memory_space<hbm>>
        %dma_start3A_151 = arith.constant 0 : i32
        %dma_start3A_152 = arith.constant 0 : i32
        %dma_start3A_153 = tpu.memref_slice %arg8[%dma_start3A_144, %dma_start3A_151, %dma_start3A_152] : memref<3x128x16xf32, #tpu.memory_space<vmem>> -> memref<1x128x16xf32, #tpu.memory_space<vmem>>
        %dma_start3A_154 = tpu.memref_squeeze %dma_start3A_153 : memref<1x128x16xf32, #tpu.memory_space<vmem>> -> memref<128x16xf32, #tpu.memory_space<vmem>>
        %dma_start3A_155 = arith.constant 0 : i32
        %dma_start3A_156 = tpu.memref_slice %arg3[%multiple_of3A_142, %dma_start3A_155] : memref<320000x16xf32, #tpu.memory_space<hbm>> -> memref<128x16xf32, #tpu.memory_space<hbm>>
        tpu.enqueue_dma source(%dma_start3A_156 : memref<128x16xf32, #tpu.memory_space<hbm>>) target(%dma_start3A_154 : memref<128x16xf32, #tpu.memory_space<vmem>>) target_semaphore(%arg11 : memref<!tpu.dma_semaphore, #tpu.memory_space<semaphore_mem>>)
      } else {
      }
      %dma_wait3A_90 = arith.constant 1 : i32
      %dma_wait3A_91 = arith.constant 0 : i32
      %dma_wait3A_92 = arith.constant 0 : i32
      %dma_wait3A_93 = tpu.memref_slice %arg8[%dma_wait3A_90, %dma_wait3A_91, %dma_wait3A_92] : memref<3x128x16xf32, #tpu.memory_space<vmem>> -> memref<1x128x16xf32, #tpu.memory_space<vmem>>
      %dma_wait3A_94 = tpu.memref_squeeze %dma_wait3A_93 : memref<1x128x16xf32, #tpu.memory_space<vmem>> -> memref<128x16xf32, #tpu.memory_space<vmem>>
      %dma_wait3A_95 = arith.constant 0 : i32
      %dma_wait3A_96 = arith.constant 0 : i32
      %dma_wait3A_97 = tpu.memref_slice %arg3[%dma_wait3A_95, %dma_wait3A_96] : memref<320000x16xf32, #tpu.memory_space<hbm>> -> memref<128x16xf32, #tpu.memory_space<hbm>>
      %dma_wait3A_98 = arith.constant 0 : i32
      %dma_wait3A_99 = arith.constant 0 : i32
      %dma_wait3A_100 = tpu.memref_slice %arg8[%dma_wait3A_90, %dma_wait3A_98, %dma_wait3A_99] : memref<3x128x16xf32, #tpu.memory_space<vmem>> -> memref<1x128x16xf32, #tpu.memory_space<vmem>>
      %dma_wait3A_101 = tpu.memref_squeeze %dma_wait3A_100 : memref<1x128x16xf32, #tpu.memory_space<vmem>> -> memref<128x16xf32, #tpu.memory_space<vmem>>
      %dma_wait3A_102 = arith.constant 0 : i32
      %dma_wait3A_103 = arith.constant 0 : i32
      %dma_wait3A_104 = tpu.memref_slice %arg3[%dma_wait3A_102, %dma_wait3A_103] : memref<320000x16xf32, #tpu.memory_space<hbm>> -> memref<128x16xf32, #tpu.memory_space<hbm>>
      tpu.wait_dma2 semaphore(%arg12 : memref<!tpu.dma_semaphore, #tpu.memory_space<semaphore_mem>>) src(%dma_wait3A_104 : memref<128x16xf32, #tpu.memory_space<hbm>>) dst(%dma_wait3A_101 : memref<128x16xf32, #tpu.memory_space<vmem>>)
      %run_scoped3A_105 = arith.constant 1 : i32
      %run_scoped3A_106 = arith.constant 1 : i32
      "tpu.region"() ({
        %run_scoped3A_135 = tpu.sem_alloc : memref<!tpu.dma_semaphore, #tpu.memory_space<semaphore_mem>>
        %dma_start3A_136 = arith.constant 0 : i32
        %dma_start3A_137 = arith.constant 0 : i32
        %dma_start3A_138 = tpu.memref_slice %arg8[%run_scoped3A_105, %dma_start3A_136, %dma_start3A_137] : memref<3x128x16xf32, #tpu.memory_space<vmem>> -> memref<1x128x16xf32, #tpu.memory_space<vmem>>
        %dma_start3A_139 = tpu.memref_squeeze %dma_start3A_138 : memref<1x128x16xf32, #tpu.memory_space<vmem>> -> memref<128x16xf32, #tpu.memory_space<vmem>>
        %dma_start3A_140 = arith.constant 0 : i32
        %dma_start3A_141 = tpu.memref_slice %arg7[%run_scoped3A_106, %dma_start3A_140] : memref<3x128xi32, #tpu.memory_space<vmem>> -> memref<1x128xi32, #tpu.memory_space<vmem>>
        %dma_start3A_142 = tpu.memref_squeeze %dma_start3A_141 : memref<1x128xi32, #tpu.memory_space<vmem>> -> memref<128xi32, #tpu.memory_space<vmem>>
        %dma_start3A_143 = arith.constant 0 : i32
        %dma_start3A_144 = arith.constant 0 : i32
        %dma_start3A_145 = tpu.memref_slice %arg9[%dma_start3A_143, %dma_start3A_144] : memref<10112x16xf32, #tpu.memory_space<vmem_shared>> -> memref<10112x16xf32, #tpu.memory_space<vmem_shared>>
        tpu.enqueue_indirect_dma source(%dma_start3A_139 : memref<128x16xf32, #tpu.memory_space<vmem>>) target(%dma_start3A_145 : memref<10112x16xf32, #tpu.memory_space<vmem_shared>>) offsets(%dma_start3A_142 : memref<128xi32, #tpu.memory_space<vmem>>) semaphore(%run_scoped3A_135 : memref<!tpu.dma_semaphore, #tpu.memory_space<semaphore_mem>>) {add = true}
        %dma_wait3A_146 = arith.constant 0 : i32
        %dma_wait3A_147 = arith.constant 0 : i32
        %dma_wait3A_148 = tpu.memref_slice %arg8[%run_scoped3A_105, %dma_wait3A_146, %dma_wait3A_147] : memref<3x128x16xf32, #tpu.memory_space<vmem>> -> memref<1x128x16xf32, #tpu.memory_space<vmem>>
        %dma_wait3A_149 = tpu.memref_squeeze %dma_wait3A_148 : memref<1x128x16xf32, #tpu.memory_space<vmem>> -> memref<128x16xf32, #tpu.memory_space<vmem>>
        %dma_wait3A_150 = arith.constant 0 : i32
        %dma_wait3A_151 = tpu.memref_slice %arg7[%run_scoped3A_106, %dma_wait3A_150] : memref<3x128xi32, #tpu.memory_space<vmem>> -> memref<1x128xi32, #tpu.memory_space<vmem>>
        %dma_wait3A_152 = tpu.memref_squeeze %dma_wait3A_151 : memref<1x128xi32, #tpu.memory_space<vmem>> -> memref<128xi32, #tpu.memory_space<vmem>>
        %dma_wait3A_153 = arith.constant 0 : i32
        %dma_wait3A_154 = arith.constant 0 : i32
        %dma_wait3A_155 = tpu.memref_slice %arg9[%dma_wait3A_153, %dma_wait3A_154] : memref<10112x16xf32, #tpu.memory_space<vmem_shared>> -> memref<10112x16xf32, #tpu.memory_space<vmem_shared>>
        tpu.wait_indirect_dma semaphore(%run_scoped3A_135 : memref<!tpu.dma_semaphore, #tpu.memory_space<semaphore_mem>>) src(%dma_wait3A_149 : memref<128x16xf32, #tpu.memory_space<vmem>>) dst(%dma_wait3A_155 : memref<10112x16xf32, #tpu.memory_space<vmem_shared>>)
        tpu.yield
      }) : () -> ()
      %mul3A_107 = arith.constant 3 : i32
      %mul3A_108 = arith.muli %mul3A_107, %scan3A_51 : i32
      %add3A_109 = arith.constant 2 : i32
      %add3A_110 = arith.addi %mul3A_108, %add3A_109 : i32
      %add3A_111 = arith.constant 2 : i32
      %add3A_112 = arith.addi %add3A_110, %add3A_111 : i32
      %lt3A_113 = arith.constant 78 : i32
      %lt3A_114 = arith.cmpi slt, %add3A_112, %lt3A_113 : i32
      %convert_element_type3A_115 = arith.extui %lt3A_114 : i1 to i32
      %cond3A_116 = arith.constant 0 : i32
      %cond3A_117 = arith.cmpi ne, %convert_element_type3A_115, %cond3A_116 : i32
      scf.if %cond3A_117 {
        %add3A_135 = arith.constant 2 : i32
        %add3A_136 = arith.addi %add3A_110, %add3A_135 : i32
        %mul3A_137 = arith.constant 4096 : i32
        %mul3A_138 = arith.muli %add3A_136, %mul3A_137 : i32
        %mul3A_139 = arith.constant 128 : i32
        %mul3A_140 = arith.muli %add3A, %mul3A_139 : i32
        %add3A_141 = arith.addi %mul3A_138, %mul3A_140 : i32
        %multiple_of3A_142 = tpu.assume_multiple %add3A_141, 128 : i32
        %run_scoped3A_143 = arith.constant 1 : i32
        "tpu.region"() ({
          %run_scoped3A_157 = tpu.sem_alloc : memref<!tpu.dma_semaphore, #tpu.memory_space<semaphore_mem>>
          %dma_start3A_158 = arith.constant 0 : i32
          %dma_start3A_159 = tpu.memref_slice %arg7[%run_scoped3A_143, %dma_start3A_158] : memref<3x128xi32, #tpu.memory_space<vmem>> -> memref<1x128xi32, #tpu.memory_space<vmem>>
          %dma_start3A_160 = tpu.memref_squeeze %dma_start3A_159 : memref<1x128xi32, #tpu.memory_space<vmem>> -> memref<128xi32, #tpu.memory_space<vmem>>
          %dma_start3A_161 = tpu.memref_slice %arg2[%multiple_of3A_142] : memref<320000xi32, #tpu.memory_space<hbm>> -> memref<128xi32, #tpu.memory_space<hbm>>
          %dma_start3A_162 = arith.constant 0 : i32
          %dma_start3A_163 = tpu.memref_slice %arg7[%run_scoped3A_143, %dma_start3A_162] : memref<3x128xi32, #tpu.memory_space<vmem>> -> memref<1x128xi32, #tpu.memory_space<vmem>>
          %dma_start3A_164 = tpu.memref_squeeze %dma_start3A_163 : memref<1x128xi32, #tpu.memory_space<vmem>> -> memref<128xi32, #tpu.memory_space<vmem>>
          %dma_start3A_165 = tpu.memref_slice %arg2[%multiple_of3A_142] : memref<320000xi32, #tpu.memory_space<hbm>> -> memref<128xi32, #tpu.memory_space<hbm>>
          tpu.enqueue_dma source(%dma_start3A_165 : memref<128xi32, #tpu.memory_space<hbm>>) target(%dma_start3A_164 : memref<128xi32, #tpu.memory_space<vmem>>) target_semaphore(%run_scoped3A_157 : memref<!tpu.dma_semaphore, #tpu.memory_space<semaphore_mem>>)
          %dma_wait3A_166 = arith.constant 0 : i32
          %dma_wait3A_167 = tpu.memref_slice %arg7[%run_scoped3A_143, %dma_wait3A_166] : memref<3x128xi32, #tpu.memory_space<vmem>> -> memref<1x128xi32, #tpu.memory_space<vmem>>
          %dma_wait3A_168 = tpu.memref_squeeze %dma_wait3A_167 : memref<1x128xi32, #tpu.memory_space<vmem>> -> memref<128xi32, #tpu.memory_space<vmem>>
          %dma_wait3A_169 = tpu.memref_slice %arg2[%multiple_of3A_142] : memref<320000xi32, #tpu.memory_space<hbm>> -> memref<128xi32, #tpu.memory_space<hbm>>
          %dma_wait3A_170 = arith.constant 0 : i32
          %dma_wait3A_171 = tpu.memref_slice %arg7[%run_scoped3A_143, %dma_wait3A_170] : memref<3x128xi32, #tpu.memory_space<vmem>> -> memref<1x128xi32, #tpu.memory_space<vmem>>
          %dma_wait3A_172 = tpu.memref_squeeze %dma_wait3A_171 : memref<1x128xi32, #tpu.memory_space<vmem>> -> memref<128xi32, #tpu.memory_space<vmem>>
          %dma_wait3A_173 = tpu.memref_slice %arg2[%multiple_of3A_142] : memref<320000xi32, #tpu.memory_space<hbm>> -> memref<128xi32, #tpu.memory_space<hbm>>
          tpu.wait_dma2 semaphore(%run_scoped3A_157 : memref<!tpu.dma_semaphore, #tpu.memory_space<semaphore_mem>>) src(%dma_wait3A_173 : memref<128xi32, #tpu.memory_space<hbm>>) dst(%dma_wait3A_172 : memref<128xi32, #tpu.memory_space<vmem>>)
          tpu.yield
        }) : () -> ()
        %dma_start3A_144 = arith.constant 1 : i32
        %dma_start3A_145 = arith.constant 0 : i32
        %dma_start3A_146 = arith.constant 0 : i32
        %dma_start3A_147 = tpu.memref_slice %arg8[%dma_start3A_144, %dma_start3A_145, %dma_start3A_146] : memref<3x128x16xf32, #tpu.memory_space<vmem>> -> memref<1x128x16xf32, #tpu.memory_space<vmem>>
        %dma_start3A_148 = tpu.memref_squeeze %dma_start3A_147 : memref<1x128x16xf32, #tpu.memory_space<vmem>> -> memref<128x16xf32, #tpu.memory_space<vmem>>
        %dma_start3A_149 = arith.constant 0 : i32
        %dma_start3A_150 = tpu.memref_slice %arg3[%multiple_of3A_142, %dma_start3A_149] : memref<320000x16xf32, #tpu.memory_space<hbm>> -> memref<128x16xf32, #tpu.memory_space<hbm>>
        %dma_start3A_151 = arith.constant 0 : i32
        %dma_start3A_152 = arith.constant 0 : i32
        %dma_start3A_153 = tpu.memref_slice %arg8[%dma_start3A_144, %dma_start3A_151, %dma_start3A_152] : memref<3x128x16xf32, #tpu.memory_space<vmem>> -> memref<1x128x16xf32, #tpu.memory_space<vmem>>
        %dma_start3A_154 = tpu.memref_squeeze %dma_start3A_153 : memref<1x128x16xf32, #tpu.memory_space<vmem>> -> memref<128x16xf32, #tpu.memory_space<vmem>>
        %dma_start3A_155 = arith.constant 0 : i32
        %dma_start3A_156 = tpu.memref_slice %arg3[%multiple_of3A_142, %dma_start3A_155] : memref<320000x16xf32, #tpu.memory_space<hbm>> -> memref<128x16xf32, #tpu.memory_space<hbm>>
        tpu.enqueue_dma source(%dma_start3A_156 : memref<128x16xf32, #tpu.memory_space<hbm>>) target(%dma_start3A_154 : memref<128x16xf32, #tpu.memory_space<vmem>>) target_semaphore(%arg12 : memref<!tpu.dma_semaphore, #tpu.memory_space<semaphore_mem>>)
      } else {
      }
      %dma_wait3A_118 = arith.constant 2 : i32
      %dma_wait3A_119 = arith.constant 0 : i32
      %dma_wait3A_120 = arith.constant 0 : i32
      %dma_wait3A_121 = tpu.memref_slice %arg8[%dma_wait3A_118, %dma_wait3A_119, %dma_wait3A_120] : memref<3x128x16xf32, #tpu.memory_space<vmem>> -> memref<1x128x16xf32, #tpu.memory_space<vmem>>
      %dma_wait3A_122 = tpu.memref_squeeze %dma_wait3A_121 : memref<1x128x16xf32, #tpu.memory_space<vmem>> -> memref<128x16xf32, #tpu.memory_space<vmem>>
      %dma_wait3A_123 = arith.constant 0 : i32
      %dma_wait3A_124 = arith.constant 0 : i32
      %dma_wait3A_125 = tpu.memref_slice %arg3[%dma_wait3A_123, %dma_wait3A_124] : memref<320000x16xf32, #tpu.memory_space<hbm>> -> memref<128x16xf32, #tpu.memory_space<hbm>>
      %dma_wait3A_126 = arith.constant 0 : i32
      %dma_wait3A_127 = arith.constant 0 : i32
      %dma_wait3A_128 = tpu.memref_slice %arg8[%dma_wait3A_118, %dma_wait3A_126, %dma_wait3A_127] : memref<3x128x16xf32, #tpu.memory_space<vmem>> -> memref<1x128x16xf32, #tpu.memory_space<vmem>>
      %dma_wait3A_129 = tpu.memref_squeeze %dma_wait3A_128 : memref<1x128x16xf32, #tpu.memory_space<vmem>> -> memref<128x16xf32, #tpu.memory_space<vmem>>
      %dma_wait3A_130 = arith.constant 0 : i32
      %dma_wait3A_131 = arith.constant 0 : i32
      %dma_wait3A_132 = tpu.memref_slice %arg3[%dma_wait3A_130, %dma_wait3A_131] : memref<320000x16xf32, #tpu.memory_space<hbm>> -> memref<128x16xf32, #tpu.memory_space<hbm>>
      tpu.wait_dma2 semaphore(%arg13 : memref<!tpu.dma_semaphore, #tpu.memory_space<semaphore_mem>>) src(%dma_wait3A_132 : memref<128x16xf32, #tpu.memory_space<hbm>>) dst(%dma_wait3A_129 : memref<128x16xf32, #tpu.memory_space<vmem>>)
      %run_scoped3A_133 = arith.constant 2 : i32
      %run_scoped3A_134 = arith.constant 2 : i32
      "tpu.region"() ({
        %run_scoped3A_135 = tpu.sem_alloc : memref<!tpu.dma_semaphore, #tpu.memory_space<semaphore_mem>>
        %dma_start3A_136 = arith.constant 0 : i32
        %dma_start3A_137 = arith.constant 0 : i32
        %dma_start3A_138 = tpu.memref_slice %arg8[%run_scoped3A_133, %dma_start3A_136, %dma_start3A_137] : memref<3x128x16xf32, #tpu.memory_space<vmem>> -> memref<1x128x16xf32, #tpu.memory_space<vmem>>
        %dma_start3A_139 = tpu.memref_squeeze %dma_start3A_138 : memref<1x128x16xf32, #tpu.memory_space<vmem>> -> memref<128x16xf32, #tpu.memory_space<vmem>>
        %dma_start3A_140 = arith.constant 0 : i32
        %dma_start3A_141 = tpu.memref_slice %arg7[%run_scoped3A_134, %dma_start3A_140] : memref<3x128xi32, #tpu.memory_space<vmem>> -> memref<1x128xi32, #tpu.memory_space<vmem>>
        %dma_start3A_142 = tpu.memref_squeeze %dma_start3A_141 : memref<1x128xi32, #tpu.memory_space<vmem>> -> memref<128xi32, #tpu.memory_space<vmem>>
        %dma_start3A_143 = arith.constant 0 : i32
        %dma_start3A_144 = arith.constant 0 : i32
        %dma_start3A_145 = tpu.memref_slice %arg9[%dma_start3A_143, %dma_start3A_144] : memref<10112x16xf32, #tpu.memory_space<vmem_shared>> -> memref<10112x16xf32, #tpu.memory_space<vmem_shared>>
        tpu.enqueue_indirect_dma source(%dma_start3A_139 : memref<128x16xf32, #tpu.memory_space<vmem>>) target(%dma_start3A_145 : memref<10112x16xf32, #tpu.memory_space<vmem_shared>>) offsets(%dma_start3A_142 : memref<128xi32, #tpu.memory_space<vmem>>) semaphore(%run_scoped3A_135 : memref<!tpu.dma_semaphore, #tpu.memory_space<semaphore_mem>>) {add = true}
        %dma_wait3A_146 = arith.constant 0 : i32
        %dma_wait3A_147 = arith.constant 0 : i32
        %dma_wait3A_148 = tpu.memref_slice %arg8[%run_scoped3A_133, %dma_wait3A_146, %dma_wait3A_147] : memref<3x128x16xf32, #tpu.memory_space<vmem>> -> memref<1x128x16xf32, #tpu.memory_space<vmem>>
        %dma_wait3A_149 = tpu.memref_squeeze %dma_wait3A_148 : memref<1x128x16xf32, #tpu.memory_space<vmem>> -> memref<128x16xf32, #tpu.memory_space<vmem>>
        %dma_wait3A_150 = arith.constant 0 : i32
        %dma_wait3A_151 = tpu.memref_slice %arg7[%run_scoped3A_134, %dma_wait3A_150] : memref<3x128xi32, #tpu.memory_space<vmem>> -> memref<1x128xi32, #tpu.memory_space<vmem>>
        %dma_wait3A_152 = tpu.memref_squeeze %dma_wait3A_151 : memref<1x128xi32, #tpu.memory_space<vmem>> -> memref<128xi32, #tpu.memory_space<vmem>>
        %dma_wait3A_153 = arith.constant 0 : i32
        %dma_wait3A_154 = arith.constant 0 : i32
        %dma_wait3A_155 = tpu.memref_slice %arg9[%dma_wait3A_153, %dma_wait3A_154] : memref<10112x16xf32, #tpu.memory_space<vmem_shared>> -> memref<10112x16xf32, #tpu.memory_space<vmem_shared>>
        tpu.wait_indirect_dma semaphore(%run_scoped3A_135 : memref<!tpu.dma_semaphore, #tpu.memory_space<semaphore_mem>>) src(%dma_wait3A_149 : memref<128x16xf32, #tpu.memory_space<vmem>>) dst(%dma_wait3A_155 : memref<10112x16xf32, #tpu.memory_space<vmem_shared>>)
        tpu.yield
      }) : () -> ()
    }
    %scan3A_43 = arith.constant 26 : i32
    %lt3A = arith.constant 4 : i32
    %lt3A_44 = arith.cmpi slt, %add3A, %lt3A : i32
    %convert_element_type3A = arith.extui %lt3A_44 : i1 to i32
    %cond3A = arith.constant 0 : i32
    %cond3A_45 = arith.cmpi ne, %convert_element_type3A, %cond3A : i32
    scf.if %cond3A_45 {
      %mul3A_51 = arith.constant 128 : i32
      %mul3A_52 = arith.muli %add3A, %mul3A_51 : i32
      %add3A_53 = arith.constant 319488 : i32
      %add3A_54 = arith.addi %add3A_53, %mul3A_52 : i32
      %multiple_of3A_55 = tpu.assume_multiple %add3A_54, 128 : i32
      %run_scoped3A_56 = arith.constant 0 : i32
      "tpu.region"() ({
        %run_scoped3A_86 = tpu.sem_alloc : memref<!tpu.dma_semaphore, #tpu.memory_space<semaphore_mem>>
        %dma_start3A_87 = arith.constant 0 : i32
        %dma_start3A_88 = tpu.memref_slice %arg7[%run_scoped3A_56, %dma_start3A_87] : memref<3x128xi32, #tpu.memory_space<vmem>> -> memref<1x128xi32, #tpu.memory_space<vmem>>
        %dma_start3A_89 = tpu.memref_squeeze %dma_start3A_88 : memref<1x128xi32, #tpu.memory_space<vmem>> -> memref<128xi32, #tpu.memory_space<vmem>>
        %dma_start3A_90 = tpu.memref_slice %arg2[%multiple_of3A_55] : memref<320000xi32, #tpu.memory_space<hbm>> -> memref<128xi32, #tpu.memory_space<hbm>>
        %dma_start3A_91 = arith.constant 0 : i32
        %dma_start3A_92 = tpu.memref_slice %arg7[%run_scoped3A_56, %dma_start3A_91] : memref<3x128xi32, #tpu.memory_space<vmem>> -> memref<1x128xi32, #tpu.memory_space<vmem>>
        %dma_start3A_93 = tpu.memref_squeeze %dma_start3A_92 : memref<1x128xi32, #tpu.memory_space<vmem>> -> memref<128xi32, #tpu.memory_space<vmem>>
        %dma_start3A_94 = tpu.memref_slice %arg2[%multiple_of3A_55] : memref<320000xi32, #tpu.memory_space<hbm>> -> memref<128xi32, #tpu.memory_space<hbm>>
        tpu.enqueue_dma source(%dma_start3A_94 : memref<128xi32, #tpu.memory_space<hbm>>) target(%dma_start3A_93 : memref<128xi32, #tpu.memory_space<vmem>>) target_semaphore(%run_scoped3A_86 : memref<!tpu.dma_semaphore, #tpu.memory_space<semaphore_mem>>)
        %dma_wait3A_95 = arith.constant 0 : i32
        %dma_wait3A_96 = tpu.memref_slice %arg7[%run_scoped3A_56, %dma_wait3A_95] : memref<3x128xi32, #tpu.memory_space<vmem>> -> memref<1x128xi32, #tpu.memory_space<vmem>>
        %dma_wait3A_97 = tpu.memref_squeeze %dma_wait3A_96 : memref<1x128xi32, #tpu.memory_space<vmem>> -> memref<128xi32, #tpu.memory_space<vmem>>
        %dma_wait3A_98 = tpu.memref_slice %arg2[%multiple_of3A_55] : memref<320000xi32, #tpu.memory_space<hbm>> -> memref<128xi32, #tpu.memory_space<hbm>>
        %dma_wait3A_99 = arith.constant 0 : i32
        %dma_wait3A_100 = tpu.memref_slice %arg7[%run_scoped3A_56, %dma_wait3A_99] : memref<3x128xi32, #tpu.memory_space<vmem>> -> memref<1x128xi32, #tpu.memory_space<vmem>>
        %dma_wait3A_101 = tpu.memref_squeeze %dma_wait3A_100 : memref<1x128xi32, #tpu.memory_space<vmem>> -> memref<128xi32, #tpu.memory_space<vmem>>
        %dma_wait3A_102 = tpu.memref_slice %arg2[%multiple_of3A_55] : memref<320000xi32, #tpu.memory_space<hbm>> -> memref<128xi32, #tpu.memory_space<hbm>>
        tpu.wait_dma2 semaphore(%run_scoped3A_86 : memref<!tpu.dma_semaphore, #tpu.memory_space<semaphore_mem>>) src(%dma_wait3A_102 : memref<128xi32, #tpu.memory_space<hbm>>) dst(%dma_wait3A_101 : memref<128xi32, #tpu.memory_space<vmem>>)
        tpu.yield
      }) : () -> ()
      %dma_start3A_57 = arith.constant 0 : i32
      %dma_start3A_58 = arith.constant 0 : i32
      %dma_start3A_59 = arith.constant 0 : i32
      %dma_start3A_60 = tpu.memref_slice %arg8[%dma_start3A_57, %dma_start3A_58, %dma_start3A_59] : memref<3x128x16xf32, #tpu.memory_space<vmem>> -> memref<1x128x16xf32, #tpu.memory_space<vmem>>
      %dma_start3A_61 = tpu.memref_squeeze %dma_start3A_60 : memref<1x128x16xf32, #tpu.memory_space<vmem>> -> memref<128x16xf32, #tpu.memory_space<vmem>>
      %dma_start3A_62 = arith.constant 0 : i32
      %dma_start3A_63 = tpu.memref_slice %arg3[%multiple_of3A_55, %dma_start3A_62] : memref<320000x16xf32, #tpu.memory_space<hbm>> -> memref<128x16xf32, #tpu.memory_space<hbm>>
      %dma_start3A_64 = arith.constant 0 : i32
      %dma_start3A_65 = arith.constant 0 : i32
      %dma_start3A_66 = tpu.memref_slice %arg8[%dma_start3A_57, %dma_start3A_64, %dma_start3A_65] : memref<3x128x16xf32, #tpu.memory_space<vmem>> -> memref<1x128x16xf32, #tpu.memory_space<vmem>>
      %dma_start3A_67 = tpu.memref_squeeze %dma_start3A_66 : memref<1x128x16xf32, #tpu.memory_space<vmem>> -> memref<128x16xf32, #tpu.memory_space<vmem>>
      %dma_start3A_68 = arith.constant 0 : i32
      %dma_start3A_69 = tpu.memref_slice %arg3[%multiple_of3A_55, %dma_start3A_68] : memref<320000x16xf32, #tpu.memory_space<hbm>> -> memref<128x16xf32, #tpu.memory_space<hbm>>
      tpu.enqueue_dma source(%dma_start3A_69 : memref<128x16xf32, #tpu.memory_space<hbm>>) target(%dma_start3A_67 : memref<128x16xf32, #tpu.memory_space<vmem>>) target_semaphore(%arg11 : memref<!tpu.dma_semaphore, #tpu.memory_space<semaphore_mem>>)
      %dma_wait3A = arith.constant 0 : i32
      %dma_wait3A_70 = arith.constant 0 : i32
      %dma_wait3A_71 = arith.constant 0 : i32
      %dma_wait3A_72 = tpu.memref_slice %arg8[%dma_wait3A, %dma_wait3A_70, %dma_wait3A_71] : memref<3x128x16xf32, #tpu.memory_space<vmem>> -> memref<1x128x16xf32, #tpu.memory_space<vmem>>
      %dma_wait3A_73 = tpu.memref_squeeze %dma_wait3A_72 : memref<1x128x16xf32, #tpu.memory_space<vmem>> -> memref<128x16xf32, #tpu.memory_space<vmem>>
      %dma_wait3A_74 = arith.constant 0 : i32
      %dma_wait3A_75 = arith.constant 0 : i32
      %dma_wait3A_76 = tpu.memref_slice %arg3[%dma_wait3A_74, %dma_wait3A_75] : memref<320000x16xf32, #tpu.memory_space<hbm>> -> memref<128x16xf32, #tpu.memory_space<hbm>>
      %dma_wait3A_77 = arith.constant 0 : i32
      %dma_wait3A_78 = arith.constant 0 : i32
      %dma_wait3A_79 = tpu.memref_slice %arg8[%dma_wait3A, %dma_wait3A_77, %dma_wait3A_78] : memref<3x128x16xf32, #tpu.memory_space<vmem>> -> memref<1x128x16xf32, #tpu.memory_space<vmem>>
      %dma_wait3A_80 = tpu.memref_squeeze %dma_wait3A_79 : memref<1x128x16xf32, #tpu.memory_space<vmem>> -> memref<128x16xf32, #tpu.memory_space<vmem>>
      %dma_wait3A_81 = arith.constant 0 : i32
      %dma_wait3A_82 = arith.constant 0 : i32
      %dma_wait3A_83 = tpu.memref_slice %arg3[%dma_wait3A_81, %dma_wait3A_82] : memref<320000x16xf32, #tpu.memory_space<hbm>> -> memref<128x16xf32, #tpu.memory_space<hbm>>
      tpu.wait_dma2 semaphore(%arg11 : memref<!tpu.dma_semaphore, #tpu.memory_space<semaphore_mem>>) src(%dma_wait3A_83 : memref<128x16xf32, #tpu.memory_space<hbm>>) dst(%dma_wait3A_80 : memref<128x16xf32, #tpu.memory_space<vmem>>)
      %run_scoped3A_84 = arith.constant 0 : i32
      %run_scoped3A_85 = arith.constant 0 : i32
      "tpu.region"() ({
        %run_scoped3A_86 = tpu.sem_alloc : memref<!tpu.dma_semaphore, #tpu.memory_space<semaphore_mem>>
        %dma_start3A_87 = arith.constant 0 : i32
        %dma_start3A_88 = arith.constant 0 : i32
        %dma_start3A_89 = tpu.memref_slice %arg8[%run_scoped3A_84, %dma_start3A_87, %dma_start3A_88] : memref<3x128x16xf32, #tpu.memory_space<vmem>> -> memref<1x128x16xf32, #tpu.memory_space<vmem>>
        %dma_start3A_90 = tpu.memref_squeeze %dma_start3A_89 : memref<1x128x16xf32, #tpu.memory_space<vmem>> -> memref<128x16xf32, #tpu.memory_space<vmem>>
        %dma_start3A_91 = arith.constant 0 : i32
        %dma_start3A_92 = tpu.memref_slice %arg7[%run_scoped3A_85, %dma_start3A_91] : memref<3x128xi32, #tpu.memory_space<vmem>> -> memref<1x128xi32, #tpu.memory_space<vmem>>
        %dma_start3A_93 = tpu.memref_squeeze %dma_start3A_92 : memref<1x128xi32, #tpu.memory_space<vmem>> -> memref<128xi32, #tpu.memory_space<vmem>>
        %dma_start3A_94 = arith.constant 0 : i32
        %dma_start3A_95 = arith.constant 0 : i32
        %dma_start3A_96 = tpu.memref_slice %arg9[%dma_start3A_94, %dma_start3A_95] : memref<10112x16xf32, #tpu.memory_space<vmem_shared>> -> memref<10112x16xf32, #tpu.memory_space<vmem_shared>>
        tpu.enqueue_indirect_dma source(%dma_start3A_90 : memref<128x16xf32, #tpu.memory_space<vmem>>) target(%dma_start3A_96 : memref<10112x16xf32, #tpu.memory_space<vmem_shared>>) offsets(%dma_start3A_93 : memref<128xi32, #tpu.memory_space<vmem>>) semaphore(%run_scoped3A_86 : memref<!tpu.dma_semaphore, #tpu.memory_space<semaphore_mem>>) {add = true}
        %dma_wait3A_97 = arith.constant 0 : i32
        %dma_wait3A_98 = arith.constant 0 : i32
        %dma_wait3A_99 = tpu.memref_slice %arg8[%run_scoped3A_84, %dma_wait3A_97, %dma_wait3A_98] : memref<3x128x16xf32, #tpu.memory_space<vmem>> -> memref<1x128x16xf32, #tpu.memory_space<vmem>>
        %dma_wait3A_100 = tpu.memref_squeeze %dma_wait3A_99 : memref<1x128x16xf32, #tpu.memory_space<vmem>> -> memref<128x16xf32, #tpu.memory_space<vmem>>
        %dma_wait3A_101 = arith.constant 0 : i32
        %dma_wait3A_102 = tpu.memref_slice %arg7[%run_scoped3A_85, %dma_wait3A_101] : memref<3x128xi32, #tpu.memory_space<vmem>> -> memref<1x128xi32, #tpu.memory_space<vmem>>
        %dma_wait3A_103 = tpu.memref_squeeze %dma_wait3A_102 : memref<1x128xi32, #tpu.memory_space<vmem>> -> memref<128xi32, #tpu.memory_space<vmem>>
        %dma_wait3A_104 = arith.constant 0 : i32
        %dma_wait3A_105 = arith.constant 0 : i32
        %dma_wait3A_106 = tpu.memref_slice %arg9[%dma_wait3A_104, %dma_wait3A_105] : memref<10112x16xf32, #tpu.memory_space<vmem_shared>> -> memref<10112x16xf32, #tpu.memory_space<vmem_shared>>
        tpu.wait_indirect_dma semaphore(%run_scoped3A_86 : memref<!tpu.dma_semaphore, #tpu.memory_space<semaphore_mem>>) src(%dma_wait3A_100 : memref<128x16xf32, #tpu.memory_space<vmem>>) dst(%dma_wait3A_106 : memref<10112x16xf32, #tpu.memory_space<vmem_shared>>)
        tpu.yield
      }) : () -> ()
    } else {
    }
    %barrier3A_46 = arith.constant 0 : index
    tpu.barrier barrier_id(%barrier3A_46)
    %mul3A_47 = arith.constant 632 : i32
    %mul3A_48 = arith.muli %arg1, %mul3A_47 : i32
    %mul3A_49 = arith.constant 632 : i32
    %mul3A_50 = arith.muli %arg1, %mul3A_49 : i32
    "tpu.region"() ({
      %run_scoped3A_51 = tpu.sem_alloc : memref<!tpu.dma_semaphore, #tpu.memory_space<semaphore_mem>>
      %dma_start3A_52 = arith.constant 0 : i32
      %dma_start3A_53 = tpu.memref_slice %arg6[%arg0, %mul3A_50, %dma_start3A_52] : memref<2x10112x16xf32, #tpu.memory_space<hbm>> -> memref<1x632x16xf32, #tpu.memory_space<hbm>>
      %dma_start3A_54 = tpu.memref_squeeze %dma_start3A_53 : memref<1x632x16xf32, #tpu.memory_space<hbm>> -> memref<632x16xf32, #tpu.memory_space<hbm>>
      %dma_start3A_55 = arith.constant 0 : i32
      %dma_start3A_56 = tpu.memref_slice %arg9[%mul3A_48, %dma_start3A_55] : memref<10112x16xf32, #tpu.memory_space<vmem_shared>> -> memref<632x16xf32, #tpu.memory_space<vmem_shared>>
      tpu.enqueue_dma source(%dma_start3A_56 : memref<632x16xf32, #tpu.memory_space<vmem_shared>>) target(%dma_start3A_54 : memref<632x16xf32, #tpu.memory_space<hbm>>) target_semaphore(%run_scoped3A_51 : memref<!tpu.dma_semaphore, #tpu.memory_space<semaphore_mem>>)
      %dma_wait3A = arith.constant 0 : i32
      %dma_wait3A_57 = tpu.memref_slice %arg6[%arg0, %mul3A_50, %dma_wait3A] : memref<2x10112x16xf32, #tpu.memory_space<hbm>> -> memref<1x632x16xf32, #tpu.memory_space<hbm>>
      %dma_wait3A_58 = tpu.memref_squeeze %dma_wait3A_57 : memref<1x632x16xf32, #tpu.memory_space<hbm>> -> memref<632x16xf32, #tpu.memory_space<hbm>>
      %dma_wait3A_59 = arith.constant 0 : i32
      %dma_wait3A_60 = tpu.memref_slice %arg9[%mul3A_48, %dma_wait3A_59] : memref<10112x16xf32, #tpu.memory_space<vmem_shared>> -> memref<632x16xf32, #tpu.memory_space<vmem_shared>>
      tpu.wait_dma2 semaphore(%run_scoped3A_51 : memref<!tpu.dma_semaphore, #tpu.memory_space<semaphore_mem>>) src(%dma_wait3A_60 : memref<632x16xf32, #tpu.memory_space<vmem_shared>>) dst(%dma_wait3A_58 : memref<632x16xf32, #tpu.memory_space<hbm>>)
      tpu.yield
    }) : () -> ()
    return
  }
}

#map = affine_map<(d0, d1) -> (0)>
#map1 = affine_map<(d0, d1) -> (0, 0)>
#map2 = affine_map<(d0, d1) -> (0, 0, 0)>
module attributes {stable_mosaic.version = 14 : i64} {
  func.func @_sc_x_body(%arg0: i32, %arg1: i32, %arg2: memref<320000xi32, #tpu.memory_space<hbm>>, %arg3: memref<320000xi32, #tpu.memory_space<hbm>>, %arg4: memref<10000x128xf32, #tpu.memory_space<hbm>>, %arg5: memref<632x128xf32, #tpu.memory_space<hbm>>, %arg6: memref<2x10112x128xf32, #tpu.memory_space<hbm>>, %arg7: memref<3x128xi32, #tpu.memory_space<vmem>>, %arg8: memref<3x128xi32, #tpu.memory_space<vmem>>, %arg9: memref<3x128x128xf32, #tpu.memory_space<vmem>>, %arg10: memref<10112x128xf32, #tpu.memory_space<vmem_shared>>, %arg11: memref<!tpu.dma_semaphore, #tpu.memory_space<semaphore_mem>>, %arg12: memref<!tpu.dma_semaphore, #tpu.memory_space<semaphore_mem>>, %arg13: memref<!tpu.dma_semaphore, #tpu.memory_space<semaphore_mem>>) attributes {dimension_semantics = [#tpu.dimension_semantics<core_parallel>, #tpu.dimension_semantics<subcore_parallel>], iteration_bounds = array<i64: 2, 16>, scalar_prefetch = 0 : i64, scratch_operands = 7 : i64, tpu.core_type = #tpu.core_type<sc_vector_subcore>, window_params = [{transform_indices = #map}, {transform_indices = #map}, {transform_indices = #map1}, {transform_indices = #map1}, {transform_indices = #map2}]} {
    %mul3A = arith.constant 2 : i32
    %mul3A_0 = arith.muli %arg1, %mul3A : i32
    %add3A = arith.addi %mul3A_0, %arg0 : i32
    %mul3A_1 = arith.constant 632 : i32
    %mul3A_2 = arith.muli %arg1, %mul3A_1 : i32
    "tpu.region"() ({
      %run_scoped3A_50 = tpu.sem_alloc : memref<!tpu.dma_semaphore, #tpu.memory_space<semaphore_mem>>
      %dma_start3A_51 = arith.constant 0 : i32
      %dma_start3A_52 = tpu.memref_slice %arg10[%mul3A_2, %dma_start3A_51] : memref<10112x128xf32, #tpu.memory_space<vmem_shared>> -> memref<632x128xf32, #tpu.memory_space<vmem_shared>>
      tpu.enqueue_dma source(%arg5 : memref<632x128xf32, #tpu.memory_space<hbm>>) target(%dma_start3A_52 : memref<632x128xf32, #tpu.memory_space<vmem_shared>>) target_semaphore(%run_scoped3A_50 : memref<!tpu.dma_semaphore, #tpu.memory_space<semaphore_mem>>)
      %dma_wait3A = arith.constant 0 : i32
      %dma_wait3A_53 = tpu.memref_slice %arg10[%mul3A_2, %dma_wait3A] : memref<10112x128xf32, #tpu.memory_space<vmem_shared>> -> memref<632x128xf32, #tpu.memory_space<vmem_shared>>
      tpu.wait_dma2 semaphore(%run_scoped3A_50 : memref<!tpu.dma_semaphore, #tpu.memory_space<semaphore_mem>>) src(%arg5 : memref<632x128xf32, #tpu.memory_space<hbm>>) dst(%dma_wait3A_53 : memref<632x128xf32, #tpu.memory_space<vmem_shared>>)
      tpu.yield
    }) : () -> ()
    %barrier3A = arith.constant 0 : index
    tpu.barrier barrier_id(%barrier3A)
    %mul3A_3 = arith.constant 128 : i32
    %mul3A_4 = arith.muli %add3A, %mul3A_3 : i32
    %add3A_5 = arith.constant 0 : i32
    %add3A_6 = arith.addi %add3A_5, %mul3A_4 : i32
    %multiple_of3A = tpu.assume_multiple %add3A_6, 128 : i32
    %run_scoped3A = arith.constant 0 : i32
    "tpu.region"() ({
      %run_scoped3A_50 = tpu.sem_alloc : memref<!tpu.dma_semaphore, #tpu.memory_space<semaphore_mem>>
      %dma_start3A_51 = arith.constant 0 : i32
      %dma_start3A_52 = tpu.memref_slice %arg7[%run_scoped3A, %dma_start3A_51] : memref<3x128xi32, #tpu.memory_space<vmem>> -> memref<1x128xi32, #tpu.memory_space<vmem>>
      %dma_start3A_53 = tpu.memref_squeeze %dma_start3A_52 : memref<1x128xi32, #tpu.memory_space<vmem>> -> memref<128xi32, #tpu.memory_space<vmem>>
      %dma_start3A_54 = tpu.memref_slice %arg2[%multiple_of3A] : memref<320000xi32, #tpu.memory_space<hbm>> -> memref<128xi32, #tpu.memory_space<hbm>>
      %dma_start3A_55 = arith.constant 0 : i32
      %dma_start3A_56 = tpu.memref_slice %arg7[%run_scoped3A, %dma_start3A_55] : memref<3x128xi32, #tpu.memory_space<vmem>> -> memref<1x128xi32, #tpu.memory_space<vmem>>
      %dma_start3A_57 = tpu.memref_squeeze %dma_start3A_56 : memref<1x128xi32, #tpu.memory_space<vmem>> -> memref<128xi32, #tpu.memory_space<vmem>>
      %dma_start3A_58 = tpu.memref_slice %arg2[%multiple_of3A] : memref<320000xi32, #tpu.memory_space<hbm>> -> memref<128xi32, #tpu.memory_space<hbm>>
      tpu.enqueue_dma source(%dma_start3A_58 : memref<128xi32, #tpu.memory_space<hbm>>) target(%dma_start3A_57 : memref<128xi32, #tpu.memory_space<vmem>>) target_semaphore(%run_scoped3A_50 : memref<!tpu.dma_semaphore, #tpu.memory_space<semaphore_mem>>)
      %dma_wait3A = arith.constant 0 : i32
      %dma_wait3A_59 = tpu.memref_slice %arg7[%run_scoped3A, %dma_wait3A] : memref<3x128xi32, #tpu.memory_space<vmem>> -> memref<1x128xi32, #tpu.memory_space<vmem>>
      %dma_wait3A_60 = tpu.memref_squeeze %dma_wait3A_59 : memref<1x128xi32, #tpu.memory_space<vmem>> -> memref<128xi32, #tpu.memory_space<vmem>>
      %dma_wait3A_61 = tpu.memref_slice %arg2[%multiple_of3A] : memref<320000xi32, #tpu.memory_space<hbm>> -> memref<128xi32, #tpu.memory_space<hbm>>
      %dma_wait3A_62 = arith.constant 0 : i32
      %dma_wait3A_63 = tpu.memref_slice %arg7[%run_scoped3A, %dma_wait3A_62] : memref<3x128xi32, #tpu.memory_space<vmem>> -> memref<1x128xi32, #tpu.memory_space<vmem>>
      %dma_wait3A_64 = tpu.memref_squeeze %dma_wait3A_63 : memref<1x128xi32, #tpu.memory_space<vmem>> -> memref<128xi32, #tpu.memory_space<vmem>>
      %dma_wait3A_65 = tpu.memref_slice %arg2[%multiple_of3A] : memref<320000xi32, #tpu.memory_space<hbm>> -> memref<128xi32, #tpu.memory_space<hbm>>
      tpu.wait_dma2 semaphore(%run_scoped3A_50 : memref<!tpu.dma_semaphore, #tpu.memory_space<semaphore_mem>>) src(%dma_wait3A_65 : memref<128xi32, #tpu.memory_space<hbm>>) dst(%dma_wait3A_64 : memref<128xi32, #tpu.memory_space<vmem>>)
      tpu.yield
    }) : () -> ()
    %run_scoped3A_7 = arith.constant 0 : i32
    "tpu.region"() ({
      %run_scoped3A_50 = tpu.sem_alloc : memref<!tpu.dma_semaphore, #tpu.memory_space<semaphore_mem>>
      %dma_start3A_51 = arith.constant 0 : i32
      %dma_start3A_52 = tpu.memref_slice %arg8[%run_scoped3A_7, %dma_start3A_51] : memref<3x128xi32, #tpu.memory_space<vmem>> -> memref<1x128xi32, #tpu.memory_space<vmem>>
      %dma_start3A_53 = tpu.memref_squeeze %dma_start3A_52 : memref<1x128xi32, #tpu.memory_space<vmem>> -> memref<128xi32, #tpu.memory_space<vmem>>
      %dma_start3A_54 = tpu.memref_slice %arg3[%multiple_of3A] : memref<320000xi32, #tpu.memory_space<hbm>> -> memref<128xi32, #tpu.memory_space<hbm>>
      %dma_start3A_55 = arith.constant 0 : i32
      %dma_start3A_56 = tpu.memref_slice %arg8[%run_scoped3A_7, %dma_start3A_55] : memref<3x128xi32, #tpu.memory_space<vmem>> -> memref<1x128xi32, #tpu.memory_space<vmem>>
      %dma_start3A_57 = tpu.memref_squeeze %dma_start3A_56 : memref<1x128xi32, #tpu.memory_space<vmem>> -> memref<128xi32, #tpu.memory_space<vmem>>
      %dma_start3A_58 = tpu.memref_slice %arg3[%multiple_of3A] : memref<320000xi32, #tpu.memory_space<hbm>> -> memref<128xi32, #tpu.memory_space<hbm>>
      tpu.enqueue_dma source(%dma_start3A_58 : memref<128xi32, #tpu.memory_space<hbm>>) target(%dma_start3A_57 : memref<128xi32, #tpu.memory_space<vmem>>) target_semaphore(%run_scoped3A_50 : memref<!tpu.dma_semaphore, #tpu.memory_space<semaphore_mem>>)
      %dma_wait3A = arith.constant 0 : i32
      %dma_wait3A_59 = tpu.memref_slice %arg8[%run_scoped3A_7, %dma_wait3A] : memref<3x128xi32, #tpu.memory_space<vmem>> -> memref<1x128xi32, #tpu.memory_space<vmem>>
      %dma_wait3A_60 = tpu.memref_squeeze %dma_wait3A_59 : memref<1x128xi32, #tpu.memory_space<vmem>> -> memref<128xi32, #tpu.memory_space<vmem>>
      %dma_wait3A_61 = tpu.memref_slice %arg3[%multiple_of3A] : memref<320000xi32, #tpu.memory_space<hbm>> -> memref<128xi32, #tpu.memory_space<hbm>>
      %dma_wait3A_62 = arith.constant 0 : i32
      %dma_wait3A_63 = tpu.memref_slice %arg8[%run_scoped3A_7, %dma_wait3A_62] : memref<3x128xi32, #tpu.memory_space<vmem>> -> memref<1x128xi32, #tpu.memory_space<vmem>>
      %dma_wait3A_64 = tpu.memref_squeeze %dma_wait3A_63 : memref<1x128xi32, #tpu.memory_space<vmem>> -> memref<128xi32, #tpu.memory_space<vmem>>
      %dma_wait3A_65 = tpu.memref_slice %arg3[%multiple_of3A] : memref<320000xi32, #tpu.memory_space<hbm>> -> memref<128xi32, #tpu.memory_space<hbm>>
      tpu.wait_dma2 semaphore(%run_scoped3A_50 : memref<!tpu.dma_semaphore, #tpu.memory_space<semaphore_mem>>) src(%dma_wait3A_65 : memref<128xi32, #tpu.memory_space<hbm>>) dst(%dma_wait3A_64 : memref<128xi32, #tpu.memory_space<vmem>>)
      tpu.yield
    }) : () -> ()
    %dma_start3A = arith.constant 0 : i32
    %dma_start3A_8 = arith.constant 0 : i32
    %dma_start3A_9 = arith.constant 0 : i32
    %dma_start3A_10 = arith.constant 0 : i32
    %dma_start3A_11 = tpu.memref_slice %arg9[%dma_start3A_8, %dma_start3A_9, %dma_start3A_10] : memref<3x128x128xf32, #tpu.memory_space<vmem>> -> memref<1x128x128xf32, #tpu.memory_space<vmem>>
    %dma_start3A_12 = tpu.memref_squeeze %dma_start3A_11 : memref<1x128x128xf32, #tpu.memory_space<vmem>> -> memref<128x128xf32, #tpu.memory_space<vmem>>
    %dma_start3A_13 = arith.constant 0 : i32
    %dma_start3A_14 = tpu.memref_slice %arg7[%dma_start3A, %dma_start3A_13] : memref<3x128xi32, #tpu.memory_space<vmem>> -> memref<1x128xi32, #tpu.memory_space<vmem>>
    %dma_start3A_15 = tpu.memref_squeeze %dma_start3A_14 : memref<1x128xi32, #tpu.memory_space<vmem>> -> memref<128xi32, #tpu.memory_space<vmem>>
    %dma_start3A_16 = arith.constant 0 : i32
    %dma_start3A_17 = arith.constant 0 : i32
    %dma_start3A_18 = tpu.memref_slice %arg4[%dma_start3A_16, %dma_start3A_17] : memref<10000x128xf32, #tpu.memory_space<hbm>> -> memref<10000x128xf32, #tpu.memory_space<hbm>>
    tpu.enqueue_indirect_dma source(%dma_start3A_18 : memref<10000x128xf32, #tpu.memory_space<hbm>>) target(%dma_start3A_12 : memref<128x128xf32, #tpu.memory_space<vmem>>) offsets(%dma_start3A_15 : memref<128xi32, #tpu.memory_space<vmem>>) semaphore(%arg11 : memref<!tpu.dma_semaphore, #tpu.memory_space<semaphore_mem>>)
    %mul3A_19 = arith.constant 128 : i32
    %mul3A_20 = arith.muli %add3A, %mul3A_19 : i32
    %add3A_21 = arith.constant 4096 : i32
    %add3A_22 = arith.addi %add3A_21, %mul3A_20 : i32
    %multiple_of3A_23 = tpu.assume_multiple %add3A_22, 128 : i32
    %run_scoped3A_24 = arith.constant 1 : i32
    "tpu.region"() ({
      %run_scoped3A_50 = tpu.sem_alloc : memref<!tpu.dma_semaphore, #tpu.memory_space<semaphore_mem>>
      %dma_start3A_51 = arith.constant 0 : i32
      %dma_start3A_52 = tpu.memref_slice %arg7[%run_scoped3A_24, %dma_start3A_51] : memref<3x128xi32, #tpu.memory_space<vmem>> -> memref<1x128xi32, #tpu.memory_space<vmem>>
      %dma_start3A_53 = tpu.memref_squeeze %dma_start3A_52 : memref<1x128xi32, #tpu.memory_space<vmem>> -> memref<128xi32, #tpu.memory_space<vmem>>
      %dma_start3A_54 = tpu.memref_slice %arg2[%multiple_of3A_23] : memref<320000xi32, #tpu.memory_space<hbm>> -> memref<128xi32, #tpu.memory_space<hbm>>
      %dma_start3A_55 = arith.constant 0 : i32
      %dma_start3A_56 = tpu.memref_slice %arg7[%run_scoped3A_24, %dma_start3A_55] : memref<3x128xi32, #tpu.memory_space<vmem>> -> memref<1x128xi32, #tpu.memory_space<vmem>>
      %dma_start3A_57 = tpu.memref_squeeze %dma_start3A_56 : memref<1x128xi32, #tpu.memory_space<vmem>> -> memref<128xi32, #tpu.memory_space<vmem>>
      %dma_start3A_58 = tpu.memref_slice %arg2[%multiple_of3A_23] : memref<320000xi32, #tpu.memory_space<hbm>> -> memref<128xi32, #tpu.memory_space<hbm>>
      tpu.enqueue_dma source(%dma_start3A_58 : memref<128xi32, #tpu.memory_space<hbm>>) target(%dma_start3A_57 : memref<128xi32, #tpu.memory_space<vmem>>) target_semaphore(%run_scoped3A_50 : memref<!tpu.dma_semaphore, #tpu.memory_space<semaphore_mem>>)
      %dma_wait3A = arith.constant 0 : i32
      %dma_wait3A_59 = tpu.memref_slice %arg7[%run_scoped3A_24, %dma_wait3A] : memref<3x128xi32, #tpu.memory_space<vmem>> -> memref<1x128xi32, #tpu.memory_space<vmem>>
      %dma_wait3A_60 = tpu.memref_squeeze %dma_wait3A_59 : memref<1x128xi32, #tpu.memory_space<vmem>> -> memref<128xi32, #tpu.memory_space<vmem>>
      %dma_wait3A_61 = tpu.memref_slice %arg2[%multiple_of3A_23] : memref<320000xi32, #tpu.memory_space<hbm>> -> memref<128xi32, #tpu.memory_space<hbm>>
      %dma_wait3A_62 = arith.constant 0 : i32
      %dma_wait3A_63 = tpu.memref_slice %arg7[%run_scoped3A_24, %dma_wait3A_62] : memref<3x128xi32, #tpu.memory_space<vmem>> -> memref<1x128xi32, #tpu.memory_space<vmem>>
      %dma_wait3A_64 = tpu.memref_squeeze %dma_wait3A_63 : memref<1x128xi32, #tpu.memory_space<vmem>> -> memref<128xi32, #tpu.memory_space<vmem>>
      %dma_wait3A_65 = tpu.memref_slice %arg2[%multiple_of3A_23] : memref<320000xi32, #tpu.memory_space<hbm>> -> memref<128xi32, #tpu.memory_space<hbm>>
      tpu.wait_dma2 semaphore(%run_scoped3A_50 : memref<!tpu.dma_semaphore, #tpu.memory_space<semaphore_mem>>) src(%dma_wait3A_65 : memref<128xi32, #tpu.memory_space<hbm>>) dst(%dma_wait3A_64 : memref<128xi32, #tpu.memory_space<vmem>>)
      tpu.yield
    }) : () -> ()
    %run_scoped3A_25 = arith.constant 1 : i32
    "tpu.region"() ({
      %run_scoped3A_50 = tpu.sem_alloc : memref<!tpu.dma_semaphore, #tpu.memory_space<semaphore_mem>>
      %dma_start3A_51 = arith.constant 0 : i32
      %dma_start3A_52 = tpu.memref_slice %arg8[%run_scoped3A_25, %dma_start3A_51] : memref<3x128xi32, #tpu.memory_space<vmem>> -> memref<1x128xi32, #tpu.memory_space<vmem>>
      %dma_start3A_53 = tpu.memref_squeeze %dma_start3A_52 : memref<1x128xi32, #tpu.memory_space<vmem>> -> memref<128xi32, #tpu.memory_space<vmem>>
      %dma_start3A_54 = tpu.memref_slice %arg3[%multiple_of3A_23] : memref<320000xi32, #tpu.memory_space<hbm>> -> memref<128xi32, #tpu.memory_space<hbm>>
      %dma_start3A_55 = arith.constant 0 : i32
      %dma_start3A_56 = tpu.memref_slice %arg8[%run_scoped3A_25, %dma_start3A_55] : memref<3x128xi32, #tpu.memory_space<vmem>> -> memref<1x128xi32, #tpu.memory_space<vmem>>
      %dma_start3A_57 = tpu.memref_squeeze %dma_start3A_56 : memref<1x128xi32, #tpu.memory_space<vmem>> -> memref<128xi32, #tpu.memory_space<vmem>>
      %dma_start3A_58 = tpu.memref_slice %arg3[%multiple_of3A_23] : memref<320000xi32, #tpu.memory_space<hbm>> -> memref<128xi32, #tpu.memory_space<hbm>>
      tpu.enqueue_dma source(%dma_start3A_58 : memref<128xi32, #tpu.memory_space<hbm>>) target(%dma_start3A_57 : memref<128xi32, #tpu.memory_space<vmem>>) target_semaphore(%run_scoped3A_50 : memref<!tpu.dma_semaphore, #tpu.memory_space<semaphore_mem>>)
      %dma_wait3A = arith.constant 0 : i32
      %dma_wait3A_59 = tpu.memref_slice %arg8[%run_scoped3A_25, %dma_wait3A] : memref<3x128xi32, #tpu.memory_space<vmem>> -> memref<1x128xi32, #tpu.memory_space<vmem>>
      %dma_wait3A_60 = tpu.memref_squeeze %dma_wait3A_59 : memref<1x128xi32, #tpu.memory_space<vmem>> -> memref<128xi32, #tpu.memory_space<vmem>>
      %dma_wait3A_61 = tpu.memref_slice %arg3[%multiple_of3A_23] : memref<320000xi32, #tpu.memory_space<hbm>> -> memref<128xi32, #tpu.memory_space<hbm>>
      %dma_wait3A_62 = arith.constant 0 : i32
      %dma_wait3A_63 = tpu.memref_slice %arg8[%run_scoped3A_25, %dma_wait3A_62] : memref<3x128xi32, #tpu.memory_space<vmem>> -> memref<1x128xi32, #tpu.memory_space<vmem>>
      %dma_wait3A_64 = tpu.memref_squeeze %dma_wait3A_63 : memref<1x128xi32, #tpu.memory_space<vmem>> -> memref<128xi32, #tpu.memory_space<vmem>>
      %dma_wait3A_65 = tpu.memref_slice %arg3[%multiple_of3A_23] : memref<320000xi32, #tpu.memory_space<hbm>> -> memref<128xi32, #tpu.memory_space<hbm>>
      tpu.wait_dma2 semaphore(%run_scoped3A_50 : memref<!tpu.dma_semaphore, #tpu.memory_space<semaphore_mem>>) src(%dma_wait3A_65 : memref<128xi32, #tpu.memory_space<hbm>>) dst(%dma_wait3A_64 : memref<128xi32, #tpu.memory_space<vmem>>)
      tpu.yield
    }) : () -> ()
    %dma_start3A_26 = arith.constant 1 : i32
    %dma_start3A_27 = arith.constant 1 : i32
    %dma_start3A_28 = arith.constant 0 : i32
    %dma_start3A_29 = arith.constant 0 : i32
    %dma_start3A_30 = tpu.memref_slice %arg9[%dma_start3A_27, %dma_start3A_28, %dma_start3A_29] : memref<3x128x128xf32, #tpu.memory_space<vmem>> -> memref<1x128x128xf32, #tpu.memory_space<vmem>>
    %dma_start3A_31 = tpu.memref_squeeze %dma_start3A_30 : memref<1x128x128xf32, #tpu.memory_space<vmem>> -> memref<128x128xf32, #tpu.memory_space<vmem>>
    %dma_start3A_32 = arith.constant 0 : i32
    %dma_start3A_33 = tpu.memref_slice %arg7[%dma_start3A_26, %dma_start3A_32] : memref<3x128xi32, #tpu.memory_space<vmem>> -> memref<1x128xi32, #tpu.memory_space<vmem>>
    %dma_start3A_34 = tpu.memref_squeeze %dma_start3A_33 : memref<1x128xi32, #tpu.memory_space<vmem>> -> memref<128xi32, #tpu.memory_space<vmem>>
    %dma_start3A_35 = arith.constant 0 : i32
    %dma_start3A_36 = arith.constant 0 : i32
    %dma_start3A_37 = tpu.memref_slice %arg4[%dma_start3A_35, %dma_start3A_36] : memref<10000x128xf32, #tpu.memory_space<hbm>> -> memref<10000x128xf32, #tpu.memory_space<hbm>>
    tpu.enqueue_indirect_dma source(%dma_start3A_37 : memref<10000x128xf32, #tpu.memory_space<hbm>>) target(%dma_start3A_31 : memref<128x128xf32, #tpu.memory_space<vmem>>) offsets(%dma_start3A_34 : memref<128xi32, #tpu.memory_space<vmem>>) semaphore(%arg12 : memref<!tpu.dma_semaphore, #tpu.memory_space<semaphore_mem>>)
    %scan3A = arith.constant 0 : i32
    %scan3A_38 = arith.constant 0 : i32
    %scan3A_39 = arith.constant 26 : i32
    %scan3A_40 = arith.addi %scan3A_38, %scan3A_39 : i32
    %scan3A_41 = arith.constant 1 : i32
    scf.for %scan3A_50 = %scan3A_38 to %scan3A_40 step %scan3A_41  : i32 {
      %mul3A_51 = arith.constant 3 : i32
      %mul3A_52 = arith.muli %mul3A_51, %scan3A_50 : i32
      %add3A_53 = arith.constant 0 : i32
      %add3A_54 = arith.addi %mul3A_52, %add3A_53 : i32
      %add3A_55 = arith.constant 2 : i32
      %add3A_56 = arith.addi %add3A_54, %add3A_55 : i32
      %lt3A_57 = arith.constant 78 : i32
      %lt3A_58 = arith.cmpi slt, %add3A_56, %lt3A_57 : i32
      %convert_element_type3A_59 = arith.extui %lt3A_58 : i1 to i32
      %cond3A_60 = arith.constant 0 : i32
      %cond3A_61 = arith.cmpi ne, %convert_element_type3A_59, %cond3A_60 : i32
      scf.if %cond3A_61 {
        %add3A_125 = arith.constant 2 : i32
        %add3A_126 = arith.addi %add3A_54, %add3A_125 : i32
        %mul3A_127 = arith.constant 4096 : i32
        %mul3A_128 = arith.muli %add3A_126, %mul3A_127 : i32
        %mul3A_129 = arith.constant 128 : i32
        %mul3A_130 = arith.muli %add3A, %mul3A_129 : i32
        %add3A_131 = arith.addi %mul3A_128, %mul3A_130 : i32
        %multiple_of3A_132 = tpu.assume_multiple %add3A_131, 128 : i32
        %run_scoped3A_133 = arith.constant 2 : i32
        "tpu.region"() ({
          %run_scoped3A_147 = tpu.sem_alloc : memref<!tpu.dma_semaphore, #tpu.memory_space<semaphore_mem>>
          %dma_start3A_148 = arith.constant 0 : i32
          %dma_start3A_149 = tpu.memref_slice %arg7[%run_scoped3A_133, %dma_start3A_148] : memref<3x128xi32, #tpu.memory_space<vmem>> -> memref<1x128xi32, #tpu.memory_space<vmem>>
          %dma_start3A_150 = tpu.memref_squeeze %dma_start3A_149 : memref<1x128xi32, #tpu.memory_space<vmem>> -> memref<128xi32, #tpu.memory_space<vmem>>
          %dma_start3A_151 = tpu.memref_slice %arg2[%multiple_of3A_132] : memref<320000xi32, #tpu.memory_space<hbm>> -> memref<128xi32, #tpu.memory_space<hbm>>
          %dma_start3A_152 = arith.constant 0 : i32
          %dma_start3A_153 = tpu.memref_slice %arg7[%run_scoped3A_133, %dma_start3A_152] : memref<3x128xi32, #tpu.memory_space<vmem>> -> memref<1x128xi32, #tpu.memory_space<vmem>>
          %dma_start3A_154 = tpu.memref_squeeze %dma_start3A_153 : memref<1x128xi32, #tpu.memory_space<vmem>> -> memref<128xi32, #tpu.memory_space<vmem>>
          %dma_start3A_155 = tpu.memref_slice %arg2[%multiple_of3A_132] : memref<320000xi32, #tpu.memory_space<hbm>> -> memref<128xi32, #tpu.memory_space<hbm>>
          tpu.enqueue_dma source(%dma_start3A_155 : memref<128xi32, #tpu.memory_space<hbm>>) target(%dma_start3A_154 : memref<128xi32, #tpu.memory_space<vmem>>) target_semaphore(%run_scoped3A_147 : memref<!tpu.dma_semaphore, #tpu.memory_space<semaphore_mem>>)
          %dma_wait3A_156 = arith.constant 0 : i32
          %dma_wait3A_157 = tpu.memref_slice %arg7[%run_scoped3A_133, %dma_wait3A_156] : memref<3x128xi32, #tpu.memory_space<vmem>> -> memref<1x128xi32, #tpu.memory_space<vmem>>
          %dma_wait3A_158 = tpu.memref_squeeze %dma_wait3A_157 : memref<1x128xi32, #tpu.memory_space<vmem>> -> memref<128xi32, #tpu.memory_space<vmem>>
          %dma_wait3A_159 = tpu.memref_slice %arg2[%multiple_of3A_132] : memref<320000xi32, #tpu.memory_space<hbm>> -> memref<128xi32, #tpu.memory_space<hbm>>
          %dma_wait3A_160 = arith.constant 0 : i32
          %dma_wait3A_161 = tpu.memref_slice %arg7[%run_scoped3A_133, %dma_wait3A_160] : memref<3x128xi32, #tpu.memory_space<vmem>> -> memref<1x128xi32, #tpu.memory_space<vmem>>
          %dma_wait3A_162 = tpu.memref_squeeze %dma_wait3A_161 : memref<1x128xi32, #tpu.memory_space<vmem>> -> memref<128xi32, #tpu.memory_space<vmem>>
          %dma_wait3A_163 = tpu.memref_slice %arg2[%multiple_of3A_132] : memref<320000xi32, #tpu.memory_space<hbm>> -> memref<128xi32, #tpu.memory_space<hbm>>
          tpu.wait_dma2 semaphore(%run_scoped3A_147 : memref<!tpu.dma_semaphore, #tpu.memory_space<semaphore_mem>>) src(%dma_wait3A_163 : memref<128xi32, #tpu.memory_space<hbm>>) dst(%dma_wait3A_162 : memref<128xi32, #tpu.memory_space<vmem>>)
          tpu.yield
        }) : () -> ()
        %run_scoped3A_134 = arith.constant 2 : i32
        "tpu.region"() ({
          %run_scoped3A_147 = tpu.sem_alloc : memref<!tpu.dma_semaphore, #tpu.memory_space<semaphore_mem>>
          %dma_start3A_148 = arith.constant 0 : i32
          %dma_start3A_149 = tpu.memref_slice %arg8[%run_scoped3A_134, %dma_start3A_148] : memref<3x128xi32, #tpu.memory_space<vmem>> -> memref<1x128xi32, #tpu.memory_space<vmem>>
          %dma_start3A_150 = tpu.memref_squeeze %dma_start3A_149 : memref<1x128xi32, #tpu.memory_space<vmem>> -> memref<128xi32, #tpu.memory_space<vmem>>
          %dma_start3A_151 = tpu.memref_slice %arg3[%multiple_of3A_132] : memref<320000xi32, #tpu.memory_space<hbm>> -> memref<128xi32, #tpu.memory_space<hbm>>
          %dma_start3A_152 = arith.constant 0 : i32
          %dma_start3A_153 = tpu.memref_slice %arg8[%run_scoped3A_134, %dma_start3A_152] : memref<3x128xi32, #tpu.memory_space<vmem>> -> memref<1x128xi32, #tpu.memory_space<vmem>>
          %dma_start3A_154 = tpu.memref_squeeze %dma_start3A_153 : memref<1x128xi32, #tpu.memory_space<vmem>> -> memref<128xi32, #tpu.memory_space<vmem>>
          %dma_start3A_155 = tpu.memref_slice %arg3[%multiple_of3A_132] : memref<320000xi32, #tpu.memory_space<hbm>> -> memref<128xi32, #tpu.memory_space<hbm>>
          tpu.enqueue_dma source(%dma_start3A_155 : memref<128xi32, #tpu.memory_space<hbm>>) target(%dma_start3A_154 : memref<128xi32, #tpu.memory_space<vmem>>) target_semaphore(%run_scoped3A_147 : memref<!tpu.dma_semaphore, #tpu.memory_space<semaphore_mem>>)
          %dma_wait3A_156 = arith.constant 0 : i32
          %dma_wait3A_157 = tpu.memref_slice %arg8[%run_scoped3A_134, %dma_wait3A_156] : memref<3x128xi32, #tpu.memory_space<vmem>> -> memref<1x128xi32, #tpu.memory_space<vmem>>
          %dma_wait3A_158 = tpu.memref_squeeze %dma_wait3A_157 : memref<1x128xi32, #tpu.memory_space<vmem>> -> memref<128xi32, #tpu.memory_space<vmem>>
          %dma_wait3A_159 = tpu.memref_slice %arg3[%multiple_of3A_132] : memref<320000xi32, #tpu.memory_space<hbm>> -> memref<128xi32, #tpu.memory_space<hbm>>
          %dma_wait3A_160 = arith.constant 0 : i32
          %dma_wait3A_161 = tpu.memref_slice %arg8[%run_scoped3A_134, %dma_wait3A_160] : memref<3x128xi32, #tpu.memory_space<vmem>> -> memref<1x128xi32, #tpu.memory_space<vmem>>
          %dma_wait3A_162 = tpu.memref_squeeze %dma_wait3A_161 : memref<1x128xi32, #tpu.memory_space<vmem>> -> memref<128xi32, #tpu.memory_space<vmem>>
          %dma_wait3A_163 = tpu.memref_slice %arg3[%multiple_of3A_132] : memref<320000xi32, #tpu.memory_space<hbm>> -> memref<128xi32, #tpu.memory_space<hbm>>
          tpu.wait_dma2 semaphore(%run_scoped3A_147 : memref<!tpu.dma_semaphore, #tpu.memory_space<semaphore_mem>>) src(%dma_wait3A_163 : memref<128xi32, #tpu.memory_space<hbm>>) dst(%dma_wait3A_162 : memref<128xi32, #tpu.memory_space<vmem>>)
          tpu.yield
        }) : () -> ()
        %dma_start3A_135 = arith.constant 2 : i32
        %dma_start3A_136 = arith.constant 2 : i32
        %dma_start3A_137 = arith.constant 0 : i32
        %dma_start3A_138 = arith.constant 0 : i32
        %dma_start3A_139 = tpu.memref_slice %arg9[%dma_start3A_136, %dma_start3A_137, %dma_start3A_138] : memref<3x128x128xf32, #tpu.memory_space<vmem>> -> memref<1x128x128xf32, #tpu.memory_space<vmem>>
        %dma_start3A_140 = tpu.memref_squeeze %dma_start3A_139 : memref<1x128x128xf32, #tpu.memory_space<vmem>> -> memref<128x128xf32, #tpu.memory_space<vmem>>
        %dma_start3A_141 = arith.constant 0 : i32
        %dma_start3A_142 = tpu.memref_slice %arg7[%dma_start3A_135, %dma_start3A_141] : memref<3x128xi32, #tpu.memory_space<vmem>> -> memref<1x128xi32, #tpu.memory_space<vmem>>
        %dma_start3A_143 = tpu.memref_squeeze %dma_start3A_142 : memref<1x128xi32, #tpu.memory_space<vmem>> -> memref<128xi32, #tpu.memory_space<vmem>>
        %dma_start3A_144 = arith.constant 0 : i32
        %dma_start3A_145 = arith.constant 0 : i32
        %dma_start3A_146 = tpu.memref_slice %arg4[%dma_start3A_144, %dma_start3A_145] : memref<10000x128xf32, #tpu.memory_space<hbm>> -> memref<10000x128xf32, #tpu.memory_space<hbm>>
        tpu.enqueue_indirect_dma source(%dma_start3A_146 : memref<10000x128xf32, #tpu.memory_space<hbm>>) target(%dma_start3A_140 : memref<128x128xf32, #tpu.memory_space<vmem>>) offsets(%dma_start3A_143 : memref<128xi32, #tpu.memory_space<vmem>>) semaphore(%arg13 : memref<!tpu.dma_semaphore, #tpu.memory_space<semaphore_mem>>)
      } else {
      }
      %dma_wait3A = arith.constant 0 : i32
      %dma_wait3A_62 = arith.constant 0 : i32
      %dma_wait3A_63 = arith.constant 0 : i32
      %dma_wait3A_64 = arith.constant 0 : i32
      %dma_wait3A_65 = tpu.memref_slice %arg9[%dma_wait3A_62, %dma_wait3A_63, %dma_wait3A_64] : memref<3x128x128xf32, #tpu.memory_space<vmem>> -> memref<1x128x128xf32, #tpu.memory_space<vmem>>
      %dma_wait3A_66 = tpu.memref_squeeze %dma_wait3A_65 : memref<1x128x128xf32, #tpu.memory_space<vmem>> -> memref<128x128xf32, #tpu.memory_space<vmem>>
      %dma_wait3A_67 = arith.constant 0 : i32
      %dma_wait3A_68 = tpu.memref_slice %arg7[%dma_wait3A, %dma_wait3A_67] : memref<3x128xi32, #tpu.memory_space<vmem>> -> memref<1x128xi32, #tpu.memory_space<vmem>>
      %dma_wait3A_69 = tpu.memref_squeeze %dma_wait3A_68 : memref<1x128xi32, #tpu.memory_space<vmem>> -> memref<128xi32, #tpu.memory_space<vmem>>
      %dma_wait3A_70 = arith.constant 0 : i32
      %dma_wait3A_71 = arith.constant 0 : i32
      %dma_wait3A_72 = tpu.memref_slice %arg4[%dma_wait3A_70, %dma_wait3A_71] : memref<10000x128xf32, #tpu.memory_space<hbm>> -> memref<10000x128xf32, #tpu.memory_space<hbm>>
      tpu.wait_indirect_dma semaphore(%arg11 : memref<!tpu.dma_semaphore, #tpu.memory_space<semaphore_mem>>) src(%dma_wait3A_72 : memref<10000x128xf32, #tpu.memory_space<hbm>>) dst(%dma_wait3A_66 : memref<128x128xf32, #tpu.memory_space<vmem>>)
      %run_scoped3A_73 = arith.constant 0 : i32
      %run_scoped3A_74 = arith.constant 0 : i32
      "tpu.region"() ({
        %run_scoped3A_125 = tpu.sem_alloc : memref<!tpu.dma_semaphore, #tpu.memory_space<semaphore_mem>>
        %dma_start3A_126 = arith.constant 0 : i32
        %dma_start3A_127 = arith.constant 0 : i32
        %dma_start3A_128 = tpu.memref_slice %arg9[%run_scoped3A_73, %dma_start3A_126, %dma_start3A_127] : memref<3x128x128xf32, #tpu.memory_space<vmem>> -> memref<1x128x128xf32, #tpu.memory_space<vmem>>
        %dma_start3A_129 = tpu.memref_squeeze %dma_start3A_128 : memref<1x128x128xf32, #tpu.memory_space<vmem>> -> memref<128x128xf32, #tpu.memory_space<vmem>>
        %dma_start3A_130 = arith.constant 0 : i32
        %dma_start3A_131 = tpu.memref_slice %arg8[%run_scoped3A_74, %dma_start3A_130] : memref<3x128xi32, #tpu.memory_space<vmem>> -> memref<1x128xi32, #tpu.memory_space<vmem>>
        %dma_start3A_132 = tpu.memref_squeeze %dma_start3A_131 : memref<1x128xi32, #tpu.memory_space<vmem>> -> memref<128xi32, #tpu.memory_space<vmem>>
        %dma_start3A_133 = arith.constant 0 : i32
        %dma_start3A_134 = arith.constant 0 : i32
        %dma_start3A_135 = tpu.memref_slice %arg10[%dma_start3A_133, %dma_start3A_134] : memref<10112x128xf32, #tpu.memory_space<vmem_shared>> -> memref<10112x128xf32, #tpu.memory_space<vmem_shared>>
        tpu.enqueue_indirect_dma source(%dma_start3A_129 : memref<128x128xf32, #tpu.memory_space<vmem>>) target(%dma_start3A_135 : memref<10112x128xf32, #tpu.memory_space<vmem_shared>>) offsets(%dma_start3A_132 : memref<128xi32, #tpu.memory_space<vmem>>) semaphore(%run_scoped3A_125 : memref<!tpu.dma_semaphore, #tpu.memory_space<semaphore_mem>>) {add = true}
        %dma_wait3A_136 = arith.constant 0 : i32
        %dma_wait3A_137 = arith.constant 0 : i32
        %dma_wait3A_138 = tpu.memref_slice %arg9[%run_scoped3A_73, %dma_wait3A_136, %dma_wait3A_137] : memref<3x128x128xf32, #tpu.memory_space<vmem>> -> memref<1x128x128xf32, #tpu.memory_space<vmem>>
        %dma_wait3A_139 = tpu.memref_squeeze %dma_wait3A_138 : memref<1x128x128xf32, #tpu.memory_space<vmem>> -> memref<128x128xf32, #tpu.memory_space<vmem>>
        %dma_wait3A_140 = arith.constant 0 : i32
        %dma_wait3A_141 = tpu.memref_slice %arg8[%run_scoped3A_74, %dma_wait3A_140] : memref<3x128xi32, #tpu.memory_space<vmem>> -> memref<1x128xi32, #tpu.memory_space<vmem>>
        %dma_wait3A_142 = tpu.memref_squeeze %dma_wait3A_141 : memref<1x128xi32, #tpu.memory_space<vmem>> -> memref<128xi32, #tpu.memory_space<vmem>>
        %dma_wait3A_143 = arith.constant 0 : i32
        %dma_wait3A_144 = arith.constant 0 : i32
        %dma_wait3A_145 = tpu.memref_slice %arg10[%dma_wait3A_143, %dma_wait3A_144] : memref<10112x128xf32, #tpu.memory_space<vmem_shared>> -> memref<10112x128xf32, #tpu.memory_space<vmem_shared>>
        tpu.wait_indirect_dma semaphore(%run_scoped3A_125 : memref<!tpu.dma_semaphore, #tpu.memory_space<semaphore_mem>>) src(%dma_wait3A_139 : memref<128x128xf32, #tpu.memory_space<vmem>>) dst(%dma_wait3A_145 : memref<10112x128xf32, #tpu.memory_space<vmem_shared>>)
        tpu.yield
      }) : () -> ()
      %mul3A_75 = arith.constant 3 : i32
      %mul3A_76 = arith.muli %mul3A_75, %scan3A_50 : i32
      %add3A_77 = arith.constant 1 : i32
      %add3A_78 = arith.addi %mul3A_76, %add3A_77 : i32
      %add3A_79 = arith.constant 2 : i32
      %add3A_80 = arith.addi %add3A_78, %add3A_79 : i32
      %lt3A_81 = arith.constant 78 : i32
      %lt3A_82 = arith.cmpi slt, %add3A_80, %lt3A_81 : i32
      %convert_element_type3A_83 = arith.extui %lt3A_82 : i1 to i32
      %cond3A_84 = arith.constant 0 : i32
      %cond3A_85 = arith.cmpi ne, %convert_element_type3A_83, %cond3A_84 : i32
      scf.if %cond3A_85 {
        %add3A_125 = arith.constant 2 : i32
        %add3A_126 = arith.addi %add3A_78, %add3A_125 : i32
        %mul3A_127 = arith.constant 4096 : i32
        %mul3A_128 = arith.muli %add3A_126, %mul3A_127 : i32
        %mul3A_129 = arith.constant 128 : i32
        %mul3A_130 = arith.muli %add3A, %mul3A_129 : i32
        %add3A_131 = arith.addi %mul3A_128, %mul3A_130 : i32
        %multiple_of3A_132 = tpu.assume_multiple %add3A_131, 128 : i32
        %run_scoped3A_133 = arith.constant 0 : i32
        "tpu.region"() ({
          %run_scoped3A_147 = tpu.sem_alloc : memref<!tpu.dma_semaphore, #tpu.memory_space<semaphore_mem>>
          %dma_start3A_148 = arith.constant 0 : i32
          %dma_start3A_149 = tpu.memref_slice %arg7[%run_scoped3A_133, %dma_start3A_148] : memref<3x128xi32, #tpu.memory_space<vmem>> -> memref<1x128xi32, #tpu.memory_space<vmem>>
          %dma_start3A_150 = tpu.memref_squeeze %dma_start3A_149 : memref<1x128xi32, #tpu.memory_space<vmem>> -> memref<128xi32, #tpu.memory_space<vmem>>
          %dma_start3A_151 = tpu.memref_slice %arg2[%multiple_of3A_132] : memref<320000xi32, #tpu.memory_space<hbm>> -> memref<128xi32, #tpu.memory_space<hbm>>
          %dma_start3A_152 = arith.constant 0 : i32
          %dma_start3A_153 = tpu.memref_slice %arg7[%run_scoped3A_133, %dma_start3A_152] : memref<3x128xi32, #tpu.memory_space<vmem>> -> memref<1x128xi32, #tpu.memory_space<vmem>>
          %dma_start3A_154 = tpu.memref_squeeze %dma_start3A_153 : memref<1x128xi32, #tpu.memory_space<vmem>> -> memref<128xi32, #tpu.memory_space<vmem>>
          %dma_start3A_155 = tpu.memref_slice %arg2[%multiple_of3A_132] : memref<320000xi32, #tpu.memory_space<hbm>> -> memref<128xi32, #tpu.memory_space<hbm>>
          tpu.enqueue_dma source(%dma_start3A_155 : memref<128xi32, #tpu.memory_space<hbm>>) target(%dma_start3A_154 : memref<128xi32, #tpu.memory_space<vmem>>) target_semaphore(%run_scoped3A_147 : memref<!tpu.dma_semaphore, #tpu.memory_space<semaphore_mem>>)
          %dma_wait3A_156 = arith.constant 0 : i32
          %dma_wait3A_157 = tpu.memref_slice %arg7[%run_scoped3A_133, %dma_wait3A_156] : memref<3x128xi32, #tpu.memory_space<vmem>> -> memref<1x128xi32, #tpu.memory_space<vmem>>
          %dma_wait3A_158 = tpu.memref_squeeze %dma_wait3A_157 : memref<1x128xi32, #tpu.memory_space<vmem>> -> memref<128xi32, #tpu.memory_space<vmem>>
          %dma_wait3A_159 = tpu.memref_slice %arg2[%multiple_of3A_132] : memref<320000xi32, #tpu.memory_space<hbm>> -> memref<128xi32, #tpu.memory_space<hbm>>
          %dma_wait3A_160 = arith.constant 0 : i32
          %dma_wait3A_161 = tpu.memref_slice %arg7[%run_scoped3A_133, %dma_wait3A_160] : memref<3x128xi32, #tpu.memory_space<vmem>> -> memref<1x128xi32, #tpu.memory_space<vmem>>
          %dma_wait3A_162 = tpu.memref_squeeze %dma_wait3A_161 : memref<1x128xi32, #tpu.memory_space<vmem>> -> memref<128xi32, #tpu.memory_space<vmem>>
          %dma_wait3A_163 = tpu.memref_slice %arg2[%multiple_of3A_132] : memref<320000xi32, #tpu.memory_space<hbm>> -> memref<128xi32, #tpu.memory_space<hbm>>
          tpu.wait_dma2 semaphore(%run_scoped3A_147 : memref<!tpu.dma_semaphore, #tpu.memory_space<semaphore_mem>>) src(%dma_wait3A_163 : memref<128xi32, #tpu.memory_space<hbm>>) dst(%dma_wait3A_162 : memref<128xi32, #tpu.memory_space<vmem>>)
          tpu.yield
        }) : () -> ()
        %run_scoped3A_134 = arith.constant 0 : i32
        "tpu.region"() ({
          %run_scoped3A_147 = tpu.sem_alloc : memref<!tpu.dma_semaphore, #tpu.memory_space<semaphore_mem>>
          %dma_start3A_148 = arith.constant 0 : i32
          %dma_start3A_149 = tpu.memref_slice %arg8[%run_scoped3A_134, %dma_start3A_148] : memref<3x128xi32, #tpu.memory_space<vmem>> -> memref<1x128xi32, #tpu.memory_space<vmem>>
          %dma_start3A_150 = tpu.memref_squeeze %dma_start3A_149 : memref<1x128xi32, #tpu.memory_space<vmem>> -> memref<128xi32, #tpu.memory_space<vmem>>
          %dma_start3A_151 = tpu.memref_slice %arg3[%multiple_of3A_132] : memref<320000xi32, #tpu.memory_space<hbm>> -> memref<128xi32, #tpu.memory_space<hbm>>
          %dma_start3A_152 = arith.constant 0 : i32
          %dma_start3A_153 = tpu.memref_slice %arg8[%run_scoped3A_134, %dma_start3A_152] : memref<3x128xi32, #tpu.memory_space<vmem>> -> memref<1x128xi32, #tpu.memory_space<vmem>>
          %dma_start3A_154 = tpu.memref_squeeze %dma_start3A_153 : memref<1x128xi32, #tpu.memory_space<vmem>> -> memref<128xi32, #tpu.memory_space<vmem>>
          %dma_start3A_155 = tpu.memref_slice %arg3[%multiple_of3A_132] : memref<320000xi32, #tpu.memory_space<hbm>> -> memref<128xi32, #tpu.memory_space<hbm>>
          tpu.enqueue_dma source(%dma_start3A_155 : memref<128xi32, #tpu.memory_space<hbm>>) target(%dma_start3A_154 : memref<128xi32, #tpu.memory_space<vmem>>) target_semaphore(%run_scoped3A_147 : memref<!tpu.dma_semaphore, #tpu.memory_space<semaphore_mem>>)
          %dma_wait3A_156 = arith.constant 0 : i32
          %dma_wait3A_157 = tpu.memref_slice %arg8[%run_scoped3A_134, %dma_wait3A_156] : memref<3x128xi32, #tpu.memory_space<vmem>> -> memref<1x128xi32, #tpu.memory_space<vmem>>
          %dma_wait3A_158 = tpu.memref_squeeze %dma_wait3A_157 : memref<1x128xi32, #tpu.memory_space<vmem>> -> memref<128xi32, #tpu.memory_space<vmem>>
          %dma_wait3A_159 = tpu.memref_slice %arg3[%multiple_of3A_132] : memref<320000xi32, #tpu.memory_space<hbm>> -> memref<128xi32, #tpu.memory_space<hbm>>
          %dma_wait3A_160 = arith.constant 0 : i32
          %dma_wait3A_161 = tpu.memref_slice %arg8[%run_scoped3A_134, %dma_wait3A_160] : memref<3x128xi32, #tpu.memory_space<vmem>> -> memref<1x128xi32, #tpu.memory_space<vmem>>
          %dma_wait3A_162 = tpu.memref_squeeze %dma_wait3A_161 : memref<1x128xi32, #tpu.memory_space<vmem>> -> memref<128xi32, #tpu.memory_space<vmem>>
          %dma_wait3A_163 = tpu.memref_slice %arg3[%multiple_of3A_132] : memref<320000xi32, #tpu.memory_space<hbm>> -> memref<128xi32, #tpu.memory_space<hbm>>
          tpu.wait_dma2 semaphore(%run_scoped3A_147 : memref<!tpu.dma_semaphore, #tpu.memory_space<semaphore_mem>>) src(%dma_wait3A_163 : memref<128xi32, #tpu.memory_space<hbm>>) dst(%dma_wait3A_162 : memref<128xi32, #tpu.memory_space<vmem>>)
          tpu.yield
        }) : () -> ()
        %dma_start3A_135 = arith.constant 0 : i32
        %dma_start3A_136 = arith.constant 0 : i32
        %dma_start3A_137 = arith.constant 0 : i32
        %dma_start3A_138 = arith.constant 0 : i32
        %dma_start3A_139 = tpu.memref_slice %arg9[%dma_start3A_136, %dma_start3A_137, %dma_start3A_138] : memref<3x128x128xf32, #tpu.memory_space<vmem>> -> memref<1x128x128xf32, #tpu.memory_space<vmem>>
        %dma_start3A_140 = tpu.memref_squeeze %dma_start3A_139 : memref<1x128x128xf32, #tpu.memory_space<vmem>> -> memref<128x128xf32, #tpu.memory_space<vmem>>
        %dma_start3A_141 = arith.constant 0 : i32
        %dma_start3A_142 = tpu.memref_slice %arg7[%dma_start3A_135, %dma_start3A_141] : memref<3x128xi32, #tpu.memory_space<vmem>> -> memref<1x128xi32, #tpu.memory_space<vmem>>
        %dma_start3A_143 = tpu.memref_squeeze %dma_start3A_142 : memref<1x128xi32, #tpu.memory_space<vmem>> -> memref<128xi32, #tpu.memory_space<vmem>>
        %dma_start3A_144 = arith.constant 0 : i32
        %dma_start3A_145 = arith.constant 0 : i32
        %dma_start3A_146 = tpu.memref_slice %arg4[%dma_start3A_144, %dma_start3A_145] : memref<10000x128xf32, #tpu.memory_space<hbm>> -> memref<10000x128xf32, #tpu.memory_space<hbm>>
        tpu.enqueue_indirect_dma source(%dma_start3A_146 : memref<10000x128xf32, #tpu.memory_space<hbm>>) target(%dma_start3A_140 : memref<128x128xf32, #tpu.memory_space<vmem>>) offsets(%dma_start3A_143 : memref<128xi32, #tpu.memory_space<vmem>>) semaphore(%arg11 : memref<!tpu.dma_semaphore, #tpu.memory_space<semaphore_mem>>)
      } else {
      }
      %dma_wait3A_86 = arith.constant 1 : i32
      %dma_wait3A_87 = arith.constant 1 : i32
      %dma_wait3A_88 = arith.constant 0 : i32
      %dma_wait3A_89 = arith.constant 0 : i32
      %dma_wait3A_90 = tpu.memref_slice %arg9[%dma_wait3A_87, %dma_wait3A_88, %dma_wait3A_89] : memref<3x128x128xf32, #tpu.memory_space<vmem>> -> memref<1x128x128xf32, #tpu.memory_space<vmem>>
      %dma_wait3A_91 = tpu.memref_squeeze %dma_wait3A_90 : memref<1x128x128xf32, #tpu.memory_space<vmem>> -> memref<128x128xf32, #tpu.memory_space<vmem>>
      %dma_wait3A_92 = arith.constant 0 : i32
      %dma_wait3A_93 = tpu.memref_slice %arg7[%dma_wait3A_86, %dma_wait3A_92] : memref<3x128xi32, #tpu.memory_space<vmem>> -> memref<1x128xi32, #tpu.memory_space<vmem>>
      %dma_wait3A_94 = tpu.memref_squeeze %dma_wait3A_93 : memref<1x128xi32, #tpu.memory_space<vmem>> -> memref<128xi32, #tpu.memory_space<vmem>>
      %dma_wait3A_95 = arith.constant 0 : i32
      %dma_wait3A_96 = arith.constant 0 : i32
      %dma_wait3A_97 = tpu.memref_slice %arg4[%dma_wait3A_95, %dma_wait3A_96] : memref<10000x128xf32, #tpu.memory_space<hbm>> -> memref<10000x128xf32, #tpu.memory_space<hbm>>
      tpu.wait_indirect_dma semaphore(%arg12 : memref<!tpu.dma_semaphore, #tpu.memory_space<semaphore_mem>>) src(%dma_wait3A_97 : memref<10000x128xf32, #tpu.memory_space<hbm>>) dst(%dma_wait3A_91 : memref<128x128xf32, #tpu.memory_space<vmem>>)
      %run_scoped3A_98 = arith.constant 1 : i32
      %run_scoped3A_99 = arith.constant 1 : i32
      "tpu.region"() ({
        %run_scoped3A_125 = tpu.sem_alloc : memref<!tpu.dma_semaphore, #tpu.memory_space<semaphore_mem>>
        %dma_start3A_126 = arith.constant 0 : i32
        %dma_start3A_127 = arith.constant 0 : i32
        %dma_start3A_128 = tpu.memref_slice %arg9[%run_scoped3A_98, %dma_start3A_126, %dma_start3A_127] : memref<3x128x128xf32, #tpu.memory_space<vmem>> -> memref<1x128x128xf32, #tpu.memory_space<vmem>>
        %dma_start3A_129 = tpu.memref_squeeze %dma_start3A_128 : memref<1x128x128xf32, #tpu.memory_space<vmem>> -> memref<128x128xf32, #tpu.memory_space<vmem>>
        %dma_start3A_130 = arith.constant 0 : i32
        %dma_start3A_131 = tpu.memref_slice %arg8[%run_scoped3A_99, %dma_start3A_130] : memref<3x128xi32, #tpu.memory_space<vmem>> -> memref<1x128xi32, #tpu.memory_space<vmem>>
        %dma_start3A_132 = tpu.memref_squeeze %dma_start3A_131 : memref<1x128xi32, #tpu.memory_space<vmem>> -> memref<128xi32, #tpu.memory_space<vmem>>
        %dma_start3A_133 = arith.constant 0 : i32
        %dma_start3A_134 = arith.constant 0 : i32
        %dma_start3A_135 = tpu.memref_slice %arg10[%dma_start3A_133, %dma_start3A_134] : memref<10112x128xf32, #tpu.memory_space<vmem_shared>> -> memref<10112x128xf32, #tpu.memory_space<vmem_shared>>
        tpu.enqueue_indirect_dma source(%dma_start3A_129 : memref<128x128xf32, #tpu.memory_space<vmem>>) target(%dma_start3A_135 : memref<10112x128xf32, #tpu.memory_space<vmem_shared>>) offsets(%dma_start3A_132 : memref<128xi32, #tpu.memory_space<vmem>>) semaphore(%run_scoped3A_125 : memref<!tpu.dma_semaphore, #tpu.memory_space<semaphore_mem>>) {add = true}
        %dma_wait3A_136 = arith.constant 0 : i32
        %dma_wait3A_137 = arith.constant 0 : i32
        %dma_wait3A_138 = tpu.memref_slice %arg9[%run_scoped3A_98, %dma_wait3A_136, %dma_wait3A_137] : memref<3x128x128xf32, #tpu.memory_space<vmem>> -> memref<1x128x128xf32, #tpu.memory_space<vmem>>
        %dma_wait3A_139 = tpu.memref_squeeze %dma_wait3A_138 : memref<1x128x128xf32, #tpu.memory_space<vmem>> -> memref<128x128xf32, #tpu.memory_space<vmem>>
        %dma_wait3A_140 = arith.constant 0 : i32
        %dma_wait3A_141 = tpu.memref_slice %arg8[%run_scoped3A_99, %dma_wait3A_140] : memref<3x128xi32, #tpu.memory_space<vmem>> -> memref<1x128xi32, #tpu.memory_space<vmem>>
        %dma_wait3A_142 = tpu.memref_squeeze %dma_wait3A_141 : memref<1x128xi32, #tpu.memory_space<vmem>> -> memref<128xi32, #tpu.memory_space<vmem>>
        %dma_wait3A_143 = arith.constant 0 : i32
        %dma_wait3A_144 = arith.constant 0 : i32
        %dma_wait3A_145 = tpu.memref_slice %arg10[%dma_wait3A_143, %dma_wait3A_144] : memref<10112x128xf32, #tpu.memory_space<vmem_shared>> -> memref<10112x128xf32, #tpu.memory_space<vmem_shared>>
        tpu.wait_indirect_dma semaphore(%run_scoped3A_125 : memref<!tpu.dma_semaphore, #tpu.memory_space<semaphore_mem>>) src(%dma_wait3A_139 : memref<128x128xf32, #tpu.memory_space<vmem>>) dst(%dma_wait3A_145 : memref<10112x128xf32, #tpu.memory_space<vmem_shared>>)
        tpu.yield
      }) : () -> ()
      %mul3A_100 = arith.constant 3 : i32
      %mul3A_101 = arith.muli %mul3A_100, %scan3A_50 : i32
      %add3A_102 = arith.constant 2 : i32
      %add3A_103 = arith.addi %mul3A_101, %add3A_102 : i32
      %add3A_104 = arith.constant 2 : i32
      %add3A_105 = arith.addi %add3A_103, %add3A_104 : i32
      %lt3A_106 = arith.constant 78 : i32
      %lt3A_107 = arith.cmpi slt, %add3A_105, %lt3A_106 : i32
      %convert_element_type3A_108 = arith.extui %lt3A_107 : i1 to i32
      %cond3A_109 = arith.constant 0 : i32
      %cond3A_110 = arith.cmpi ne, %convert_element_type3A_108, %cond3A_109 : i32
      scf.if %cond3A_110 {
        %add3A_125 = arith.constant 2 : i32
        %add3A_126 = arith.addi %add3A_103, %add3A_125 : i32
        %mul3A_127 = arith.constant 4096 : i32
        %mul3A_128 = arith.muli %add3A_126, %mul3A_127 : i32
        %mul3A_129 = arith.constant 128 : i32
        %mul3A_130 = arith.muli %add3A, %mul3A_129 : i32
        %add3A_131 = arith.addi %mul3A_128, %mul3A_130 : i32
        %multiple_of3A_132 = tpu.assume_multiple %add3A_131, 128 : i32
        %run_scoped3A_133 = arith.constant 1 : i32
        "tpu.region"() ({
          %run_scoped3A_147 = tpu.sem_alloc : memref<!tpu.dma_semaphore, #tpu.memory_space<semaphore_mem>>
          %dma_start3A_148 = arith.constant 0 : i32
          %dma_start3A_149 = tpu.memref_slice %arg7[%run_scoped3A_133, %dma_start3A_148] : memref<3x128xi32, #tpu.memory_space<vmem>> -> memref<1x128xi32, #tpu.memory_space<vmem>>
          %dma_start3A_150 = tpu.memref_squeeze %dma_start3A_149 : memref<1x128xi32, #tpu.memory_space<vmem>> -> memref<128xi32, #tpu.memory_space<vmem>>
          %dma_start3A_151 = tpu.memref_slice %arg2[%multiple_of3A_132] : memref<320000xi32, #tpu.memory_space<hbm>> -> memref<128xi32, #tpu.memory_space<hbm>>
          %dma_start3A_152 = arith.constant 0 : i32
          %dma_start3A_153 = tpu.memref_slice %arg7[%run_scoped3A_133, %dma_start3A_152] : memref<3x128xi32, #tpu.memory_space<vmem>> -> memref<1x128xi32, #tpu.memory_space<vmem>>
          %dma_start3A_154 = tpu.memref_squeeze %dma_start3A_153 : memref<1x128xi32, #tpu.memory_space<vmem>> -> memref<128xi32, #tpu.memory_space<vmem>>
          %dma_start3A_155 = tpu.memref_slice %arg2[%multiple_of3A_132] : memref<320000xi32, #tpu.memory_space<hbm>> -> memref<128xi32, #tpu.memory_space<hbm>>
          tpu.enqueue_dma source(%dma_start3A_155 : memref<128xi32, #tpu.memory_space<hbm>>) target(%dma_start3A_154 : memref<128xi32, #tpu.memory_space<vmem>>) target_semaphore(%run_scoped3A_147 : memref<!tpu.dma_semaphore, #tpu.memory_space<semaphore_mem>>)
          %dma_wait3A_156 = arith.constant 0 : i32
          %dma_wait3A_157 = tpu.memref_slice %arg7[%run_scoped3A_133, %dma_wait3A_156] : memref<3x128xi32, #tpu.memory_space<vmem>> -> memref<1x128xi32, #tpu.memory_space<vmem>>
          %dma_wait3A_158 = tpu.memref_squeeze %dma_wait3A_157 : memref<1x128xi32, #tpu.memory_space<vmem>> -> memref<128xi32, #tpu.memory_space<vmem>>
          %dma_wait3A_159 = tpu.memref_slice %arg2[%multiple_of3A_132] : memref<320000xi32, #tpu.memory_space<hbm>> -> memref<128xi32, #tpu.memory_space<hbm>>
          %dma_wait3A_160 = arith.constant 0 : i32
          %dma_wait3A_161 = tpu.memref_slice %arg7[%run_scoped3A_133, %dma_wait3A_160] : memref<3x128xi32, #tpu.memory_space<vmem>> -> memref<1x128xi32, #tpu.memory_space<vmem>>
          %dma_wait3A_162 = tpu.memref_squeeze %dma_wait3A_161 : memref<1x128xi32, #tpu.memory_space<vmem>> -> memref<128xi32, #tpu.memory_space<vmem>>
          %dma_wait3A_163 = tpu.memref_slice %arg2[%multiple_of3A_132] : memref<320000xi32, #tpu.memory_space<hbm>> -> memref<128xi32, #tpu.memory_space<hbm>>
          tpu.wait_dma2 semaphore(%run_scoped3A_147 : memref<!tpu.dma_semaphore, #tpu.memory_space<semaphore_mem>>) src(%dma_wait3A_163 : memref<128xi32, #tpu.memory_space<hbm>>) dst(%dma_wait3A_162 : memref<128xi32, #tpu.memory_space<vmem>>)
          tpu.yield
        }) : () -> ()
        %run_scoped3A_134 = arith.constant 1 : i32
        "tpu.region"() ({
          %run_scoped3A_147 = tpu.sem_alloc : memref<!tpu.dma_semaphore, #tpu.memory_space<semaphore_mem>>
          %dma_start3A_148 = arith.constant 0 : i32
          %dma_start3A_149 = tpu.memref_slice %arg8[%run_scoped3A_134, %dma_start3A_148] : memref<3x128xi32, #tpu.memory_space<vmem>> -> memref<1x128xi32, #tpu.memory_space<vmem>>
          %dma_start3A_150 = tpu.memref_squeeze %dma_start3A_149 : memref<1x128xi32, #tpu.memory_space<vmem>> -> memref<128xi32, #tpu.memory_space<vmem>>
          %dma_start3A_151 = tpu.memref_slice %arg3[%multiple_of3A_132] : memref<320000xi32, #tpu.memory_space<hbm>> -> memref<128xi32, #tpu.memory_space<hbm>>
          %dma_start3A_152 = arith.constant 0 : i32
          %dma_start3A_153 = tpu.memref_slice %arg8[%run_scoped3A_134, %dma_start3A_152] : memref<3x128xi32, #tpu.memory_space<vmem>> -> memref<1x128xi32, #tpu.memory_space<vmem>>
          %dma_start3A_154 = tpu.memref_squeeze %dma_start3A_153 : memref<1x128xi32, #tpu.memory_space<vmem>> -> memref<128xi32, #tpu.memory_space<vmem>>
          %dma_start3A_155 = tpu.memref_slice %arg3[%multiple_of3A_132] : memref<320000xi32, #tpu.memory_space<hbm>> -> memref<128xi32, #tpu.memory_space<hbm>>
          tpu.enqueue_dma source(%dma_start3A_155 : memref<128xi32, #tpu.memory_space<hbm>>) target(%dma_start3A_154 : memref<128xi32, #tpu.memory_space<vmem>>) target_semaphore(%run_scoped3A_147 : memref<!tpu.dma_semaphore, #tpu.memory_space<semaphore_mem>>)
          %dma_wait3A_156 = arith.constant 0 : i32
          %dma_wait3A_157 = tpu.memref_slice %arg8[%run_scoped3A_134, %dma_wait3A_156] : memref<3x128xi32, #tpu.memory_space<vmem>> -> memref<1x128xi32, #tpu.memory_space<vmem>>
          %dma_wait3A_158 = tpu.memref_squeeze %dma_wait3A_157 : memref<1x128xi32, #tpu.memory_space<vmem>> -> memref<128xi32, #tpu.memory_space<vmem>>
          %dma_wait3A_159 = tpu.memref_slice %arg3[%multiple_of3A_132] : memref<320000xi32, #tpu.memory_space<hbm>> -> memref<128xi32, #tpu.memory_space<hbm>>
          %dma_wait3A_160 = arith.constant 0 : i32
          %dma_wait3A_161 = tpu.memref_slice %arg8[%run_scoped3A_134, %dma_wait3A_160] : memref<3x128xi32, #tpu.memory_space<vmem>> -> memref<1x128xi32, #tpu.memory_space<vmem>>
          %dma_wait3A_162 = tpu.memref_squeeze %dma_wait3A_161 : memref<1x128xi32, #tpu.memory_space<vmem>> -> memref<128xi32, #tpu.memory_space<vmem>>
          %dma_wait3A_163 = tpu.memref_slice %arg3[%multiple_of3A_132] : memref<320000xi32, #tpu.memory_space<hbm>> -> memref<128xi32, #tpu.memory_space<hbm>>
          tpu.wait_dma2 semaphore(%run_scoped3A_147 : memref<!tpu.dma_semaphore, #tpu.memory_space<semaphore_mem>>) src(%dma_wait3A_163 : memref<128xi32, #tpu.memory_space<hbm>>) dst(%dma_wait3A_162 : memref<128xi32, #tpu.memory_space<vmem>>)
          tpu.yield
        }) : () -> ()
        %dma_start3A_135 = arith.constant 1 : i32
        %dma_start3A_136 = arith.constant 1 : i32
        %dma_start3A_137 = arith.constant 0 : i32
        %dma_start3A_138 = arith.constant 0 : i32
        %dma_start3A_139 = tpu.memref_slice %arg9[%dma_start3A_136, %dma_start3A_137, %dma_start3A_138] : memref<3x128x128xf32, #tpu.memory_space<vmem>> -> memref<1x128x128xf32, #tpu.memory_space<vmem>>
        %dma_start3A_140 = tpu.memref_squeeze %dma_start3A_139 : memref<1x128x128xf32, #tpu.memory_space<vmem>> -> memref<128x128xf32, #tpu.memory_space<vmem>>
        %dma_start3A_141 = arith.constant 0 : i32
        %dma_start3A_142 = tpu.memref_slice %arg7[%dma_start3A_135, %dma_start3A_141] : memref<3x128xi32, #tpu.memory_space<vmem>> -> memref<1x128xi32, #tpu.memory_space<vmem>>
        %dma_start3A_143 = tpu.memref_squeeze %dma_start3A_142 : memref<1x128xi32, #tpu.memory_space<vmem>> -> memref<128xi32, #tpu.memory_space<vmem>>
        %dma_start3A_144 = arith.constant 0 : i32
        %dma_start3A_145 = arith.constant 0 : i32
        %dma_start3A_146 = tpu.memref_slice %arg4[%dma_start3A_144, %dma_start3A_145] : memref<10000x128xf32, #tpu.memory_space<hbm>> -> memref<10000x128xf32, #tpu.memory_space<hbm>>
        tpu.enqueue_indirect_dma source(%dma_start3A_146 : memref<10000x128xf32, #tpu.memory_space<hbm>>) target(%dma_start3A_140 : memref<128x128xf32, #tpu.memory_space<vmem>>) offsets(%dma_start3A_143 : memref<128xi32, #tpu.memory_space<vmem>>) semaphore(%arg12 : memref<!tpu.dma_semaphore, #tpu.memory_space<semaphore_mem>>)
      } else {
      }
      %dma_wait3A_111 = arith.constant 2 : i32
      %dma_wait3A_112 = arith.constant 2 : i32
      %dma_wait3A_113 = arith.constant 0 : i32
      %dma_wait3A_114 = arith.constant 0 : i32
      %dma_wait3A_115 = tpu.memref_slice %arg9[%dma_wait3A_112, %dma_wait3A_113, %dma_wait3A_114] : memref<3x128x128xf32, #tpu.memory_space<vmem>> -> memref<1x128x128xf32, #tpu.memory_space<vmem>>
      %dma_wait3A_116 = tpu.memref_squeeze %dma_wait3A_115 : memref<1x128x128xf32, #tpu.memory_space<vmem>> -> memref<128x128xf32, #tpu.memory_space<vmem>>
      %dma_wait3A_117 = arith.constant 0 : i32
      %dma_wait3A_118 = tpu.memref_slice %arg7[%dma_wait3A_111, %dma_wait3A_117] : memref<3x128xi32, #tpu.memory_space<vmem>> -> memref<1x128xi32, #tpu.memory_space<vmem>>
      %dma_wait3A_119 = tpu.memref_squeeze %dma_wait3A_118 : memref<1x128xi32, #tpu.memory_space<vmem>> -> memref<128xi32, #tpu.memory_space<vmem>>
      %dma_wait3A_120 = arith.constant 0 : i32
      %dma_wait3A_121 = arith.constant 0 : i32
      %dma_wait3A_122 = tpu.memref_slice %arg4[%dma_wait3A_120, %dma_wait3A_121] : memref<10000x128xf32, #tpu.memory_space<hbm>> -> memref<10000x128xf32, #tpu.memory_space<hbm>>
      tpu.wait_indirect_dma semaphore(%arg13 : memref<!tpu.dma_semaphore, #tpu.memory_space<semaphore_mem>>) src(%dma_wait3A_122 : memref<10000x128xf32, #tpu.memory_space<hbm>>) dst(%dma_wait3A_116 : memref<128x128xf32, #tpu.memory_space<vmem>>)
      %run_scoped3A_123 = arith.constant 2 : i32
      %run_scoped3A_124 = arith.constant 2 : i32
      "tpu.region"() ({
        %run_scoped3A_125 = tpu.sem_alloc : memref<!tpu.dma_semaphore, #tpu.memory_space<semaphore_mem>>
        %dma_start3A_126 = arith.constant 0 : i32
        %dma_start3A_127 = arith.constant 0 : i32
        %dma_start3A_128 = tpu.memref_slice %arg9[%run_scoped3A_123, %dma_start3A_126, %dma_start3A_127] : memref<3x128x128xf32, #tpu.memory_space<vmem>> -> memref<1x128x128xf32, #tpu.memory_space<vmem>>
        %dma_start3A_129 = tpu.memref_squeeze %dma_start3A_128 : memref<1x128x128xf32, #tpu.memory_space<vmem>> -> memref<128x128xf32, #tpu.memory_space<vmem>>
        %dma_start3A_130 = arith.constant 0 : i32
        %dma_start3A_131 = tpu.memref_slice %arg8[%run_scoped3A_124, %dma_start3A_130] : memref<3x128xi32, #tpu.memory_space<vmem>> -> memref<1x128xi32, #tpu.memory_space<vmem>>
        %dma_start3A_132 = tpu.memref_squeeze %dma_start3A_131 : memref<1x128xi32, #tpu.memory_space<vmem>> -> memref<128xi32, #tpu.memory_space<vmem>>
        %dma_start3A_133 = arith.constant 0 : i32
        %dma_start3A_134 = arith.constant 0 : i32
        %dma_start3A_135 = tpu.memref_slice %arg10[%dma_start3A_133, %dma_start3A_134] : memref<10112x128xf32, #tpu.memory_space<vmem_shared>> -> memref<10112x128xf32, #tpu.memory_space<vmem_shared>>
        tpu.enqueue_indirect_dma source(%dma_start3A_129 : memref<128x128xf32, #tpu.memory_space<vmem>>) target(%dma_start3A_135 : memref<10112x128xf32, #tpu.memory_space<vmem_shared>>) offsets(%dma_start3A_132 : memref<128xi32, #tpu.memory_space<vmem>>) semaphore(%run_scoped3A_125 : memref<!tpu.dma_semaphore, #tpu.memory_space<semaphore_mem>>) {add = true}
        %dma_wait3A_136 = arith.constant 0 : i32
        %dma_wait3A_137 = arith.constant 0 : i32
        %dma_wait3A_138 = tpu.memref_slice %arg9[%run_scoped3A_123, %dma_wait3A_136, %dma_wait3A_137] : memref<3x128x128xf32, #tpu.memory_space<vmem>> -> memref<1x128x128xf32, #tpu.memory_space<vmem>>
        %dma_wait3A_139 = tpu.memref_squeeze %dma_wait3A_138 : memref<1x128x128xf32, #tpu.memory_space<vmem>> -> memref<128x128xf32, #tpu.memory_space<vmem>>
        %dma_wait3A_140 = arith.constant 0 : i32
        %dma_wait3A_141 = tpu.memref_slice %arg8[%run_scoped3A_124, %dma_wait3A_140] : memref<3x128xi32, #tpu.memory_space<vmem>> -> memref<1x128xi32, #tpu.memory_space<vmem>>
        %dma_wait3A_142 = tpu.memref_squeeze %dma_wait3A_141 : memref<1x128xi32, #tpu.memory_space<vmem>> -> memref<128xi32, #tpu.memory_space<vmem>>
        %dma_wait3A_143 = arith.constant 0 : i32
        %dma_wait3A_144 = arith.constant 0 : i32
        %dma_wait3A_145 = tpu.memref_slice %arg10[%dma_wait3A_143, %dma_wait3A_144] : memref<10112x128xf32, #tpu.memory_space<vmem_shared>> -> memref<10112x128xf32, #tpu.memory_space<vmem_shared>>
        tpu.wait_indirect_dma semaphore(%run_scoped3A_125 : memref<!tpu.dma_semaphore, #tpu.memory_space<semaphore_mem>>) src(%dma_wait3A_139 : memref<128x128xf32, #tpu.memory_space<vmem>>) dst(%dma_wait3A_145 : memref<10112x128xf32, #tpu.memory_space<vmem_shared>>)
        tpu.yield
      }) : () -> ()
    }
    %scan3A_42 = arith.constant 26 : i32
    %lt3A = arith.constant 4 : i32
    %lt3A_43 = arith.cmpi slt, %add3A, %lt3A : i32
    %convert_element_type3A = arith.extui %lt3A_43 : i1 to i32
    %cond3A = arith.constant 0 : i32
    %cond3A_44 = arith.cmpi ne, %convert_element_type3A, %cond3A : i32
    scf.if %cond3A_44 {
      %mul3A_50 = arith.constant 128 : i32
      %mul3A_51 = arith.muli %add3A, %mul3A_50 : i32
      %add3A_52 = arith.constant 319488 : i32
      %add3A_53 = arith.addi %add3A_52, %mul3A_51 : i32
      %multiple_of3A_54 = tpu.assume_multiple %add3A_53, 128 : i32
      %run_scoped3A_55 = arith.constant 0 : i32
      "tpu.region"() ({
        %run_scoped3A_82 = tpu.sem_alloc : memref<!tpu.dma_semaphore, #tpu.memory_space<semaphore_mem>>
        %dma_start3A_83 = arith.constant 0 : i32
        %dma_start3A_84 = tpu.memref_slice %arg7[%run_scoped3A_55, %dma_start3A_83] : memref<3x128xi32, #tpu.memory_space<vmem>> -> memref<1x128xi32, #tpu.memory_space<vmem>>
        %dma_start3A_85 = tpu.memref_squeeze %dma_start3A_84 : memref<1x128xi32, #tpu.memory_space<vmem>> -> memref<128xi32, #tpu.memory_space<vmem>>
        %dma_start3A_86 = tpu.memref_slice %arg2[%multiple_of3A_54] : memref<320000xi32, #tpu.memory_space<hbm>> -> memref<128xi32, #tpu.memory_space<hbm>>
        %dma_start3A_87 = arith.constant 0 : i32
        %dma_start3A_88 = tpu.memref_slice %arg7[%run_scoped3A_55, %dma_start3A_87] : memref<3x128xi32, #tpu.memory_space<vmem>> -> memref<1x128xi32, #tpu.memory_space<vmem>>
        %dma_start3A_89 = tpu.memref_squeeze %dma_start3A_88 : memref<1x128xi32, #tpu.memory_space<vmem>> -> memref<128xi32, #tpu.memory_space<vmem>>
        %dma_start3A_90 = tpu.memref_slice %arg2[%multiple_of3A_54] : memref<320000xi32, #tpu.memory_space<hbm>> -> memref<128xi32, #tpu.memory_space<hbm>>
        tpu.enqueue_dma source(%dma_start3A_90 : memref<128xi32, #tpu.memory_space<hbm>>) target(%dma_start3A_89 : memref<128xi32, #tpu.memory_space<vmem>>) target_semaphore(%run_scoped3A_82 : memref<!tpu.dma_semaphore, #tpu.memory_space<semaphore_mem>>)
        %dma_wait3A_91 = arith.constant 0 : i32
        %dma_wait3A_92 = tpu.memref_slice %arg7[%run_scoped3A_55, %dma_wait3A_91] : memref<3x128xi32, #tpu.memory_space<vmem>> -> memref<1x128xi32, #tpu.memory_space<vmem>>
        %dma_wait3A_93 = tpu.memref_squeeze %dma_wait3A_92 : memref<1x128xi32, #tpu.memory_space<vmem>> -> memref<128xi32, #tpu.memory_space<vmem>>
        %dma_wait3A_94 = tpu.memref_slice %arg2[%multiple_of3A_54] : memref<320000xi32, #tpu.memory_space<hbm>> -> memref<128xi32, #tpu.memory_space<hbm>>
        %dma_wait3A_95 = arith.constant 0 : i32
        %dma_wait3A_96 = tpu.memref_slice %arg7[%run_scoped3A_55, %dma_wait3A_95] : memref<3x128xi32, #tpu.memory_space<vmem>> -> memref<1x128xi32, #tpu.memory_space<vmem>>
        %dma_wait3A_97 = tpu.memref_squeeze %dma_wait3A_96 : memref<1x128xi32, #tpu.memory_space<vmem>> -> memref<128xi32, #tpu.memory_space<vmem>>
        %dma_wait3A_98 = tpu.memref_slice %arg2[%multiple_of3A_54] : memref<320000xi32, #tpu.memory_space<hbm>> -> memref<128xi32, #tpu.memory_space<hbm>>
        tpu.wait_dma2 semaphore(%run_scoped3A_82 : memref<!tpu.dma_semaphore, #tpu.memory_space<semaphore_mem>>) src(%dma_wait3A_98 : memref<128xi32, #tpu.memory_space<hbm>>) dst(%dma_wait3A_97 : memref<128xi32, #tpu.memory_space<vmem>>)
        tpu.yield
      }) : () -> ()
      %run_scoped3A_56 = arith.constant 0 : i32
      "tpu.region"() ({
        %run_scoped3A_82 = tpu.sem_alloc : memref<!tpu.dma_semaphore, #tpu.memory_space<semaphore_mem>>
        %dma_start3A_83 = arith.constant 0 : i32
        %dma_start3A_84 = tpu.memref_slice %arg8[%run_scoped3A_56, %dma_start3A_83] : memref<3x128xi32, #tpu.memory_space<vmem>> -> memref<1x128xi32, #tpu.memory_space<vmem>>
        %dma_start3A_85 = tpu.memref_squeeze %dma_start3A_84 : memref<1x128xi32, #tpu.memory_space<vmem>> -> memref<128xi32, #tpu.memory_space<vmem>>
        %dma_start3A_86 = tpu.memref_slice %arg3[%multiple_of3A_54] : memref<320000xi32, #tpu.memory_space<hbm>> -> memref<128xi32, #tpu.memory_space<hbm>>
        %dma_start3A_87 = arith.constant 0 : i32
        %dma_start3A_88 = tpu.memref_slice %arg8[%run_scoped3A_56, %dma_start3A_87] : memref<3x128xi32, #tpu.memory_space<vmem>> -> memref<1x128xi32, #tpu.memory_space<vmem>>
        %dma_start3A_89 = tpu.memref_squeeze %dma_start3A_88 : memref<1x128xi32, #tpu.memory_space<vmem>> -> memref<128xi32, #tpu.memory_space<vmem>>
        %dma_start3A_90 = tpu.memref_slice %arg3[%multiple_of3A_54] : memref<320000xi32, #tpu.memory_space<hbm>> -> memref<128xi32, #tpu.memory_space<hbm>>
        tpu.enqueue_dma source(%dma_start3A_90 : memref<128xi32, #tpu.memory_space<hbm>>) target(%dma_start3A_89 : memref<128xi32, #tpu.memory_space<vmem>>) target_semaphore(%run_scoped3A_82 : memref<!tpu.dma_semaphore, #tpu.memory_space<semaphore_mem>>)
        %dma_wait3A_91 = arith.constant 0 : i32
        %dma_wait3A_92 = tpu.memref_slice %arg8[%run_scoped3A_56, %dma_wait3A_91] : memref<3x128xi32, #tpu.memory_space<vmem>> -> memref<1x128xi32, #tpu.memory_space<vmem>>
        %dma_wait3A_93 = tpu.memref_squeeze %dma_wait3A_92 : memref<1x128xi32, #tpu.memory_space<vmem>> -> memref<128xi32, #tpu.memory_space<vmem>>
        %dma_wait3A_94 = tpu.memref_slice %arg3[%multiple_of3A_54] : memref<320000xi32, #tpu.memory_space<hbm>> -> memref<128xi32, #tpu.memory_space<hbm>>
        %dma_wait3A_95 = arith.constant 0 : i32
        %dma_wait3A_96 = tpu.memref_slice %arg8[%run_scoped3A_56, %dma_wait3A_95] : memref<3x128xi32, #tpu.memory_space<vmem>> -> memref<1x128xi32, #tpu.memory_space<vmem>>
        %dma_wait3A_97 = tpu.memref_squeeze %dma_wait3A_96 : memref<1x128xi32, #tpu.memory_space<vmem>> -> memref<128xi32, #tpu.memory_space<vmem>>
        %dma_wait3A_98 = tpu.memref_slice %arg3[%multiple_of3A_54] : memref<320000xi32, #tpu.memory_space<hbm>> -> memref<128xi32, #tpu.memory_space<hbm>>
        tpu.wait_dma2 semaphore(%run_scoped3A_82 : memref<!tpu.dma_semaphore, #tpu.memory_space<semaphore_mem>>) src(%dma_wait3A_98 : memref<128xi32, #tpu.memory_space<hbm>>) dst(%dma_wait3A_97 : memref<128xi32, #tpu.memory_space<vmem>>)
        tpu.yield
      }) : () -> ()
      %dma_start3A_57 = arith.constant 0 : i32
      %dma_start3A_58 = arith.constant 0 : i32
      %dma_start3A_59 = arith.constant 0 : i32
      %dma_start3A_60 = arith.constant 0 : i32
      %dma_start3A_61 = tpu.memref_slice %arg9[%dma_start3A_58, %dma_start3A_59, %dma_start3A_60] : memref<3x128x128xf32, #tpu.memory_space<vmem>> -> memref<1x128x128xf32, #tpu.memory_space<vmem>>
      %dma_start3A_62 = tpu.memref_squeeze %dma_start3A_61 : memref<1x128x128xf32, #tpu.memory_space<vmem>> -> memref<128x128xf32, #tpu.memory_space<vmem>>
      %dma_start3A_63 = arith.constant 0 : i32
      %dma_start3A_64 = tpu.memref_slice %arg7[%dma_start3A_57, %dma_start3A_63] : memref<3x128xi32, #tpu.memory_space<vmem>> -> memref<1x128xi32, #tpu.memory_space<vmem>>
      %dma_start3A_65 = tpu.memref_squeeze %dma_start3A_64 : memref<1x128xi32, #tpu.memory_space<vmem>> -> memref<128xi32, #tpu.memory_space<vmem>>
      %dma_start3A_66 = arith.constant 0 : i32
      %dma_start3A_67 = arith.constant 0 : i32
      %dma_start3A_68 = tpu.memref_slice %arg4[%dma_start3A_66, %dma_start3A_67] : memref<10000x128xf32, #tpu.memory_space<hbm>> -> memref<10000x128xf32, #tpu.memory_space<hbm>>
      tpu.enqueue_indirect_dma source(%dma_start3A_68 : memref<10000x128xf32, #tpu.memory_space<hbm>>) target(%dma_start3A_62 : memref<128x128xf32, #tpu.memory_space<vmem>>) offsets(%dma_start3A_65 : memref<128xi32, #tpu.memory_space<vmem>>) semaphore(%arg11 : memref<!tpu.dma_semaphore, #tpu.memory_space<semaphore_mem>>)
      %dma_wait3A = arith.constant 0 : i32
      %dma_wait3A_69 = arith.constant 0 : i32
      %dma_wait3A_70 = arith.constant 0 : i32
      %dma_wait3A_71 = arith.constant 0 : i32
      %dma_wait3A_72 = tpu.memref_slice %arg9[%dma_wait3A_69, %dma_wait3A_70, %dma_wait3A_71] : memref<3x128x128xf32, #tpu.memory_space<vmem>> -> memref<1x128x128xf32, #tpu.memory_space<vmem>>
      %dma_wait3A_73 = tpu.memref_squeeze %dma_wait3A_72 : memref<1x128x128xf32, #tpu.memory_space<vmem>> -> memref<128x128xf32, #tpu.memory_space<vmem>>
      %dma_wait3A_74 = arith.constant 0 : i32
      %dma_wait3A_75 = tpu.memref_slice %arg7[%dma_wait3A, %dma_wait3A_74] : memref<3x128xi32, #tpu.memory_space<vmem>> -> memref<1x128xi32, #tpu.memory_space<vmem>>
      %dma_wait3A_76 = tpu.memref_squeeze %dma_wait3A_75 : memref<1x128xi32, #tpu.memory_space<vmem>> -> memref<128xi32, #tpu.memory_space<vmem>>
      %dma_wait3A_77 = arith.constant 0 : i32
      %dma_wait3A_78 = arith.constant 0 : i32
      %dma_wait3A_79 = tpu.memref_slice %arg4[%dma_wait3A_77, %dma_wait3A_78] : memref<10000x128xf32, #tpu.memory_space<hbm>> -> memref<10000x128xf32, #tpu.memory_space<hbm>>
      tpu.wait_indirect_dma semaphore(%arg11 : memref<!tpu.dma_semaphore, #tpu.memory_space<semaphore_mem>>) src(%dma_wait3A_79 : memref<10000x128xf32, #tpu.memory_space<hbm>>) dst(%dma_wait3A_73 : memref<128x128xf32, #tpu.memory_space<vmem>>)
      %run_scoped3A_80 = arith.constant 0 : i32
      %run_scoped3A_81 = arith.constant 0 : i32
      "tpu.region"() ({
        %run_scoped3A_82 = tpu.sem_alloc : memref<!tpu.dma_semaphore, #tpu.memory_space<semaphore_mem>>
        %dma_start3A_83 = arith.constant 0 : i32
        %dma_start3A_84 = arith.constant 0 : i32
        %dma_start3A_85 = tpu.memref_slice %arg9[%run_scoped3A_80, %dma_start3A_83, %dma_start3A_84] : memref<3x128x128xf32, #tpu.memory_space<vmem>> -> memref<1x128x128xf32, #tpu.memory_space<vmem>>
        %dma_start3A_86 = tpu.memref_squeeze %dma_start3A_85 : memref<1x128x128xf32, #tpu.memory_space<vmem>> -> memref<128x128xf32, #tpu.memory_space<vmem>>
        %dma_start3A_87 = arith.constant 0 : i32
        %dma_start3A_88 = tpu.memref_slice %arg8[%run_scoped3A_81, %dma_start3A_87] : memref<3x128xi32, #tpu.memory_space<vmem>> -> memref<1x128xi32, #tpu.memory_space<vmem>>
        %dma_start3A_89 = tpu.memref_squeeze %dma_start3A_88 : memref<1x128xi32, #tpu.memory_space<vmem>> -> memref<128xi32, #tpu.memory_space<vmem>>
        %dma_start3A_90 = arith.constant 0 : i32
        %dma_start3A_91 = arith.constant 0 : i32
        %dma_start3A_92 = tpu.memref_slice %arg10[%dma_start3A_90, %dma_start3A_91] : memref<10112x128xf32, #tpu.memory_space<vmem_shared>> -> memref<10112x128xf32, #tpu.memory_space<vmem_shared>>
        tpu.enqueue_indirect_dma source(%dma_start3A_86 : memref<128x128xf32, #tpu.memory_space<vmem>>) target(%dma_start3A_92 : memref<10112x128xf32, #tpu.memory_space<vmem_shared>>) offsets(%dma_start3A_89 : memref<128xi32, #tpu.memory_space<vmem>>) semaphore(%run_scoped3A_82 : memref<!tpu.dma_semaphore, #tpu.memory_space<semaphore_mem>>) {add = true}
        %dma_wait3A_93 = arith.constant 0 : i32
        %dma_wait3A_94 = arith.constant 0 : i32
        %dma_wait3A_95 = tpu.memref_slice %arg9[%run_scoped3A_80, %dma_wait3A_93, %dma_wait3A_94] : memref<3x128x128xf32, #tpu.memory_space<vmem>> -> memref<1x128x128xf32, #tpu.memory_space<vmem>>
        %dma_wait3A_96 = tpu.memref_squeeze %dma_wait3A_95 : memref<1x128x128xf32, #tpu.memory_space<vmem>> -> memref<128x128xf32, #tpu.memory_space<vmem>>
        %dma_wait3A_97 = arith.constant 0 : i32
        %dma_wait3A_98 = tpu.memref_slice %arg8[%run_scoped3A_81, %dma_wait3A_97] : memref<3x128xi32, #tpu.memory_space<vmem>> -> memref<1x128xi32, #tpu.memory_space<vmem>>
        %dma_wait3A_99 = tpu.memref_squeeze %dma_wait3A_98 : memref<1x128xi32, #tpu.memory_space<vmem>> -> memref<128xi32, #tpu.memory_space<vmem>>
        %dma_wait3A_100 = arith.constant 0 : i32
        %dma_wait3A_101 = arith.constant 0 : i32
        %dma_wait3A_102 = tpu.memref_slice %arg10[%dma_wait3A_100, %dma_wait3A_101] : memref<10112x128xf32, #tpu.memory_space<vmem_shared>> -> memref<10112x128xf32, #tpu.memory_space<vmem_shared>>
        tpu.wait_indirect_dma semaphore(%run_scoped3A_82 : memref<!tpu.dma_semaphore, #tpu.memory_space<semaphore_mem>>) src(%dma_wait3A_96 : memref<128x128xf32, #tpu.memory_space<vmem>>) dst(%dma_wait3A_102 : memref<10112x128xf32, #tpu.memory_space<vmem_shared>>)
        tpu.yield
      }) : () -> ()
    } else {
    }
    %barrier3A_45 = arith.constant 0 : index
    tpu.barrier barrier_id(%barrier3A_45)
    %mul3A_46 = arith.constant 632 : i32
    %mul3A_47 = arith.muli %arg1, %mul3A_46 : i32
    %mul3A_48 = arith.constant 632 : i32
    %mul3A_49 = arith.muli %arg1, %mul3A_48 : i32
    "tpu.region"() ({
      %run_scoped3A_50 = tpu.sem_alloc : memref<!tpu.dma_semaphore, #tpu.memory_space<semaphore_mem>>
      %dma_start3A_51 = arith.constant 0 : i32
      %dma_start3A_52 = tpu.memref_slice %arg6[%arg0, %mul3A_49, %dma_start3A_51] : memref<2x10112x128xf32, #tpu.memory_space<hbm>> -> memref<1x632x128xf32, #tpu.memory_space<hbm>>
      %dma_start3A_53 = tpu.memref_squeeze %dma_start3A_52 : memref<1x632x128xf32, #tpu.memory_space<hbm>> -> memref<632x128xf32, #tpu.memory_space<hbm>>
      %dma_start3A_54 = arith.constant 0 : i32
      %dma_start3A_55 = tpu.memref_slice %arg10[%mul3A_47, %dma_start3A_54] : memref<10112x128xf32, #tpu.memory_space<vmem_shared>> -> memref<632x128xf32, #tpu.memory_space<vmem_shared>>
      tpu.enqueue_dma source(%dma_start3A_55 : memref<632x128xf32, #tpu.memory_space<vmem_shared>>) target(%dma_start3A_53 : memref<632x128xf32, #tpu.memory_space<hbm>>) target_semaphore(%run_scoped3A_50 : memref<!tpu.dma_semaphore, #tpu.memory_space<semaphore_mem>>)
      %dma_wait3A = arith.constant 0 : i32
      %dma_wait3A_56 = tpu.memref_slice %arg6[%arg0, %mul3A_49, %dma_wait3A] : memref<2x10112x128xf32, #tpu.memory_space<hbm>> -> memref<1x632x128xf32, #tpu.memory_space<hbm>>
      %dma_wait3A_57 = tpu.memref_squeeze %dma_wait3A_56 : memref<1x632x128xf32, #tpu.memory_space<hbm>> -> memref<632x128xf32, #tpu.memory_space<hbm>>
      %dma_wait3A_58 = arith.constant 0 : i32
      %dma_wait3A_59 = tpu.memref_slice %arg10[%mul3A_47, %dma_wait3A_58] : memref<10112x128xf32, #tpu.memory_space<vmem_shared>> -> memref<632x128xf32, #tpu.memory_space<vmem_shared>>
      tpu.wait_dma2 semaphore(%run_scoped3A_50 : memref<!tpu.dma_semaphore, #tpu.memory_space<semaphore_mem>>) src(%dma_wait3A_59 : memref<632x128xf32, #tpu.memory_space<vmem_shared>>) dst(%dma_wait3A_57 : memref<632x128xf32, #tpu.memory_space<hbm>>)
      tpu.yield
    }) : () -> ()
    return
  }
}

module attributes {stable_mosaic.version = 14 : i64} {
  func.func @_tc_body(%arg0: i32, %arg1: memref<2x1264x128xf32, #tpu.memory_space<vmem>>, %arg2: memref<2x1264x16xf32, #tpu.memory_space<vmem>>, %arg3: memref<1x1x1264xi32, #tpu.memory_space<vmem>>, %arg4: memref<128x128xf32, #tpu.memory_space<vmem>>, %arg5: memref<16x128xf32, #tpu.memory_space<vmem>>, %arg6: memref<1x128xf32, #tpu.memory_space<vmem>>, %arg7: memref<128x128xf32, #tpu.memory_space<vmem>>, %arg8: memref<1x128xf32, #tpu.memory_space<vmem>>, %arg9: memref<64x128xf32, #tpu.memory_space<vmem>>, %arg10: memref<64x128xf32, #tpu.memory_space<vmem>>, %arg11: memref<64x1xf32, #tpu.memory_space<vmem>>) attributes {dimension_semantics = [#tpu.dimension_semantics<arbitrary>], iteration_bounds = array<i64: 8>, scalar_prefetch = 0 : i64, scratch_operands = 2 : i64, tpu.core_type = #tpu.core_type<tc>, window_params = [{transform_indices = @transform_0, window_bounds = array<i64: 2, 1264, 128>}, {transform_indices = @transform_1, window_bounds = array<i64: 2, 1264, 16>}, {transform_indices = @transform_2, window_bounds = array<i64: 1, 1, 1264>}, {pipeline_mode = #tpu.pipeline_mode<synchronous>, transform_indices = @transform_3, window_bounds = array<i64: 128, 128>}, {pipeline_mode = #tpu.pipeline_mode<synchronous>, transform_indices = @transform_4, window_bounds = array<i64: 16, 128>}, {pipeline_mode = #tpu.pipeline_mode<synchronous>, transform_indices = @transform_5, window_bounds = array<i64: 1, 128>}, {pipeline_mode = #tpu.pipeline_mode<synchronous>, transform_indices = @transform_6, window_bounds = array<i64: 128, 128>}, {pipeline_mode = #tpu.pipeline_mode<synchronous>, transform_indices = @transform_7, window_bounds = array<i64: 1, 128>}, {pipeline_mode = #tpu.pipeline_mode<synchronous>, transform_indices = @transform_8, window_bounds = array<i64: 64, 128>}]} {
    %get3A = arith.constant 0 : index
    %get3A_0 = arith.constant 0 : index
    %get3A_1 = arith.constant 0 : index
    %get3A_2 = vector.load %arg1[%get3A, %get3A_0, %get3A_1] : memref<2x1264x128xf32, #tpu.memory_space<vmem>>, vector<1x1264x128xf32>
    %get3A_3 = vector.shape_cast %get3A_2 : vector<1x1264x128xf32> to vector<1264x128xf32>
    %get3A_4 = arith.constant 1 : index
    %get3A_5 = arith.constant 0 : index
    %get3A_6 = arith.constant 0 : index
    %get3A_7 = vector.load %arg1[%get3A_4, %get3A_5, %get3A_6] : memref<2x1264x128xf32, #tpu.memory_space<vmem>>, vector<1x1264x128xf32>
    %get3A_8 = vector.shape_cast %get3A_7 : vector<1x1264x128xf32> to vector<1264x128xf32>
    %add3A = arith.addf %get3A_3, %get3A_8 : vector<1264x128xf32>
    %get3A_9 = arith.constant 0 : index
    %get3A_10 = arith.constant 0 : index
    %get3A_11 = arith.constant 0 : index
    %get3A_12 = vector.load %arg2[%get3A_9, %get3A_10, %get3A_11] : memref<2x1264x16xf32, #tpu.memory_space<vmem>>, vector<1x1264x16xf32>
    %get3A_13 = vector.shape_cast %get3A_12 : vector<1x1264x16xf32> to vector<1264x16xf32>
    %get3A_14 = arith.constant 1 : index
    %get3A_15 = arith.constant 0 : index
    %get3A_16 = arith.constant 0 : index
    %get3A_17 = vector.load %arg2[%get3A_14, %get3A_15, %get3A_16] : memref<2x1264x16xf32, #tpu.memory_space<vmem>>, vector<1x1264x16xf32>
    %get3A_18 = vector.shape_cast %get3A_17 : vector<1x1264x16xf32> to vector<1264x16xf32>
    %add3A_19 = arith.addf %get3A_13, %get3A_18 : vector<1264x16xf32>
    %get3A_20 = arith.constant 0 : index
    %get3A_21 = arith.constant 0 : index
    %get3A_22 = vector.load %arg4[%get3A_20, %get3A_21] : memref<128x128xf32, #tpu.memory_space<vmem>>, vector<128x128xf32>
    %dot_general3A = arith.constant dense<0.000000e+00> : vector<1264x128xf32>
    %dot_general3A_23 = tpu.matmul %add3A, %get3A_22, %dot_general3A {dimension_numbers = #tpu.dot_dimension_numbers<[1], [0], [0], [1], [0, 0, 1, 1], [], []>, transpose_lhs_hint = false} : vector<1264x128xf32>, vector<128x128xf32>, vector<1264x128xf32> -> vector<1264x128xf32>
    %get3A_24 = arith.constant 0 : index
    %get3A_25 = arith.constant 0 : index
    %get3A_26 = vector.load %arg5[%get3A_24, %get3A_25] : memref<16x128xf32, #tpu.memory_space<vmem>>, vector<16x128xf32>
    %dot_general3A_27 = arith.constant dense<0.000000e+00> : vector<1264x128xf32>
    %dot_general3A_28 = tpu.matmul %add3A_19, %get3A_26, %dot_general3A_27 {dimension_numbers = #tpu.dot_dimension_numbers<[1], [0], [0], [1], [0, 0, 1, 1], [], []>, transpose_lhs_hint = false} : vector<1264x16xf32>, vector<16x128xf32>, vector<1264x128xf32> -> vector<1264x128xf32>
    %add3A_29 = arith.addf %dot_general3A_23, %dot_general3A_28 : vector<1264x128xf32>
    %get3A_30 = arith.constant 0 : index
    %get3A_31 = arith.constant 0 : index
    %get3A_32 = vector.load %arg6[%get3A_30, %get3A_31] : memref<1x128xf32, #tpu.memory_space<vmem>>, vector<1x128xf32>
    %add3A_33 = vector.broadcast %get3A_32 : vector<1x128xf32> to vector<1264x128xf32>
    %add3A_34 = arith.addf %add3A_29, %add3A_33 : vector<1264x128xf32>
    %max3A = arith.constant 0.000000e+00 : f32
    %max3A_35 = vector.broadcast %max3A : f32 to vector<1264x128xf32>
    %max3A_36 = arith.maximumf %add3A_34, %max3A_35 : vector<1264x128xf32>
    %get3A_37 = arith.constant 0 : index
    %get3A_38 = arith.constant 0 : index
    %get3A_39 = vector.load %arg7[%get3A_37, %get3A_38] : memref<128x128xf32, #tpu.memory_space<vmem>>, vector<128x128xf32>
    %dot_general3A_40 = arith.constant dense<0.000000e+00> : vector<1264x128xf32>
    %dot_general3A_41 = tpu.matmul %max3A_36, %get3A_39, %dot_general3A_40 {dimension_numbers = #tpu.dot_dimension_numbers<[1], [0], [0], [1], [0, 0, 1, 1], [], []>, transpose_lhs_hint = false} : vector<1264x128xf32>, vector<128x128xf32>, vector<1264x128xf32> -> vector<1264x128xf32>
    %get3A_42 = arith.constant 0 : index
    %get3A_43 = arith.constant 0 : index
    %get3A_44 = vector.load %arg8[%get3A_42, %get3A_43] : memref<1x128xf32, #tpu.memory_space<vmem>>, vector<1x128xf32>
    %add3A_45 = vector.broadcast %get3A_44 : vector<1x128xf32> to vector<1264x128xf32>
    %add3A_46 = arith.addf %dot_general3A_41, %add3A_45 : vector<1264x128xf32>
    %get3A_47 = arith.constant 0 : index
    %get3A_48 = arith.constant 0 : index
    %get3A_49 = arith.constant 0 : index
    %get3A_50 = vector.load %arg3[%get3A_47, %get3A_48, %get3A_49] : memref<1x1x1264xi32, #tpu.memory_space<vmem>>, vector<1x1x1264xi32>
    %get3A_51 = vector.shape_cast %get3A_50 : vector<1x1x1264xi32> to vector<1264xi32>
    %broadcast_in_dim3A = vector.shape_cast %get3A_51 : vector<1264xi32> to vector<1264x1xi32>
    %iota3A = tpu.iota {dimensions = array<i32: 1>} : vector<1x64xi32>
    %eq3A = vector.broadcast %broadcast_in_dim3A : vector<1264x1xi32> to vector<1264x64xi32>
    %eq3A_52 = vector.broadcast %iota3A : vector<1x64xi32> to vector<1264x64xi32>
    %eq3A_53 = arith.cmpi eq, %eq3A, %eq3A_52 : vector<1264x64xi32>
    %convert_element_type3A = arith.extui %eq3A_53 : vector<1264x64xi1> to vector<1264x64xi32>
    %convert_element_type3A_54 = arith.sitofp %convert_element_type3A : vector<1264x64xi32> to vector<1264x64xf32>
    %dot_general3A_55 = arith.constant dense<0.000000e+00> : vector<64x128xf32>
    %dot_general3A_56 = tpu.matmul %convert_element_type3A_54, %add3A_46, %dot_general3A_55 {dimension_numbers = #tpu.dot_dimension_numbers<[0], [0], [1], [1], [0, 1, 1, 1], [], []>, transpose_lhs_hint = false} : vector<1264x64xf32>, vector<1264x128xf32>, vector<64x128xf32> -> vector<64x128xf32>
    %broadcast_in_dim3A_57 = arith.constant 1.000000e+00 : f32
    %broadcast_in_dim3A_58 = vector.broadcast %broadcast_in_dim3A_57 : f32 to vector<1264x1xf32>
    %dot_general3A_59 = arith.constant dense<0.000000e+00> : vector<64x1xf32>
    %dot_general3A_60 = tpu.matmul %convert_element_type3A_54, %broadcast_in_dim3A_58, %dot_general3A_59 {dimension_numbers = #tpu.dot_dimension_numbers<[0], [0], [1], [1], [0, 1, 1, 1], [], []>, transpose_lhs_hint = false} : vector<1264x64xf32>, vector<1264x1xf32>, vector<64x1xf32> -> vector<64x1xf32>
    %eq3A_61 = arith.constant 0 : i32
    %eq3A_62 = arith.cmpi eq, %arg0, %eq3A_61 : i32
    %convert_element_type3A_63 = arith.extui %eq3A_62 : i1 to i32
    %cond3A = arith.constant 0 : i32
    %cond3A_64 = arith.cmpi ne, %convert_element_type3A_63, %cond3A : i32
    scf.if %cond3A_64 {
      %swap3A = arith.constant 0 : index
      %swap3A_74 = arith.constant 0 : index
      %swap3A_75 = vector.load %arg10[%swap3A, %swap3A_74] : memref<64x128xf32, #tpu.memory_space<vmem>>, vector<64x128xf32>
      tpu.vector_store %arg10[%swap3A, %swap3A_74], %dot_general3A_56 {strides = array<i32>} : memref<64x128xf32, #tpu.memory_space<vmem>>, vector<64x128xf32>,
      %swap3A_76 = arith.constant 0 : index
      %swap3A_77 = arith.constant 0 : index
      %swap3A_78 = vector.load %arg11[%swap3A_76, %swap3A_77] : memref<64x1xf32, #tpu.memory_space<vmem>>, vector<64x1xf32>
      tpu.vector_store %arg11[%swap3A_76, %swap3A_77], %dot_general3A_60 {strides = array<i32>} : memref<64x1xf32, #tpu.memory_space<vmem>>, vector<64x1xf32>,
    } else {
    }
    %gt3A = arith.constant 0 : i32
    %gt3A_65 = arith.cmpi sgt, %arg0, %gt3A : i32
    %convert_element_type3A_66 = arith.extui %gt3A_65 : i1 to i32
    %cond3A_67 = arith.constant 0 : i32
    %cond3A_68 = arith.cmpi ne, %convert_element_type3A_66, %cond3A_67 : i32
    scf.if %cond3A_68 {
      %get3A_74 = arith.constant 0 : index
      %get3A_75 = arith.constant 0 : index
      %get3A_76 = vector.load %arg10[%get3A_74, %get3A_75] : memref<64x128xf32, #tpu.memory_space<vmem>>, vector<64x128xf32>
      %add3A_77 = arith.addf %get3A_76, %dot_general3A_56 : vector<64x128xf32>
      %swap3A = arith.constant 0 : index
      %swap3A_78 = arith.constant 0 : index
      %swap3A_79 = vector.load %arg10[%swap3A, %swap3A_78] : memref<64x128xf32, #tpu.memory_space<vmem>>, vector<64x128xf32>
      tpu.vector_store %arg10[%swap3A, %swap3A_78], %add3A_77 {strides = array<i32>} : memref<64x128xf32, #tpu.memory_space<vmem>>, vector<64x128xf32>,
      %get3A_80 = arith.constant 0 : index
      %get3A_81 = arith.constant 0 : index
      %get3A_82 = vector.load %arg11[%get3A_80, %get3A_81] : memref<64x1xf32, #tpu.memory_space<vmem>>, vector<64x1xf32>
      %add3A_83 = arith.addf %get3A_82, %dot_general3A_60 : vector<64x1xf32>
      %swap3A_84 = arith.constant 0 : index
      %swap3A_85 = arith.constant 0 : index
      %swap3A_86 = vector.load %arg11[%swap3A_84, %swap3A_85] : memref<64x1xf32, #tpu.memory_space<vmem>>, vector<64x1xf32>
      tpu.vector_store %arg11[%swap3A_84, %swap3A_85], %add3A_83 {strides = array<i32>} : memref<64x1xf32, #tpu.memory_space<vmem>>, vector<64x1xf32>,
    } else {
    }
    %eq3A_69 = arith.constant 7 : i32
    %eq3A_70 = arith.cmpi eq, %arg0, %eq3A_69 : i32
    %convert_element_type3A_71 = arith.extui %eq3A_70 : i1 to i32
    %cond3A_72 = arith.constant 0 : i32
    %cond3A_73 = arith.cmpi ne, %convert_element_type3A_71, %cond3A_72 : i32
    scf.if %cond3A_73 {
      %get3A_74 = arith.constant 0 : index
      %get3A_75 = arith.constant 0 : index
      %get3A_76 = vector.load %arg10[%get3A_74, %get3A_75] : memref<64x128xf32, #tpu.memory_space<vmem>>, vector<64x128xf32>
      %get3A_77 = arith.constant 0 : index
      %get3A_78 = arith.constant 0 : index
      %get3A_79 = vector.load %arg11[%get3A_77, %get3A_78] : memref<64x1xf32, #tpu.memory_space<vmem>>, vector<64x1xf32>
      %max3A_80 = arith.constant 1.000000e+00 : f32
      %max3A_81 = vector.broadcast %max3A_80 : f32 to vector<64x1xf32>
      %max3A_82 = arith.maximumf %get3A_79, %max3A_81 : vector<64x1xf32>
      %div3A = vector.broadcast %max3A_82 : vector<64x1xf32> to vector<64x128xf32>
      %div3A_83 = arith.divf %get3A_76, %div3A : vector<64x128xf32>
      %swap3A = arith.constant 0 : index
      %swap3A_84 = arith.constant 0 : index
      %swap3A_85 = vector.load %arg9[%swap3A, %swap3A_84] : memref<64x128xf32, #tpu.memory_space<vmem>>, vector<64x128xf32>
      tpu.vector_store %arg9[%swap3A, %swap3A_84], %div3A_83 {strides = array<i32>} : memref<64x128xf32, #tpu.memory_space<vmem>>, vector<64x128xf32>,
    } else {
    }
    return
  }
  func.func @transform_0(%arg0: i32) -> (i32, i32, i32) {
    %c0_i32 = arith.constant 0 : i32
    %c0_i32_0 = arith.constant 0 : i32
    %c0_i32_1 = arith.constant 0 : i32
    return %c0_i32, %arg0, %c0_i32_0 : i32, i32, i32
  }
  func.func @transform_1(%arg0: i32) -> (i32, i32, i32) {
    %c0_i32 = arith.constant 0 : i32
    %c0_i32_0 = arith.constant 0 : i32
    %c0_i32_1 = arith.constant 0 : i32
    return %c0_i32, %arg0, %c0_i32_0 : i32, i32, i32
  }
  func.func @transform_2(%arg0: i32) -> (i32, i32, i32) {
    %c0_i32 = arith.constant 0 : i32
    %c0_i32_0 = arith.constant 0 : i32
    %c0_i32_1 = arith.constant 0 : i32
    return %arg0, %c0_i32, %c0_i32_0 : i32, i32, i32
  }
  func.func @transform_3(%arg0: i32) -> (i32, i32) {
    %c0_i32 = arith.constant 0 : i32
    %c0_i32_0 = arith.constant 0 : i32
    %c0_i32_1 = arith.constant 0 : i32
    return %c0_i32, %c0_i32_0 : i32, i32
  }
  func.func @transform_4(%arg0: i32) -> (i32, i32) {
    %c0_i32 = arith.constant 0 : i32
    %c0_i32_0 = arith.constant 0 : i32
    %c0_i32_1 = arith.constant 0 : i32
    return %c0_i32, %c0_i32_0 : i32, i32
  }
  func.func @transform_5(%arg0: i32) -> (i32, i32) {
    %c0_i32 = arith.constant 0 : i32
    %c0_i32_0 = arith.constant 0 : i32
    %c0_i32_1 = arith.constant 0 : i32
    return %c0_i32, %c0_i32_0 : i32, i32
  }
  func.func @transform_6(%arg0: i32) -> (i32, i32) {
    %c0_i32 = arith.constant 0 : i32
    %c0_i32_0 = arith.constant 0 : i32
    %c0_i32_1 = arith.constant 0 : i32
    return %c0_i32, %c0_i32_0 : i32, i32
  }
  func.func @transform_7(%arg0: i32) -> (i32, i32) {
    %c0_i32 = arith.constant 0 : i32
    %c0_i32_0 = arith.constant 0 : i32
    %c0_i32_1 = arith.constant 0 : i32
    return %c0_i32, %c0_i32_0 : i32, i32
  }
  func.func @transform_8(%arg0: i32) -> (i32, i32) {
    %c0_i32 = arith.constant 0 : i32
    %c0_i32_0 = arith.constant 0 : i32
    %c0_i32_1 = arith.constant 0 : i32
    return %c0_i32, %c0_i32_0 : i32, i32
  }
}

</mosaic_0001>

<sc_bundles>
// kernel: kernel.5.cloned.1.call-start
scs
__scs_entry_jumppad:
0x0: {  	(pc) =	sbr.rel $0x88, $3  }
0x1: {  	(tag) =	ssettag $0x0;
	lr =	simm.s32 $0x1  }
0x2: {  	[smem:$0x3F99] =	sst lr;
	_ =	strace $0xD0000000  }
0x3: {  	_ = 	snop  }
0x4: {  	_ = 	snop  }
0x5: {  	_ = 	snop  }
0x6: {  	_ = 	snop  }
0x7: {  	_ = 	snop  }
__scs_overlays_trampoline_lowered:
0x8: {  	[smem:$0x3FA8] =	sst s0  }
0x9: {  	[smem:$0x3FA9] =	sst s1  }
0xa: {  	[smem:$0x3FAA] =	sst s2  }
0xb: {  	[smem:$0x3FAB] =	sst s3  }
0xc: {  	[smem:$0x3FAC] =	sst s4  }
0xd: {  	[smem:$0x3FAD] =	sst s5  }
0xe: {  	[smem:$0x3FAE] =	sst s6  }
0xf: {  	[smem:$0x3FAF] =	sst s7  }
0x10: {  	[smem:$0x3FB0] =	sst s8  }
0x11: {  	[smem:$0x3FB1] =	sst s9;
	s0 =	simm.s32 @!p0 $0x0  }
0x12: {  	s1 =	sld [smem:$0x3F97];
	s0 =	simm.s32 @p0 $0x1  }
0x13: {  	[smem:$0x3FB2] =	sst s0;
	s0 =	simm.s32 @!p1 $0x0  }
0x14: {  	s2 =	sld [smem:$0x3F96];
	s0 =	simm.s32 @p1 $0x1  }
0x15: {  	[smem:$0x3FB3] =	sst s0;
	s0 =	simm.s32 @!p2 $0x0  }
0x16: {  	s3 =	sld [smem:$0x3FDB];
	s0 =	simm.s32 @p2 $0x1  }
0x17: {  	s4 =	simm.s32 $0x1BF5;
	[smem:$0x3FB5] =	sst s0  }
0x18: {  	s0 =	sld [smem:$0x3F98];
	_ =	swait.ge [sflag:s4], $0x0  }
0x19: {  	s7 =	sld [smem:$0x3F99]  }
0x1a: {  	s8 =	sadd.s32 $0xFFFFE003, lr  }
0x1b: {  	s9 =	sadd.s32 $0xFFFFFEF7, lr;
	s5 =	simm.s32 $0xFFFFFFFF;
	p2 =	slt.u32 s8, $0xFFFFF086  }
0x1c: {  	p1 =	slt.u32 s9, $0xF7A;
	s5 =	simm.s32 @!p2 $0x0  }
0x1d: {  	s5 =	simm.s32 @p1 $0x1;
	p0 =	seq.s32 s7, s2  }
0x1e: {  	s7 =	smul.u32 @!p0 $0xF7A, s2;
	p2 =	seq.s32 @!p0 s5, $0x0  }
0x1f: {  	s9 =	smul.u32 $0xF7A, s1;
	s8 =	simm.s32 @!p0 $0x1BF5;
	p2 =	por !p2, p0  }
0x20: {  	[sflag:s8] =	ssyncset.s32 @!p0 $0xFFFFF086;
	s6 =	sadd.s32 @!p0 s3, s7;
	s7 =	simm.s32 @!p0 $0x108  }
0x21: {  	s3 =	sadd.s32 s3, s9;
	s6 =	sadd.s32 @!p0 $0x88, s6;
	s7 =	simm.s32 @p2 $0x1082  }
0x22: {  	[simem:s7], [sflag:s8] =	dma.local @!p0 [hbm:s6], $0xF7A  }
0x23: {  	s9 =	sor.u32 $0xD0000000, s2;
	s6 =	simm.s32 $0x108;
	_ =	swait.ge @!p0 [sflag:s8], $0x0  }
0x24: {  	s3 =	sadd.s32 $0x88, s3;
	s6 =	simm.s32 @!p1 $0x1082;
	[sflag:s4] =	ssyncset.s32 $0xFFFFF086  }
0x25: {  	[simem:s6], [sflag:s4] =	dma.local [hbm:s3], $0xF7A  }
0x26: {  	[smem:$0x3F99] =	sst s1;
	(tag) =	ssettag s2;
	_ =	strace s9  }
0x27: {  	s1 =	sld [smem:$0x3FA9]  }
0x28: {  	s2 =	sld [smem:$0x3FAA]  }
0x29: {  	s4 =	sld [smem:$0x3FAC]  }
0x2a: {  	p0 =	seq.s32 s5, $0x0;
	s5 =	sld [smem:$0x3FAD]  }
0x2b: {  	s6 =	sld [smem:$0x3FAE]  }
0x2c: {  	s7 =	sld [smem:$0x3FAF]  }
0x2d: {  	s3 =	simm.s32 $0x108;
	s8 =	sld [smem:$0x3FB0]  }
0x2e: {  	s3 =	simm.s32 @!p0 $0x1082;
	s9 =	sld [smem:$0x3FB1]  }
0x2f: {  	lr =	sadd.s32 s0, s3;
	s0 =	sld [smem:$0x3FA8]  }
0x30: {  	s3 =	sld [smem:$0x3FAB]  }
0x31: {  	[smem:$0x3FB4] =	sst s10  }
0x32: {  	s10 =	sld [smem:$0x3FB2];
	_ =	sdelay $0x3  }
0x33: {  	p0 =	seq.s32 s10, $0x1;
	s10 =	sld [smem:$0x3FB4];
	_ =	sdelay $0x3  }
0x34: {  	[smem:$0x3FB4] =	sst s10  }
0x35: {  	s10 =	sld [smem:$0x3FB3];
	_ =	sdelay $0x3  }
0x36: {  	p1 =	seq.s32 s10, $0x1;
	s10 =	sld [smem:$0x3FB4];
	_ =	sdelay $0x3  }
0x37: {  	[smem:$0x3FB4] =	sst s10  }
0x38: {  	s10 =	sld [smem:$0x3FB5]  }
0x39: {  	_ = 	snop;
	(pc) =	sbr.ind lr, $3  }
0x3a: {  	_ = 	snop  }
0x3b: {  	_ = 	snop  }
0x3c: {  	p2 =	seq.s32 s10, $0x1;
	s10 =	sld [smem:$0x3FB4]  }
0x3d: {  	_ =	shalt  }
0x3e: {  	_ =	shalt  }
0x3f: {  	_ =	shalt  }
0x40: {  	_ =	shalt  }
0x41: {  	_ =	shalt  }
0x42: {  	_ =	shalt  }
0x43: {  	_ =	shalt  }
0x44: {  	_ =	shalt  }
0x45: {  	_ =	shalt  }
0x46: {  	_ =	shalt  }
0x47: {  	_ =	shalt  }
0x48: {  	_ =	shalt  }
0x49: {  	_ =	shalt  }
0x4a: {  	_ =	shalt  }
0x4b: {  	_ =	shalt  }
0x4c: {  	_ =	shalt  }
0x4d: {  	_ =	shalt  }
0x4e: {  	_ =	shalt  }
0x4f: {  	_ =	shalt  }
0x50: {  	_ =	shalt  }
0x51: {  	_ =	shalt  }
0x52: {  	_ =	shalt  }
0x53: {  	_ =	shalt  }
0x54: {  	_ =	shalt  }
0x55: {  	_ =	shalt  }
0x56: {  	_ =	shalt  }
0x57: {  	_ =	shalt  }
0x58: {  	_ =	shalt  }
0x59: {  	_ =	shalt  }
0x5a: {  	_ =	shalt  }
0x5b: {  	_ =	shalt  }
0x5c: {  	_ =	shalt  }
0x5d: {  	_ =	shalt  }
0x5e: {  	_ =	shalt  }
0x5f: {  	_ =	shalt  }
0x60: {  	_ =	shalt  }
0x61: {  	_ =	shalt  }
0x62: {  	_ =	shalt  }
0x63: {  	_ =	shalt  }
0x64: {  	_ =	shalt  }
0x65: {  	_ =	shalt  }
0x66: {  	_ =	shalt  }
0x67: {  	_ =	shalt  }
0x68: {  	_ =	shalt  }
0x69: {  	_ =	shalt  }
0x6a: {  	_ =	shalt  }
0x6b: {  	_ =	shalt  }
0x6c: {  	_ =	shalt  }
0x6d: {  	_ =	shalt  }
0x6e: {  	_ =	shalt  }
0x6f: {  	_ =	shalt  }
0x70: {  	_ =	shalt  }
0x71: {  	_ =	shalt  }
0x72: {  	_ =	shalt  }
0x73: {  	_ =	shalt  }
0x74: {  	_ =	shalt  }
0x75: {  	_ =	shalt  }
0x76: {  	_ =	shalt  }
0x77: {  	_ =	shalt  }
0x78: {  	_ =	shalt  }
0x79: {  	_ =	shalt  }
0x7a: {  	_ =	shalt  }
0x7b: {  	_ =	shalt  }
0x7c: {  	_ =	shalt  }
0x7d: {  	_ =	shalt  }
0x7e: {  	_ =	shalt  }
0x7f: {  	_ =	shalt  }
0x80: {  	_ =	shalt  }
0x81: {  	_ =	shalt  }
0x82: {  	_ =	shalt  }
0x83: {  	_ =	shalt  }
0x84: {  	_ =	shalt  }
0x85: {  	_ =	shalt  }
0x86: {  	_ =	shalt  }
0x87: {  	_ =	shalt  }
.Lfunc_end0:
.L_simem_size_0:
called_computation_lowered:
.L_overlay_start_0:
0x88: {  	s2 =	sld [smem:$0x3FD9]  }
0x89: {  	s3 =	sld [smem:$0x3FFE];
	_ =	sdelay $0x1  }
0x8a: {  	s1 =	srdreg.scid  }
0x8b: {  	s0 =	sand.u32 $0x1, s1  }
0x8c: {  	s17 =	sshll.u32 s0, $0xA;
	s2 =	sadd.s32 s3, s2  }
0x8d: {  	s2 =	sadd.s32 s2, s17  }
0x8e: {  	[smem:$0x3FC0] =	sst s2  }
0x8f: {  	_ = 	snop  }
0x90: {  	s2 =	sld [smem:$0x3FC9];
	(tm) =	ssettm $0x1  }
0x91: {  	s18 =	sld [smem:$0x3FFB];
	_ =	sdelay $0x3  }
0x92: {  	_ =	strace s18  }
0x93: {  	s3 =	sld [smem:$0x3FFC];
	_ =	sdelay $0x3  }
0x94: {  	_ =	strace s3  }
0x95: {  	s3 =	sld [smem:$0x3FFD];
	_ =	sdelay $0x3  }
0x96: {  	_ =	strace s3  }
0x97: {  	_ =	strace $0x8FFFFFFF  }
0x98: {  	s19 =	sld [smem:$0x3FDB];
	_ =	sdelay $0x1  }
0x99: {  	s4 =	simm.s32 $_scs_section_size  }
0x9a: {  	s5 =	simm.s32 $_size__tile_overlayer_lowered;
	s6 =	simm.s32 $_tile_overlayer_lowered  }
0x9b: {  	s22 =	simm.s32 $0x1BFF;
	s21 =	sshll.u32 s6, $0x1;
	s3 =	sadd.s32 s4, s19  }
0x9c: {  	s7 =	simm.s32 $0x0;
	s20 =	sshll.u32 s5, $0x1;
	s5 =	sadd.s32 s21, s3  }
0x9d: {  	[timem:s7], [sflag:s22] =	dma.local [hbm:s5], s20  }
0x9e: {  	_ =	swait.ge [sflag:s22], s20  }
0x9f: {  	s4 =	ssub.s32 $0x0, s20;
	[sflag:s22] =	ssyncset.done $0x0  }
0xa0: {  	[sflag:s22] =	ssyncadd.s32 s4;
	_ =	sdelay $0x1  }
0xa1: {  	s23 =	simm.s32 $0x1B8B  }
0xa2: {  	_ =	swait.ge [sflag:s23], $0x1  }
0xa3: {  	[sflag:s23] =	ssyncset.done $0x0  }
0xa4: {  	s25 =	simm.s32 $0x1B8E;
	s24 =	sld [smem:$0x3FFE];
	[sflag:s23] =	ssyncadd.s32 $0xFFFFFFFF  }
0xa5: {  	s26 =	simm.s32 $execute0_lowered;
	[smem:$0x3FD2] =	sst s25  }
0xa6: {  	s5 =	sshll.u32 s26, $0x1;
	_ =	strace $0x80000046;
	[dreg:$0x1] =	wrdreg $0xFFFFFFFF  }
0xa7: {  	s28 =	simm.s32 $_size_execute0_lowered;
	s3 =	sadd.s32 s3, s5;
	[dreg:$0x0] =	wrdreg $0x0  }
0xa8: {  	s5 =	sshll.u32 s28, $0x1;
	[dreg:$0x2] =	wrdreg s3  }
0xa9: {  	[dreg:$0x3] =	wrdreg s5  }
0xaa: {  	[dreg:$0x4] =	wrdreg $0xC0  }
0xab: {  	_ =	task [dreg:s7], $0x5FFFF  }
0xac: {  	[dreg:$0x1] =	wrdreg $0xFFFFFFFF  }
0xad: {  	[dreg:$0x0] =	wrdreg $0x60  }
0xae: {  	[dreg:$0x2] =	wrdreg s24  }
0xaf: {  	[dreg:$0x3] =	wrdreg s2  }
0xb0: {  	[dreg:$0x4] =	wrdreg $0xC3000  }
0xb1: {  	[dreg:$0x5] =	wrdreg $0x9  }
0xb2: {  	_ =	task.clear_ibuf [dreg:s7], $0x6FFFF;
	_ =	strace $0x90000046  }
0xb3: {  	s29 =	simm.s32 $0x9;
	_ =	strace $0x80000048  }
0xb4: {  	_ =	swait.ge [sflag:s29], $0x1  }
0xb5: {  	[sflag:s29] =	ssyncadd.s32 $0xFFFFFFFF  }
0xb6: {  	_ =	strace $0x90000048  }
0xb7: {  	_ =	sfence  }
0xb8: {  	s30 =	sld [smem:$0x0];
	_ =	sdelay $0x2  }
0xb9: {  	s31 =	sshll.u32 s1, $0xD;
	s1 =	sshrl.u32 s1, $0x2  }
0xba: {  	s3 =	sand.u32 $0x4000, s31;
	s1 =	sadd.s32 s1, s30  }
0xbb: {  	s0 =	sor.u32 s3, s0;
	s1 =	sshll.u32 s1, $0x11  }
0xbc: {  	s0 =	sor.u32 s1, s0  }
0xbd: {  	s0 =	sadd.s32 $0x8F2B, s0  }
0xbe: {  	[sflag:s0] =	ssyncadd.remote.s32 $0x1  }
0xbf: {  	_ =	sfence.sel $0xFFFF  }
0xc0: {  	[dreg:$0x0] =	wrdreg $0xFFFFFFFF;
	(pc) =	sbr.abs _section_cstart, $3  }
0xc1: {  	[dreg:$0x1] =	wrdreg $0xFFFFFFFF  }
0xc2: {  	_ =	task.clear_ibuf [dreg:s7], $0x2FFFF;
	_ =	strace $0x9FFFFFFF  }
0xc3: {  	(tm) =	ssettm $0x7FFFFFFF  }
tec
execute0_lowered:
.L_overlay_start_1:
0x0: {  	(tag) =	ssettag $0x1  }
0x1: {  	s0 =	rddreg [dreg:$0x0]  }
0x2: {  	s2 =	rddreg [dreg:$0x1]  }
0x3: {  	s3 =	rddreg [dreg:$0x2];
	s1 =	srdreg.scid  }
0x4: {  	s14 =	stileid.u32;
	s4 =	simm.s32 $0x0;
	s28 =	simm.s32 $0x8300  }
0x5: {  	s29 =	simm.s32 $0x1;
	s30 =	simm.s32 $0x3;
	s31 =	simm.s32 $0x0  }
0x6: {  	s1 =	sand.u32 $0x1, s1;
	s7 =	smul.u32 $0x13C00, s14;
	[smem:$0x7FF] =	sst s4  }
0x7: {  	s5 =	sadd.s32 $0x2000, s0;
	s11 =	sadd.s32 $0x15C00, s0;
	s15 =	sshll.u32 s14, $0x6  }
0x8: {  	s16 =	sshll.u32 s14, $0x5;
	s12 =	sshll.u32 s14, $0x8;
	p0 =	sgt.u32 s14, $0x1  }
0x9: {  	s6 =	smul.u32 $0x13C000, s1;
	_ =	strace $0x80000047;
	s9 =	ssub.s32 $0x2, s1  }
0xa: {  	[dreg:$0x8] =	wrdreg s11;
	s17 =	sshll.u32 s1, $0x4;
	s1 =	sshll.u32 s1, $0x7  }
0xb: {  	s10 =	sshrl.u32 s9, $0x1;
	s18 =	sor.u32 s17, s16;
	s1 =	sor.u32 s1, s12  }
0xc: {  	s8 =	sadd.s32 s7, s6;
	s6 =	sadd.s32 $0xBE00, s0;
	s26 =	ssub.s32 s9, s10  }
0xd: {  	s7 =	sadd.s32 s7, s3;
	s9 =	sor.u32 $0x1C04, s15;
	s10 =	sadd.s32 s5, s18  }
0xe: {  	s13 =	sor.u32 $0x200, s18;
	s15 =	sor.u32 $0x4000, s1;
	[dreg:$0x9] =	wrdreg s7  }
0xf: {  	s17 =	sor.u32 $0x2000, s1;
	s8 =	sshrl.u32 s8, $0x3;
	[dreg:$0xa] =	wrdreg s10  }
0x10: {  	s19 =	sadd.s32 s6, s18;
	s20 =	sadd.s32 s5, s13;
	s7 =	sor.u32 $0x9C00, s18  }
0x11: {  	s21 =	sadd.s32 s6, s13;
	s16 =	sshrl.u32 s15, $0x3;
	[dreg:$0xb] =	wrdreg s19  }
0x12: {  	s18 =	sshrl.u32 s17, $0x3;
	s17 =	smax.u32 s26, $0x1;
	[dreg:$0xc] =	wrdreg s20  }
0x13: {  	s0 =	sadd.s32 s8, s0;
	[dreg:$0xd] =	wrdreg s21;
	s22 =	sadd.s32 s5, s7  }
0x14: {  	s15 =	sadd.s32 s6, s7;
	s23 =	sadd.s32 s16, s6;
	[dreg:$0xe] =	wrdreg s22  }
0x15: {  	s24 =	sadd.s32 s16, s5;
	s25 =	sadd.s32 s18, s6;
	[dreg:$0x4] =	wrdreg s23  }
0x16: {  	s26 =	sadd.s32 s18, s5;
	s19 =	simm.s32 $0x4;
	[dreg:$0x5] =	wrdreg s24  }
0x17: {  	s20 =	simm.s32 $0x180;
	s21 =	simm.s32 $0x80;
	[dreg:$0x6] =	wrdreg s25  }
0x18: {  	s16 =	sadd.s32 $0x18400, s0;
	s23 =	sor.u32 $0x3000, s1;
	[dreg:$0x7] =	wrdreg s26  }
0x19: {  	s22 =	simm.s32 $0x300;
	s25 =	simm.s32 $0x100;
	s26 =	simm.s32 $0x280  }
.LBB2_1:
0x1a: {  	s0 =	rddreg [dreg:$0x9]  }
0x1b: {  	s1 =	rddreg [dreg:$0x8];
	s0 =	sshrl.u32 s0, $0x3  }
0x1c: {  	[spmem:s0], [sflag:s9] =	dma.local [hbm:s1], $0x2780  }
0x1d: {  	_ =	swait.ge [sflag:s19], $0x2780  }
0x1e: {  	[sflag:s19] =	ssyncset.done $0x0  }
0x1f: {  	[sflag:s19] =	ssyncadd.s32 $0xFFFFD880  }
0x20: {  	[bflag:$0x0] =	sbarrier.arrive $0xFFFF  }
0x21: {  	s10 =	rddreg [dreg:$0xa]  }
0x22: {  	[tilespmem:s4], [sflag:$0x4] =	stream.linear.gather [hbm4b:s10+s4], $0x80, $0x38;
	[tilespmem:$0x1FF00] =	vst v63  }
0x23: {  	_ =	swait.ge [sflag:s19], $0x80  }
0x24: {  	[sflag:s19] =	ssyncset.done $0x0  }
0x25: {  	s11 =	rddreg [dreg:$0xb];
	[sflag:s19] =	ssyncadd.s32 $0xFFFFFF80  }
0x26: {  	[tilespmem:s20], [sflag:$0x4] =	stream.linear.gather [hbm4b:s11+s4], $0x80, $0x38;
	[tilespmem:$0x1FF00] =	vst v63  }
0x27: {  	_ =	swait.ge [sflag:s19], $0x80  }
0x28: {  	[sflag:s19] =	ssyncset.done $0x0  }
0x29: {  	[sflag:s19] =	ssyncadd.s32 $0xFFFFFF80  }
0x2a: {  	[tilespmem:s22], [sflag:$0x1] =	stream.indirect.gather [hbm4b:s2+s21], $0x80, s4, s21, $0xb8;
	[tilespmem:$0x1FF00] =	vst v63  }
0x2b: {  	s12 =	rddreg [dreg:$0xc]  }
0x2c: {  	[tilespmem:s21], [sflag:$0x4] =	stream.linear.gather [hbm4b:s12+s4], $0x80, $0x38;
	[tilespmem:$0x1FF00] =	vst v63  }
0x2d: {  	_ =	swait.ge [sflag:s19], $0x80  }
0x2e: {  	[sflag:s19] =	ssyncset.done $0x0  }
0x2f: {  	s7 =	simm.s32 $0x200;
	s13 =	rddreg [dreg:$0xd];
	[sflag:s19] =	ssyncadd.s32 $0xFFFFFF80  }
0x30: {  	[tilespmem:s7], [sflag:$0x4] =	stream.linear.gather [hbm4b:s13+s4], $0x80, $0x38;
	[tilespmem:$0x1FF00] =	vst v63  }
0x31: {  	_ =	swait.ge [sflag:s19], $0x80  }
0x32: {  	[sflag:s19] =	ssyncset.done $0x0  }
0x33: {  	s18 =	simm.s32 $0x4300;
	s14 =	rddreg [dreg:$0x7];
	[sflag:s19] =	ssyncadd.s32 $0xFFFFFF80  }
0x34: {  	[tilespmem:s18], [sflag:$0x2] =	stream.indirect.gather [hbm4b:s2+s21], $0x80, s21, s21, $0xb8;
	[tilespmem:$0x1FF00] =	vst v63  }
0x35: {  	s1 =	sadd.s32 $0x0, s14  }
0x36: {  	[tilespmem:s25], [sflag:$0x4] =	stream.linear.gather [hbm4b:s1+s4], $0x80, $0x38;
	[tilespmem:$0x1FF00] =	vst v63  }
0x37: {  	_ =	swait.ge [sflag:s19], $0x80  }
0x38: {  	s24 =	rddreg [dreg:$0x6];
	[sflag:s19] =	ssyncset.done $0x0  }
0x39: {  	[sflag:s19] =	ssyncadd.s32 $0xFFFFFF80;
	s1 =	sadd.s32 $0x0, s24  }
0x3a: {  	[tilespmem:s26], [sflag:$0x4] =	stream.linear.gather [hbm4b:s1+s4], $0x80, $0x38;
	[tilespmem:$0x1FF00] =	vst v63  }
0x3b: {  	_ =	swait.ge [sflag:s19], $0x80  }
0x3c: {  	[sflag:s19] =	ssyncset.done $0x0  }
0x3d: {  	[sflag:s19] =	ssyncadd.s32 $0xFFFFFF80  }
0x3e: {  	[tilespmem:s28], [sflag:$0x3] =	stream.indirect.gather [hbm4b:s2+s21], $0x80, s25, s21, $0xb8;
	[tilespmem:$0x1FF00] =	vst v63  }
0x3f: {  	_ =	swait.ge [sflag:s29], $0x4000  }
0x40: {  	[sflag:s29] =	ssyncset.done $0x0  }
0x41: {  	[sflag:s29] =	ssyncadd.s32 $0xFFFFC000  }
0x42: {  	[spmem:s3] =	stream.indirect.scatter.add.f32 [tilespmem:s22], [sflag:$0x4], $0x80, s20, s21, $0xb8;
	[tilespmem:$0x1FF00] =	vst v63  }
0x43: {  	_ =	swait.ge [sflag:s19], $0x4000  }
0x44: {  	p1 =	por $0x0, $0x0;
	[sflag:s19] =	ssyncset.done $0x0  }
0x45: {  	s1 =	simm.s32 @p1 $0x2;
	[sflag:s19] =	ssyncadd.s32 $0xFFFFC000  }
0x46: {  	_ =	swait.ge @p1 [sflag:s1], $0x4000  }
0x47: {  	s8 =	simm.s32 @p1 $0x4;
	s7 =	simm.s32 @p1 $0x4300;
	[sflag:s1] =	ssyncset.done @p1 $0x0  }
0x48: {  	s18 =	simm.s32 @p1 $0x200;
	[sflag:s1] =	ssyncadd.s32 @p1 $0xFFFFC000;
	s1 =	simm.s32 @p1 $0x80  }
0x49: {  	[spmem:s3] =	stream.indirect.scatter.add.f32 @p1 [tilespmem:s7], [sflag:$0x4], $0x80, s18, s1, $0xb8;
	[tilespmem:$0x1FF00] =	vst v63  }
0x4a: {  	_ =	swait.ge @p1 [sflag:s8], $0x4000  }
0x4b: {  	s1 =	sshrl.u32 @!p1 s23, $0x3;
	s18 =	simm.s32 @!p1 $0x4;
	[sflag:s8] =	ssyncset.done @p1 $0x0  }
0x4c: {  	s7 =	sadd.s32 @!p1 s5, s1;
	[sflag:s8] =	ssyncadd.s32 @p1 $0xFFFFC000;
	s8 =	simm.s32 @!p1 $0x0  }
0x4d: {  	[tilespmem:s8], [sflag:$0x4] =	stream.linear.gather @!p1 [hbm4b:s7+s8], $0x80, $0x38;
	[tilespmem:$0x1FF00] =	vst v63  }
0x4e: {  	_ =	swait.ge @!p1 [sflag:s18], $0x80  }
0x4f: {  	[sflag:s18] =	ssyncset.done @!p1 $0x0  }
0x50: {  	s1 =	sadd.s32 @!p1 s6, s1;
	s7 =	simm.s32 @!p1 $0x180;
	[sflag:s18] =	ssyncadd.s32 @!p1 $0xFFFFFF80  }
0x51: {  	[tilespmem:s7], [sflag:$0x4] =	stream.linear.gather @!p1 [hbm4b:s1+s8], $0x80, $0x38;
	[tilespmem:$0x1FF00] =	vst v63  }
0x52: {  	_ =	swait.ge @!p1 [sflag:s18], $0x80  }
0x53: {  	s24 =	simm.s32 @!p1 $0x300;
	[sflag:s18] =	ssyncset.done @!p1 $0x0  }
0x54: {  	s1 =	simm.s32 @!p1 $0x2;
	s7 =	simm.s32 @!p1 $0x80;
	[sflag:s18] =	ssyncadd.s32 @!p1 $0xFFFFFF80  }
0x55: {  	[tilespmem:s24], [sflag:$0x1] =	stream.indirect.gather @!p1 [hbm4b:s2+s7], $0x80, s8, s7, $0xb8;
	[tilespmem:$0x1FF00] =	vst v63  }
0x56: {  	_ =	swait.ge @!p1 [sflag:s1], $0x4000  }
0x57: {  	[sflag:s1] =	ssyncset.done @!p1 $0x0  }
0x58: {  	s24 =	simm.s32 @!p1 $0x4300;
	[sflag:s1] =	ssyncadd.s32 @!p1 $0xFFFFC000;
	s1 =	simm.s32 @!p1 $0x200  }
0x59: {  	[spmem:s3] =	stream.indirect.scatter.add.f32 @!p1 [tilespmem:s24], [sflag:$0x4], $0x80, s1, s7, $0xb8;
	[tilespmem:$0x1FF00] =	vst v63  }
0x5a: {  	_ =	swait.ge @!p1 [sflag:s18], $0x4000  }
0x5b: {  	s10 =	rddreg [dreg:$0x5];
	[sflag:s18] =	ssyncset.done @!p1 $0x0  }
0x5c: {  	[sflag:s18] =	ssyncadd.s32 @!p1 $0xFFFFC000;
	s10 =	sadd.s32 @!p1 $0x0, s10  }
0x5d: {  	[tilespmem:s7], [sflag:$0x4] =	stream.linear.gather @!p1 [hbm4b:s10+s8], $0x80, $0x38;
	[tilespmem:$0x1FF00] =	vst v63  }
0x5e: {  	_ =	swait.ge @!p1 [sflag:s18], $0x80  }
0x5f: {  	s10 =	rddreg [dreg:$0x4];
	[sflag:s18] =	ssyncset.done @!p1 $0x0  }
0x60: {  	[sflag:s18] =	ssyncadd.s32 @!p1 $0xFFFFFF80;
	s10 =	sadd.s32 @!p1 $0x0, s10  }
0x61: {  	[tilespmem:s1], [sflag:$0x4] =	stream.linear.gather @!p1 [hbm4b:s10+s8], $0x80, $0x38;
	[tilespmem:$0x1FF00] =	vst v63  }
0x62: {  	_ =	swait.ge @!p1 [sflag:s18], $0x80  }
0x63: {  	[sflag:s18] =	ssyncset.done @!p1 $0x0  }
0x64: {  	[sflag:s18] =	ssyncadd.s32 @!p1 $0xFFFFFF80  }
0x65: {  	[tilespmem:s24], [sflag:$0x2] =	stream.indirect.gather @!p1 [hbm4b:s2+s7], $0x80, s7, s7, $0xb8;
	[tilespmem:$0x1FF00] =	vst v63  }
0x66: {  	_ =	swait.ge [sflag:s30], $0x4000  }
0x67: {  	[sflag:s30] =	ssyncset.done $0x0  }
0x68: {  	[sflag:s30] =	ssyncadd.s32 $0xFFFFC000  }
0x69: {  	[spmem:s3] =	stream.indirect.scatter.add.f32 [tilespmem:s28], [sflag:$0x4], $0x80, s26, s21, $0xb8;
	[tilespmem:$0x1FF00] =	vst v63  }
0x6a: {  	s1 =	simm.s32 $0x600;
	s18 =	smov.u32 s23;
	_ =	swait.ge [sflag:s19], $0x4000  }
0x6b: {  	s24 =	simm.s32 $0xC00;
	s8 =	rddreg [dreg:$0x7];
	[sflag:s19] =	ssyncset.done $0x0  }
.LBB2_2:
0x6c: {  	[sflag:s19] =	ssyncadd.s32 $0xFFFFC000;
	s8 =	sadd.s32 s1, s8  }
0x6d: {  	[tilespmem:s25], [sflag:$0x4] =	stream.linear.gather [hbm4b:s8+s4], $0x80, $0x38;
	[tilespmem:$0x1FF00] =	vst v63  }
0x6e: {  	_ =	swait.ge [sflag:s19], $0x80  }
0x6f: {  	s14 =	rddreg [dreg:$0x6];
	[sflag:s19] =	ssyncset.done $0x0  }
0x70: {  	[sflag:s19] =	ssyncadd.s32 $0xFFFFFF80;
	s8 =	sadd.s32 s1, s14  }
0x71: {  	[tilespmem:s26], [sflag:$0x4] =	stream.linear.gather [hbm4b:s8+s4], $0x80, $0x38;
	[tilespmem:$0x1FF00] =	vst v63  }
0x72: {  	_ =	swait.ge [sflag:s19], $0x80  }
0x73: {  	[sflag:s19] =	ssyncset.done $0x0  }
0x74: {  	[sflag:s19] =	ssyncadd.s32 $0xFFFFFF80  }
0x75: {  	[tilespmem:s28], [sflag:$0x3] =	stream.indirect.gather [hbm4b:s2+s21], $0x80, s25, s21, $0xb8;
	[tilespmem:$0x1FF00] =	vst v63  }
0x76: {  	_ =	swait.ge [sflag:s29], $0x4000  }
0x77: {  	[sflag:s29] =	ssyncset.done $0x0  }
0x78: {  	[sflag:s29] =	ssyncadd.s32 $0xFFFFC000  }
0x79: {  	[spmem:s3] =	stream.indirect.scatter.add.f32 [tilespmem:s22], [sflag:$0x4], $0x80, s20, s21, $0xb8;
	[tilespmem:$0x1FF00] =	vst v63  }
0x7a: {  	_ =	swait.ge [sflag:s19], $0x4000  }
0x7b: {  	p2 =	seq.s32 s1, $0x9600;
	[sflag:s19] =	ssyncset.done $0x0  }
0x7c: {  	s8 =	simm.s32 @p2 $0x2;
	[sflag:s19] =	ssyncadd.s32 $0xFFFFC000  }
0x7d: {  	s18 =	sadd.s32 $0x3000, s18;
	_ =	swait.ge @p2 [sflag:s8], $0x4000  }
0x7e: {  	s12 =	simm.s32 @p2 $0x4300;
	s13 =	simm.s32 @p2 $0x4;
	[sflag:s8] =	ssyncset.done @p2 $0x0  }
0x7f: {  	s14 =	simm.s32 @p2 $0x200;
	[sflag:s8] =	ssyncadd.s32 @p2 $0xFFFFC000;
	s8 =	simm.s32 @p2 $0x80  }
0x80: {  	[spmem:s3] =	stream.indirect.scatter.add.f32 @p2 [tilespmem:s12], [sflag:$0x4], $0x80, s14, s8, $0xb8;
	[tilespmem:$0x1FF00] =	vst v63  }
0x81: {  	s10 =	sshrl.u32 @!p2 s18, $0x3;
	_ =	swait.ge @p2 [sflag:s13], $0x4000  }
0x82: {  	s11 =	sadd.s32 @!p2 s5, s10;
	[sflag:s13] =	ssyncset.done @p2 $0x0  }
0x83: {  	s12 =	simm.s32 @!p2 $0x0;
	s8 =	simm.s32 @!p2 $0x4;
	[sflag:s13] =	ssyncadd.s32 @p2 $0xFFFFC000  }
0x84: {  	[tilespmem:s12], [sflag:$0x4] =	stream.linear.gather @!p2 [hbm4b:s11+s12], $0x80, $0x38;
	[tilespmem:$0x1FF00] =	vst v63  }
0x85: {  	_ =	swait.ge @!p2 [sflag:s8], $0x80  }
0x86: {  	[sflag:s8] =	ssyncset.done @!p2 $0x0  }
0x87: {  	s10 =	sadd.s32 @!p2 s6, s10;
	s11 =	simm.s32 @!p2 $0x180;
	[sflag:s8] =	ssyncadd.s32 @!p2 $0xFFFFFF80  }
0x88: {  	[tilespmem:s11], [sflag:$0x4] =	stream.linear.gather @!p2 [hbm4b:s10+s12], $0x80, $0x38;
	[tilespmem:$0x1FF00] =	vst v63  }
0x89: {  	_ =	swait.ge @!p2 [sflag:s8], $0x80  }
0x8a: {  	s13 =	simm.s32 @!p2 $0x300;
	[sflag:s8] =	ssyncset.done @!p2 $0x0  }
0x8b: {  	s10 =	simm.s32 @!p2 $0x2;
	s11 =	simm.s32 @!p2 $0x80;
	[sflag:s8] =	ssyncadd.s32 @!p2 $0xFFFFFF80  }
0x8c: {  	[tilespmem:s13], [sflag:$0x1] =	stream.indirect.gather @!p2 [hbm4b:s2+s11], $0x80, s12, s11, $0xb8;
	[tilespmem:$0x1FF00] =	vst v63  }
0x8d: {  	_ =	swait.ge @!p2 [sflag:s10], $0x4000  }
0x8e: {  	[sflag:s10] =	ssyncset.done @!p2 $0x0  }
0x8f: {  	s13 =	simm.s32 @!p2 $0x4300;
	[sflag:s10] =	ssyncadd.s32 @!p2 $0xFFFFC000;
	s10 =	simm.s32 @!p2 $0x200  }
0x90: {  	[spmem:s3] =	stream.indirect.scatter.add.f32 @!p2 [tilespmem:s13], [sflag:$0x4], $0x80, s10, s11, $0xb8;
	[tilespmem:$0x1FF00] =	vst v63  }
0x91: {  	_ =	swait.ge @!p2 [sflag:s8], $0x4000  }
0x92: {  	s14 =	rddreg [dreg:$0x5];
	[sflag:s8] =	ssyncset.done @!p2 $0x0  }
0x93: {  	[sflag:s8] =	ssyncadd.s32 @!p2 $0xFFFFC000;
	s14 =	sadd.s32 @!p2 s1, s14  }
0x94: {  	[tilespmem:s11], [sflag:$0x4] =	stream.linear.gather @!p2 [hbm4b:s14+s12], $0x80, $0x38;
	[tilespmem:$0x1FF00] =	vst v63  }
0x95: {  	_ =	swait.ge @!p2 [sflag:s8], $0x80  }
0x96: {  	s14 =	rddreg [dreg:$0x4];
	[sflag:s8] =	ssyncset.done @!p2 $0x0  }
0x97: {  	[sflag:s8] =	ssyncadd.s32 @!p2 $0xFFFFFF80;
	s14 =	sadd.s32 @!p2 s1, s14  }
0x98: {  	[tilespmem:s10], [sflag:$0x4] =	stream.linear.gather @!p2 [hbm4b:s14+s12], $0x80, $0x38;
	[tilespmem:$0x1FF00] =	vst v63  }
0x99: {  	_ =	swait.ge @!p2 [sflag:s8], $0x80  }
0x9a: {  	[sflag:s8] =	ssyncset.done @!p2 $0x0  }
0x9b: {  	s7 =	smov.u32 s24;
	s24 =	sadd.s32 $0x600, s24;
	[sflag:s8] =	ssyncadd.s32 @!p2 $0xFFFFFF80  }
0x9c: {  	[tilespmem:s13], [sflag:$0x2] =	stream.indirect.gather @!p2 [hbm4b:s2+s11], $0x80, s11, s11, $0xb8;
	[tilespmem:$0x1FF00] =	vst v63  }
0x9d: {  	p1 =	sne.s32 s24, $0x9C00;
	_ =	swait.ge [sflag:s30], $0x4000  }
.Ltmp0:
0x9e: {  	[sflag:s30] =	ssyncset.done $0x0;
	(pc) =	sbr.rel @p1 .LBB2_2-.Ltmp0, $4  }
0x9f: {  	[sflag:s30] =	ssyncadd.s32 $0xFFFFC000  }
0xa0: {  	[spmem:s3] =	stream.indirect.scatter.add.f32 [tilespmem:s28], [sflag:$0x4], $0x80, s26, s21, $0xb8;
	[tilespmem:$0x1FF00] =	vst v63  }
0xa1: {  	_ =	swait.ge [sflag:s19], $0x4000  }
0xa2: {  	s1 =	smov.u32 s7;
	s8 =	rddreg [dreg:$0x7];
	[sflag:s19] =	ssyncset.done $0x0  }
0xa3: {  	[sflag:s19] =	ssyncadd.s32 $0xFFFFC000;
	s7 =	sadd.s32 s1, s8  }
0xa4: {  	[tilespmem:s25], [sflag:$0x4] =	stream.linear.gather [hbm4b:s7+s4], $0x80, $0x38;
	[tilespmem:$0x1FF00] =	vst v63  }
0xa5: {  	_ =	swait.ge [sflag:s19], $0x80  }
0xa6: {  	s24 =	rddreg [dreg:$0x6];
	[sflag:s19] =	ssyncset.done $0x0  }
0xa7: {  	[sflag:s19] =	ssyncadd.s32 $0xFFFFFF80;
	s7 =	sadd.s32 s1, s24  }
0xa8: {  	[tilespmem:s26], [sflag:$0x4] =	stream.linear.gather [hbm4b:s7+s4], $0x80, $0x38;
	[tilespmem:$0x1FF00] =	vst v63  }
0xa9: {  	_ =	swait.ge [sflag:s19], $0x80  }
0xaa: {  	[sflag:s19] =	ssyncset.done $0x0  }
0xab: {  	[sflag:s19] =	ssyncadd.s32 $0xFFFFFF80  }
0xac: {  	[tilespmem:s28], [sflag:$0x3] =	stream.indirect.gather [hbm4b:s2+s21], $0x80, s25, s21, $0xb8;
	[tilespmem:$0x1FF00] =	vst v63  }
0xad: {  	_ =	swait.ge [sflag:s29], $0x4000  }
0xae: {  	[sflag:s29] =	ssyncset.done $0x0  }
0xaf: {  	[sflag:s29] =	ssyncadd.s32 $0xFFFFC000  }
0xb0: {  	[spmem:s3] =	stream.indirect.scatter.add.f32 [tilespmem:s22], [sflag:$0x4], $0x80, s20, s21, $0xb8;
	[tilespmem:$0x1FF00] =	vst v63  }
0xb1: {  	_ =	swait.ge [sflag:s19], $0x4000  }
0xb2: {  	p1 =	seq.s32 s1, $0x9600;
	[sflag:s19] =	ssyncset.done $0x0  }
0xb3: {  	s7 =	simm.s32 @p1 $0x2;
	[sflag:s19] =	ssyncadd.s32 $0xFFFFC000  }
0xb4: {  	_ =	swait.ge @p1 [sflag:s7], $0x4000  }
0xb5: {  	s10 =	simm.s32 @p1 $0x4300;
	s11 =	simm.s32 @p1 $0x4;
	[sflag:s7] =	ssyncset.done @p1 $0x0  }
0xb6: {  	s12 =	simm.s32 @p1 $0x200;
	[sflag:s7] =	ssyncadd.s32 @p1 $0xFFFFC000;
	s7 =	simm.s32 @p1 $0x80  }
0xb7: {  	[spmem:s3] =	stream.indirect.scatter.add.f32 @p1 [tilespmem:s10], [sflag:$0x4], $0x80, s12, s7, $0xb8;
	[tilespmem:$0x1FF00] =	vst v63  }
0xb8: {  	s8 =	sadd.s32 $0x3000, s18;
	_ =	swait.ge @p1 [sflag:s11], $0x4000  }
0xb9: {  	s7 =	sshrl.u32 @!p1 s8, $0x3;
	s10 =	simm.s32 @!p1 $0x0;
	[sflag:s11] =	ssyncset.done @p1 $0x0  }
0xba: {  	s8 =	sadd.s32 @!p1 s5, s7;
	[sflag:s11] =	ssyncadd.s32 @p1 $0xFFFFC000;
	s11 =	simm.s32 @!p1 $0x4  }
0xbb: {  	[tilespmem:s10], [sflag:$0x4] =	stream.linear.gather @!p1 [hbm4b:s8+s10], $0x80, $0x38;
	[tilespmem:$0x1FF00] =	vst v63  }
0xbc: {  	_ =	swait.ge @!p1 [sflag:s11], $0x80  }
0xbd: {  	[sflag:s11] =	ssyncset.done @!p1 $0x0  }
0xbe: {  	s7 =	sadd.s32 @!p1 s6, s7;
	s8 =	simm.s32 @!p1 $0x180;
	[sflag:s11] =	ssyncadd.s32 @!p1 $0xFFFFFF80  }
0xbf: {  	[tilespmem:s8], [sflag:$0x4] =	stream.linear.gather @!p1 [hbm4b:s7+s10], $0x80, $0x38;
	[tilespmem:$0x1FF00] =	vst v63  }
0xc0: {  	_ =	swait.ge @!p1 [sflag:s11], $0x80  }
0xc1: {  	s12 =	simm.s32 @!p1 $0x300;
	[sflag:s11] =	ssyncset.done @!p1 $0x0  }
0xc2: {  	s7 =	simm.s32 @!p1 $0x2;
	s8 =	simm.s32 @!p1 $0x80;
	[sflag:s11] =	ssyncadd.s32 @!p1 $0xFFFFFF80  }
0xc3: {  	[tilespmem:s12], [sflag:$0x1] =	stream.indirect.gather @!p1 [hbm4b:s2+s8], $0x80, s10, s8, $0xb8;
	[tilespmem:$0x1FF00] =	vst v63  }
0xc4: {  	_ =	swait.ge @!p1 [sflag:s7], $0x4000  }
0xc5: {  	[sflag:s7] =	ssyncset.done @!p1 $0x0  }
0xc6: {  	s12 =	simm.s32 @!p1 $0x4300;
	[sflag:s7] =	ssyncadd.s32 @!p1 $0xFFFFC000;
	s7 =	simm.s32 @!p1 $0x200  }
0xc7: {  	[spmem:s3] =	stream.indirect.scatter.add.f32 @!p1 [tilespmem:s12], [sflag:$0x4], $0x80, s7, s8, $0xb8;
	[tilespmem:$0x1FF00] =	vst v63  }
0xc8: {  	_ =	swait.ge @!p1 [sflag:s11], $0x4000  }
0xc9: {  	s13 =	rddreg [dreg:$0x5];
	[sflag:s11] =	ssyncset.done @!p1 $0x0  }
0xca: {  	[sflag:s11] =	ssyncadd.s32 @!p1 $0xFFFFC000;
	s13 =	sadd.s32 @!p1 s1, s13  }
0xcb: {  	[tilespmem:s8], [sflag:$0x4] =	stream.linear.gather @!p1 [hbm4b:s13+s10], $0x80, $0x38;
	[tilespmem:$0x1FF00] =	vst v63  }
0xcc: {  	_ =	swait.ge @!p1 [sflag:s11], $0x80  }
0xcd: {  	s13 =	rddreg [dreg:$0x4];
	[sflag:s11] =	ssyncset.done @!p1 $0x0  }
0xce: {  	s1 =	sadd.s32 @!p1 s1, s13;
	[sflag:s11] =	ssyncadd.s32 @!p1 $0xFFFFFF80  }
0xcf: {  	[tilespmem:s7], [sflag:$0x4] =	stream.linear.gather @!p1 [hbm4b:s1+s10], $0x80, $0x38;
	[tilespmem:$0x1FF00] =	vst v63  }
0xd0: {  	_ =	swait.ge @!p1 [sflag:s11], $0x80  }
0xd1: {  	[sflag:s11] =	ssyncset.done @!p1 $0x0  }
0xd2: {  	[sflag:s11] =	ssyncadd.s32 @!p1 $0xFFFFFF80  }
0xd3: {  	[tilespmem:s12], [sflag:$0x2] =	stream.indirect.gather @!p1 [hbm4b:s2+s8], $0x80, s8, s8, $0xb8;
	[tilespmem:$0x1FF00] =	vst v63  }
0xd4: {  	_ =	swait.ge [sflag:s30], $0x4000  }
0xd5: {  	[sflag:s30] =	ssyncset.done $0x0  }
0xd6: {  	[sflag:s30] =	ssyncadd.s32 $0xFFFFC000  }
0xd7: {  	[spmem:s3] =	stream.indirect.scatter.add.f32 [tilespmem:s28], [sflag:$0x4], $0x80, s26, s21, $0xb8;
	[tilespmem:$0x1FF00] =	vst v63  }
0xd8: {  	_ =	swait.ge [sflag:s19], $0x4000  }
0xd9: {  	[sflag:s19] =	ssyncset.done $0x0  }
0xda: {  	s1 =	simm.s32 @!p0 $0x0;
	s7 =	rddreg [dreg:$0xe];
	[sflag:s19] =	ssyncadd.s32 $0xFFFFC000  }
0xdb: {  	[tilespmem:s1], [sflag:$0x4] =	stream.linear.gather @!p0 [hbm4b:s7+s1], $0x80, $0x38;
	[tilespmem:$0x1FF00] =	vst v63  }
0xdc: {  	s7 =	simm.s32 @!p0 $0x4  }
0xdd: {  	_ =	swait.ge @!p0 [sflag:s7], $0x80  }
0xde: {  	[sflag:s7] =	ssyncset.done @!p0 $0x0  }
0xdf: {  	s8 =	simm.s32 @!p0 $0x180;
	[sflag:s7] =	ssyncadd.s32 @!p0 $0xFFFFFF80  }
0xe0: {  	[tilespmem:s8], [sflag:$0x4] =	stream.linear.gather @!p0 [hbm4b:s15+s1], $0x80, $0x38;
	[tilespmem:$0x1FF00] =	vst v63  }
0xe1: {  	_ =	swait.ge @!p0 [sflag:s7], $0x80  }
0xe2: {  	[sflag:s7] =	ssyncset.done @!p0 $0x0  }
0xe3: {  	s10 =	simm.s32 @!p0 $0x80;
	s11 =	simm.s32 @!p0 $0x300;
	[sflag:s7] =	ssyncadd.s32 @!p0 $0xFFFFFF80  }
0xe4: {  	[tilespmem:s11], [sflag:$0x1] =	stream.indirect.gather @!p0 [hbm4b:s2+s10], $0x80, s1, s10, $0xb8;
	[tilespmem:$0x1FF00] =	vst v63  }
0xe5: {  	s1 =	simm.s32 @!p0 $0x1  }
0xe6: {  	_ =	swait.ge @!p0 [sflag:s1], $0x4000  }
0xe7: {  	[sflag:s1] =	ssyncset.done @!p0 $0x0  }
0xe8: {  	[sflag:s1] =	ssyncadd.s32 @!p0 $0xFFFFC000  }
0xe9: {  	[spmem:s3] =	stream.indirect.scatter.add.f32 @!p0 [tilespmem:s11], [sflag:$0x4], $0x80, s8, s10, $0xb8;
	[tilespmem:$0x1FF00] =	vst v63  }
0xea: {  	_ =	swait.ge @!p0 [sflag:s7], $0x4000  }
0xeb: {  	s31 =	sadd.s32 $0x1, s31;
	[sflag:s7] =	ssyncset.done @!p0 $0x0  }
0xec: {  	p1 =	sne.s32 s31, s17;
	[sflag:s7] =	ssyncadd.s32 @!p0 $0xFFFFC000  }
.Ltmp1:
0xed: {  	[bflag:$0x0] =	sbarrier.arrive $0xFFFF;
	(pc) =	sbr.rel @p1 .LBB2_1-.Ltmp1, $4  }
0xee: {  	[hbm:s16], [sflag:s9] =	dma.local [spmem:s0], $0x2780  }
0xef: {  	_ =	swait.ge [sflag:s19], $0x2780  }
0xf0: {  	[sflag:s19] =	ssyncset.done $0x0  }
0xf1: {  	[sflag:s19] =	ssyncadd.s32 $0xFFFFD880  }
0xf2: {  	_ =	sfence.sel $0x180000  }
0xf3: {  	[bflag:$0x0] =	sbarrier.arrive $0xFFFF  }
0xf4: {  	_ =	strace $0x90000047  }
0xf5: {  	s0 =	stileid.u32;
	[bflag:$0x2] =	sbarrier.arrive $0xFFFF  }
0xf6: {  	p0 =	sne.s32 s0, $0x0;
	s0 =	rddreg [dreg:$0x3]  }
0xf7: {  	s0 =	sadd.s32 @!p0 $0x100000, s0  }
0xf8: {  	[sflag:s0] =	ssyncadd.tile.s32 @!p0 $0x1;
	_ =	shalt  }
.Lfunc_end2:
_tile_overlayer_lowered:
.L_overlay_start_2:
0xf9: {  	(tag) =	ssettag $0x2  }
0xfa: {  	s0 =	rddreg [dreg:$0x0];
	s2 =	stileid.u32  }
0xfb: {  	s1 =	rddreg [dreg:$0x1];
	p0 =	sne.s32 s2, $0x0  }
0xfc: {  	s3 =	rddreg [dreg:$0x2];
	[bflag:$0x3] =	sbarrier.arrive $0xFFFF;
	s2 =	simm.s32 @!p0 $0x1C04  }
0xfd: {  	[timem:s3], [sflag:s2] =	dma.local @!p0 [hbm:s0], s1  }
0xfe: {  	s0 =	simm.s32 @!p0 $0x4  }
0xff: {  	_ =	swait.ge @!p0 [sflag:s0], s1  }
0x100: {  	s1 =	ssub.s32 @!p0 $0x0, s1;
	[sflag:s0] =	ssyncset.done @!p0 $0x0  }
0x101: {  	[sflag:s0] =	ssyncadd.s32 @!p0 s1  }
0x102: {  	[bflag:$0x3] =	sbarrier.arrive $0xFFFF  }
0x103: {  	_ =	shalt  }

// kernel: kernel.8.cloned.1.call-start
scs
__scs_entry_jumppad:
0x0: {  	(pc) =	sbr.rel $0x88, $3  }
0x1: {  	(tag) =	ssettag $0x0;
	lr =	simm.s32 $0x1  }
0x2: {  	[smem:$0x3F99] =	sst lr;
	_ =	strace $0xD0000000  }
0x3: {  	_ = 	snop  }
0x4: {  	_ = 	snop  }
0x5: {  	_ = 	snop  }
0x6: {  	_ = 	snop  }
0x7: {  	_ = 	snop  }
__scs_overlays_trampoline_lowered:
0x8: {  	[smem:$0x3FA8] =	sst s0  }
0x9: {  	[smem:$0x3FA9] =	sst s1  }
0xa: {  	[smem:$0x3FAA] =	sst s2  }
0xb: {  	[smem:$0x3FAB] =	sst s3  }
0xc: {  	[smem:$0x3FAC] =	sst s4  }
0xd: {  	[smem:$0x3FAD] =	sst s5  }
0xe: {  	[smem:$0x3FAE] =	sst s6  }
0xf: {  	[smem:$0x3FAF] =	sst s7  }
0x10: {  	[smem:$0x3FB0] =	sst s8  }
0x11: {  	[smem:$0x3FB1] =	sst s9;
	s0 =	simm.s32 @!p0 $0x0  }
0x12: {  	s1 =	sld [smem:$0x3F97];
	s0 =	simm.s32 @p0 $0x1  }
0x13: {  	[smem:$0x3FB2] =	sst s0;
	s0 =	simm.s32 @!p1 $0x0  }
0x14: {  	s2 =	sld [smem:$0x3F96];
	s0 =	simm.s32 @p1 $0x1  }
0x15: {  	[smem:$0x3FB3] =	sst s0;
	s0 =	simm.s32 @!p2 $0x0  }
0x16: {  	s3 =	sld [smem:$0x3FDB];
	s0 =	simm.s32 @p2 $0x1  }
0x17: {  	s4 =	simm.s32 $0x1BF5;
	[smem:$0x3FB5] =	sst s0  }
0x18: {  	s0 =	sld [smem:$0x3F98];
	_ =	swait.ge [sflag:s4], $0x0  }
0x19: {  	s7 =	sld [smem:$0x3F99]  }
0x1a: {  	s8 =	sadd.s32 $0xFFFFE003, lr  }
0x1b: {  	s9 =	sadd.s32 $0xFFFFFEF7, lr;
	s5 =	simm.s32 $0xFFFFFFFF;
	p2 =	slt.u32 s8, $0xFFFFF086  }
0x1c: {  	p1 =	slt.u32 s9, $0xF7A;
	s5 =	simm.s32 @!p2 $0x0  }
0x1d: {  	s5 =	simm.s32 @p1 $0x1;
	p0 =	seq.s32 s7, s2  }
0x1e: {  	s7 =	smul.u32 @!p0 $0xF7A, s2;
	p2 =	seq.s32 @!p0 s5, $0x0  }
0x1f: {  	s9 =	smul.u32 $0xF7A, s1;
	s8 =	simm.s32 @!p0 $0x1BF5;
	p2 =	por !p2, p0  }
0x20: {  	[sflag:s8] =	ssyncset.s32 @!p0 $0xFFFFF086;
	s6 =	sadd.s32 @!p0 s3, s7;
	s7 =	simm.s32 @!p0 $0x108  }
0x21: {  	s3 =	sadd.s32 s3, s9;
	s6 =	sadd.s32 @!p0 $0x88, s6;
	s7 =	simm.s32 @p2 $0x1082  }
0x22: {  	[simem:s7], [sflag:s8] =	dma.local @!p0 [hbm:s6], $0xF7A  }
0x23: {  	s9 =	sor.u32 $0xD0000000, s2;
	s6 =	simm.s32 $0x108;
	_ =	swait.ge @!p0 [sflag:s8], $0x0  }
0x24: {  	s3 =	sadd.s32 $0x88, s3;
	s6 =	simm.s32 @!p1 $0x1082;
	[sflag:s4] =	ssyncset.s32 $0xFFFFF086  }
0x25: {  	[simem:s6], [sflag:s4] =	dma.local [hbm:s3], $0xF7A  }
0x26: {  	[smem:$0x3F99] =	sst s1;
	(tag) =	ssettag s2;
	_ =	strace s9  }
0x27: {  	s1 =	sld [smem:$0x3FA9]  }
0x28: {  	s2 =	sld [smem:$0x3FAA]  }
0x29: {  	s4 =	sld [smem:$0x3FAC]  }
0x2a: {  	p0 =	seq.s32 s5, $0x0;
	s5 =	sld [smem:$0x3FAD]  }
0x2b: {  	s6 =	sld [smem:$0x3FAE]  }
0x2c: {  	s7 =	sld [smem:$0x3FAF]  }
0x2d: {  	s3 =	simm.s32 $0x108;
	s8 =	sld [smem:$0x3FB0]  }
0x2e: {  	s3 =	simm.s32 @!p0 $0x1082;
	s9 =	sld [smem:$0x3FB1]  }
0x2f: {  	lr =	sadd.s32 s0, s3;
	s0 =	sld [smem:$0x3FA8]  }
0x30: {  	s3 =	sld [smem:$0x3FAB]  }
0x31: {  	[smem:$0x3FB4] =	sst s10  }
0x32: {  	s10 =	sld [smem:$0x3FB2];
	_ =	sdelay $0x3  }
0x33: {  	p0 =	seq.s32 s10, $0x1;
	s10 =	sld [smem:$0x3FB4];
	_ =	sdelay $0x3  }
0x34: {  	[smem:$0x3FB4] =	sst s10  }
0x35: {  	s10 =	sld [smem:$0x3FB3];
	_ =	sdelay $0x3  }
0x36: {  	p1 =	seq.s32 s10, $0x1;
	s10 =	sld [smem:$0x3FB4];
	_ =	sdelay $0x3  }
0x37: {  	[smem:$0x3FB4] =	sst s10  }
0x38: {  	s10 =	sld [smem:$0x3FB5]  }
0x39: {  	_ = 	snop;
	(pc) =	sbr.ind lr, $3  }
0x3a: {  	_ = 	snop  }
0x3b: {  	_ = 	snop  }
0x3c: {  	p2 =	seq.s32 s10, $0x1;
	s10 =	sld [smem:$0x3FB4]  }
0x3d: {  	_ =	shalt  }
0x3e: {  	_ =	shalt  }
0x3f: {  	_ =	shalt  }
0x40: {  	_ =	shalt  }
0x41: {  	_ =	shalt  }
0x42: {  	_ =	shalt  }
0x43: {  	_ =	shalt  }
0x44: {  	_ =	shalt  }
0x45: {  	_ =	shalt  }
0x46: {  	_ =	shalt  }
0x47: {  	_ =	shalt  }
0x48: {  	_ =	shalt  }
0x49: {  	_ =	shalt  }
0x4a: {  	_ =	shalt  }
0x4b: {  	_ =	shalt  }
0x4c: {  	_ =	shalt  }
0x4d: {  	_ =	shalt  }
0x4e: {  	_ =	shalt  }
0x4f: {  	_ =	shalt  }
0x50: {  	_ =	shalt  }
0x51: {  	_ =	shalt  }
0x52: {  	_ =	shalt  }
0x53: {  	_ =	shalt  }
0x54: {  	_ =	shalt  }
0x55: {  	_ =	shalt  }
0x56: {  	_ =	shalt  }
0x57: {  	_ =	shalt  }
0x58: {  	_ =	shalt  }
0x59: {  	_ =	shalt  }
0x5a: {  	_ =	shalt  }
0x5b: {  	_ =	shalt  }
0x5c: {  	_ =	shalt  }
0x5d: {  	_ =	shalt  }
0x5e: {  	_ =	shalt  }
0x5f: {  	_ =	shalt  }
0x60: {  	_ =	shalt  }
0x61: {  	_ =	shalt  }
0x62: {  	_ =	shalt  }
0x63: {  	_ =	shalt  }
0x64: {  	_ =	shalt  }
0x65: {  	_ =	shalt  }
0x66: {  	_ =	shalt  }
0x67: {  	_ =	shalt  }
0x68: {  	_ =	shalt  }
0x69: {  	_ =	shalt  }
0x6a: {  	_ =	shalt  }
0x6b: {  	_ =	shalt  }
0x6c: {  	_ =	shalt  }
0x6d: {  	_ =	shalt  }
0x6e: {  	_ =	shalt  }
0x6f: {  	_ =	shalt  }
0x70: {  	_ =	shalt  }
0x71: {  	_ =	shalt  }
0x72: {  	_ =	shalt  }
0x73: {  	_ =	shalt  }
0x74: {  	_ =	shalt  }
0x75: {  	_ =	shalt  }
0x76: {  	_ =	shalt  }
0x77: {  	_ =	shalt  }
0x78: {  	_ =	shalt  }
0x79: {  	_ =	shalt  }
0x7a: {  	_ =	shalt  }
0x7b: {  	_ =	shalt  }
0x7c: {  	_ =	shalt  }
0x7d: {  	_ =	shalt  }
0x7e: {  	_ =	shalt  }
0x7f: {  	_ =	shalt  }
0x80: {  	_ =	shalt  }
0x81: {  	_ =	shalt  }
0x82: {  	_ =	shalt  }
0x83: {  	_ =	shalt  }
0x84: {  	_ =	shalt  }
0x85: {  	_ =	shalt  }
0x86: {  	_ =	shalt  }
0x87: {  	_ =	shalt  }
.Lfunc_end0:
.L_simem_size_0:
called_computation.1_lowered:
.L_overlay_start_0:
0x88: {  	s2 =	sld [smem:$0x3FD9]  }
0x89: {  	s3 =	sld [smem:$0x3FFE];
	_ =	sdelay $0x1  }
0x8a: {  	s1 =	srdreg.scid  }
0x8b: {  	s0 =	sand.u32 $0x1, s1  }
0x8c: {  	s16 =	sshll.u32 s0, $0xA;
	s2 =	sadd.s32 s3, s2  }
0x8d: {  	s2 =	sadd.s32 s2, s16  }
0x8e: {  	[smem:$0x3FC0] =	sst s2  }
0x8f: {  	_ = 	snop  }
0x90: {  	(tm) =	ssettm $0x1  }
0x91: {  	s17 =	sld [smem:$0x3FFB];
	_ =	sdelay $0x3  }
0x92: {  	_ =	strace s17  }
0x93: {  	s2 =	sld [smem:$0x3FFC];
	_ =	sdelay $0x3  }
0x94: {  	_ =	strace s2  }
0x95: {  	s2 =	sld [smem:$0x3FFD];
	_ =	sdelay $0x3  }
0x96: {  	_ =	strace s2  }
0x97: {  	_ =	strace $0x8FFFFFFF  }
0x98: {  	s18 =	sld [smem:$0x3FDB];
	_ =	sdelay $0x1  }
0x99: {  	s19 =	simm.s32 $_scs_section_size  }
0x9a: {  	s4 =	simm.s32 $_size__tile_overlayer_lowered;
	s5 =	simm.s32 $_tile_overlayer_lowered  }
0x9b: {  	s22 =	simm.s32 $0x1BFF;
	s21 =	sshll.u32 s5, $0x1;
	s2 =	sadd.s32 s19, s18  }
0x9c: {  	s6 =	simm.s32 $0x0;
	s20 =	sshll.u32 s4, $0x1;
	s4 =	sadd.s32 s21, s2  }
0x9d: {  	[timem:s6], [sflag:s22] =	dma.local [hbm:s4], s20  }
0x9e: {  	_ =	swait.ge [sflag:s22], s20  }
0x9f: {  	s3 =	ssub.s32 $0x0, s20;
	[sflag:s22] =	ssyncset.done $0x0  }
0xa0: {  	[sflag:s22] =	ssyncadd.s32 s3;
	_ =	sdelay $0x1  }
0xa1: {  	s23 =	simm.s32 $0x1B8B  }
0xa2: {  	_ =	swait.ge [sflag:s23], $0x1  }
0xa3: {  	[sflag:s23] =	ssyncset.done $0x0  }
0xa4: {  	s25 =	simm.s32 $0x1B8E;
	s24 =	sld [smem:$0x3FFE];
	[sflag:s23] =	ssyncadd.s32 $0xFFFFFFFF  }
0xa5: {  	s26 =	simm.s32 $execute0_lowered;
	[smem:$0x3FD2] =	sst s25  }
0xa6: {  	s4 =	sshll.u32 s26, $0x1;
	_ =	strace $0x80000049;
	[dreg:$0x1] =	wrdreg $0xFFFFFFFF  }
0xa7: {  	s28 =	simm.s32 $_size_execute0_lowered;
	s2 =	sadd.s32 s2, s4;
	[dreg:$0x0] =	wrdreg $0x0  }
0xa8: {  	s4 =	sshll.u32 s28, $0x1;
	[dreg:$0x2] =	wrdreg s2  }
0xa9: {  	[dreg:$0x3] =	wrdreg s4  }
0xaa: {  	[dreg:$0x4] =	wrdreg $0xC0  }
0xab: {  	_ =	task [dreg:s6], $0x5FFFF  }
0xac: {  	[dreg:$0x1] =	wrdreg $0xFFFFFFFF  }
0xad: {  	[dreg:$0x0] =	wrdreg $0x60  }
0xae: {  	[dreg:$0x2] =	wrdreg s24  }
0xaf: {  	[dreg:$0x3] =	wrdreg $0x19800  }
0xb0: {  	[dreg:$0x4] =	wrdreg $0x9  }
0xb1: {  	_ =	task.clear_ibuf [dreg:s6], $0x5FFFF;
	_ =	strace $0x90000049  }
0xb2: {  	s29 =	simm.s32 $0x9;
	_ =	strace $0x8000004B  }
0xb3: {  	_ =	swait.ge [sflag:s29], $0x1  }
0xb4: {  	[sflag:s29] =	ssyncadd.s32 $0xFFFFFFFF  }
0xb5: {  	_ =	strace $0x9000004B  }
0xb6: {  	_ =	sfence  }
0xb7: {  	s30 =	sld [smem:$0x0];
	_ =	sdelay $0x2  }
0xb8: {  	s31 =	sshll.u32 s1, $0xD;
	s1 =	sshrl.u32 s1, $0x2  }
0xb9: {  	s3 =	sand.u32 $0x4000, s31;
	s1 =	sadd.s32 s1, s30  }
0xba: {  	s0 =	sor.u32 s3, s0;
	s1 =	sshll.u32 s1, $0x11  }
0xbb: {  	s0 =	sor.u32 s1, s0  }
0xbc: {  	s0 =	sadd.s32 $0x8F2B, s0  }
0xbd: {  	[sflag:s0] =	ssyncadd.remote.s32 $0x1  }
0xbe: {  	_ =	sfence.sel $0xFFFF  }
0xbf: {  	[dreg:$0x0] =	wrdreg $0xFFFFFFFF;
	(pc) =	sbr.abs _section_cstart, $3  }
0xc0: {  	[dreg:$0x1] =	wrdreg $0xFFFFFFFF  }
0xc1: {  	_ =	task.clear_ibuf [dreg:s6], $0x2FFFF;
	_ =	strace $0x9FFFFFFF  }
0xc2: {  	(tm) =	ssettm $0x7FFFFFFF  }
0xc3: {  	_ =	shalt  }
tec
execute0_lowered:
.L_overlay_start_1:
0x0: {  	(tag) =	ssettag $0x1  }
0x1: {  	s0 =	rddreg [dreg:$0x0]  }
0x2: {  	s2 =	rddreg [dreg:$0x1]  }
0x3: {  	s3 =	simm.s32 $0x0;
	s1 =	srdreg.scid;
	s11 =	stileid.u32  }
0x4: {  	s28 =	simm.s32 $0x1;
	s29 =	simm.s32 $0x3;
	s30 =	simm.s32 $0x0  }
0x5: {  	[smem:$0x7FF] =	sst s3;
	s1 =	sand.u32 $0x1, s1;
	s5 =	smul.u32 $0x2780, s11  }
0x6: {  	s4 =	sadd.s32 $0xBE00, s0;
	s16 =	sadd.s32 $0x549400, s0;
	s7 =	sadd.s32 $0x15C00, s0  }
0x7: {  	s13 =	sadd.s32 $0x18400, s0;
	s8 =	sshll.u32 s11, $0x1;
	s22 =	sshll.u32 s11, $0x8  }
0x8: {  	p0 =	sgt.u32 s11, $0x1;
	_ =	strace $0x8000004A;
	[dreg:$0x5] =	wrdreg s7  }
0x9: {  	s6 =	smul.u32 $0x27800, s1;
	[dreg:$0x6] =	wrdreg s13;
	s14 =	ssub.s32 $0x2, s1  }
0xa: {  	s9 =	sor.u32 s1, s8;
	s1 =	sshll.u32 s1, $0x7;
	s15 =	sshrl.u32 s14, $0x1  }
0xb: {  	s12 =	sshll.u32 s9, $0x7;
	s8 =	sshll.u32 s9, $0x4;
	s9 =	sshll.u32 s9, $0x8  }
0xc: {  	s1 =	sor.u32 s1, s22;
	s22 =	simm.s32 $0x180;
	s6 =	sadd.s32 s5, s6  }
0xd: {  	s5 =	sadd.s32 s5, s2;
	s17 =	sadd.s32 s4, s8;
	s18 =	sor.u32 $0x1000, s12  }
0xe: {  	s19 =	sadd.s32 s16, s9;
	s21 =	sor.u32 $0x4E000, s12;
	[dreg:$0x7] =	wrdreg s5  }
0xf: {  	s6 =	sshrl.u32 s6, $0x3;
	[dreg:$0x8] =	wrdreg s17;
	s10 =	sshrl.u32 s18, $0x3  }
0x10: {  	s5 =	sshll.u32 s18, $0x1;
	[dreg:$0x9] =	wrdreg s19;
	s13 =	sshrl.u32 s21, $0x3  }
0x11: {  	s17 =	sor.u32 $0x4000, s1;
	s0 =	sadd.s32 s6, s0;
	s6 =	ssub.s32 s14, s15  }
0x12: {  	s20 =	sadd.s32 s4, s10;
	s5 =	sadd.s32 s16, s5;
	s12 =	sadd.s32 s4, s13  }
0x13: {  	s23 =	sshrl.u32 s17, $0x3;
	s24 =	sshll.u32 s17, $0x1;
	[dreg:$0xa] =	wrdreg s20  }
0x14: {  	s17 =	sor.u32 $0x3000, s1;
	s1 =	sor.u32 $0x2000, s1;
	[dreg:$0xb] =	wrdreg s5  }
0x15: {  	s5 =	sshll.u32 s21, $0x1;
	s14 =	sadd.s32 $0x67400, s0;
	s15 =	smax.u32 s6, $0x1  }
0x16: {  	s18 =	sadd.s32 s24, s16;
	s25 =	sshll.u32 s17, $0x1;
	s26 =	sshrl.u32 s1, $0x3  }
0x17: {  	s1 =	sshll.u32 s1, $0x1;
	s21 =	simm.s32 $0x4;
	s13 =	sadd.s32 s16, s5  }
0x18: {  	s5 =	sadd.s32 s23, s4;
	s0 =	sadd.s32 s25, s16;
	s19 =	sadd.s32 s26, s4  }
0x19: {  	s31 =	sadd.s32 s1, s16;
	s23 =	simm.s32 $0x80;
	[dreg:$0x4] =	wrdreg s0  }
0x1a: {  	s25 =	simm.s32 $0x100;
	s26 =	simm.s32 $0x1180;
	[dreg:$0x3] =	wrdreg s31  }
.LBB2_1:
0x1b: {  	s0 =	rddreg [dreg:$0x6];
	s1 =	simm.s32 $0x4100;
	s7 =	stileid.u32  }
0x1c: {  	[tilespmem:s1], [sflag:$0x4] =	stream.linear.gather [hbm4b:s0+s3], $0x400, $0x38;
	[tilespmem:$0x4500] =	vst v63  }
0x1d: {  	s0 =	sshll.u32 s7, $0x6;
	_ =	swait.ge [sflag:s21], $0x400  }
0x1e: {  	s31 =	sor.u32 $0x1C04, s0;
	[sflag:s21] =	ssyncset.done $0x0;
	s8 =	rddreg [dreg:$0x7]  }
0x1f: {  	s9 =	rddreg [dreg:$0x5];
	[sflag:s21] =	ssyncadd.s32 $0xFFFFFC00;
	s0 =	sshrl.u32 s8, $0x3  }
0x20: {  	[spmem:s0], [sflag:s31] =	dma.local [hbm:s9], $0x4F0  }
0x21: {  	_ =	swait.ge [sflag:s21], $0x4F0  }
0x22: {  	[sflag:s21] =	ssyncset.done $0x0  }
0x23: {  	[sflag:s21] =	ssyncadd.s32 $0xFFFFFB10  }
0x24: {  	[bflag:$0x0] =	sbarrier.arrive $0xFFFF  }
0x25: {  	s10 =	rddreg [dreg:$0x8]  }
0x26: {  	[tilespmem:s3], [sflag:$0x4] =	stream.linear.gather [hbm4b:s10+s3], $0x80, $0x38;
	[tilespmem:$0x4500] =	vst v63  }
0x27: {  	_ =	swait.ge [sflag:s21], $0x80  }
0x28: {  	[sflag:s21] =	ssyncset.done $0x0  }
0x29: {  	s11 =	rddreg [dreg:$0x9];
	[sflag:s21] =	ssyncadd.s32 $0xFFFFFF80  }
0x2a: {  	[tilespmem:s22], [sflag:$0x1] =	stream.linear.gather [hbm4b:s11+s3], $0x800, $0x38;
	[tilespmem:$0x4500] =	vst v63  }
0x2b: {  	s16 =	rddreg [dreg:$0xa]  }
0x2c: {  	[tilespmem:s23], [sflag:$0x4] =	stream.linear.gather [hbm4b:s16+s3], $0x80, $0x38;
	[tilespmem:$0x4500] =	vst v63  }
0x2d: {  	_ =	swait.ge [sflag:s21], $0x80  }
0x2e: {  	[sflag:s21] =	ssyncset.done $0x0  }
0x2f: {  	s6 =	simm.s32 $0x980;
	s20 =	rddreg [dreg:$0xb];
	[sflag:s21] =	ssyncadd.s32 $0xFFFFFF80  }
0x30: {  	[tilespmem:s6], [sflag:$0x2] =	stream.linear.gather [hbm4b:s20+s3], $0x800, $0x38;
	[tilespmem:$0x4500] =	vst v63  }
0x31: {  	_ = 	snop  }
0x32: {  	[tilespmem:s25], [sflag:$0x4] =	stream.linear.gather [hbm4b:s19+s3], $0x80, $0x38;
	[tilespmem:$0x4500] =	vst v63  }
0x33: {  	_ =	swait.ge [sflag:s21], $0x80  }
0x34: {  	s24 =	rddreg [dreg:$0x3];
	[sflag:s21] =	ssyncset.done $0x0  }
0x35: {  	[sflag:s21] =	ssyncadd.s32 $0xFFFFFF80;
	s1 =	sadd.s32 $0x0, s24  }
0x36: {  	[tilespmem:s26], [sflag:$0x3] =	stream.linear.gather [hbm4b:s1+s3], $0x800, $0x38;
	[tilespmem:$0x4500] =	vst v63  }
0x37: {  	_ =	swait.ge [sflag:s28], $0x800  }
0x38: {  	[sflag:s28] =	ssyncset.done $0x0  }
0x39: {  	[sflag:s28] =	ssyncadd.s32 $0xFFFFF800  }
0x3a: {  	[spmem:s2] =	stream.indirect.scatter.add.f32 [tilespmem:s22], [sflag:$0x4], $0x10, s3, s23, $0xb8;
	[tilespmem:$0x4500] =	vst v63  }
0x3b: {  	_ =	swait.ge [sflag:s21], $0x800  }
0x3c: {  	p1 =	por $0x0, $0x0;
	[sflag:s21] =	ssyncset.done $0x0  }
0x3d: {  	s1 =	simm.s32 @p1 $0x2;
	[sflag:s21] =	ssyncadd.s32 $0xFFFFF800  }
0x3e: {  	_ =	swait.ge @p1 [sflag:s1], $0x800  }
0x3f: {  	s16 =	simm.s32 @p1 $0x980;
	[sflag:s1] =	ssyncset.done @p1 $0x0  }
0x40: {  	s6 =	simm.s32 @p1 $0x4;
	[sflag:s1] =	ssyncadd.s32 @p1 $0xFFFFF800;
	s1 =	simm.s32 @p1 $0x80  }
0x41: {  	[spmem:s2] =	stream.indirect.scatter.add.f32 @p1 [tilespmem:s16], [sflag:$0x4], $0x10, s1, s1, $0xb8;
	[tilespmem:$0x4500] =	vst v63  }
0x42: {  	_ =	swait.ge @p1 [sflag:s6], $0x800  }
0x43: {  	s1 =	sshrl.u32 @!p1 s17, $0x3;
	s16 =	simm.s32 @!p1 $0x4;
	[sflag:s6] =	ssyncset.done @p1 $0x0  }
0x44: {  	s1 =	sadd.s32 @!p1 s4, s1;
	[sflag:s6] =	ssyncadd.s32 @p1 $0xFFFFF800;
	s6 =	simm.s32 @!p1 $0x0  }
0x45: {  	[tilespmem:s6], [sflag:$0x4] =	stream.linear.gather @!p1 [hbm4b:s1+s6], $0x80, $0x38;
	[tilespmem:$0x4500] =	vst v63  }
0x46: {  	_ =	swait.ge @!p1 [sflag:s16], $0x80  }
0x47: {  	s1 =	rddreg [dreg:$0x4];
	[sflag:s16] =	ssyncset.done @!p1 $0x0  }
0x48: {  	s20 =	simm.s32 @!p1 $0x180;
	[sflag:s16] =	ssyncadd.s32 @!p1 $0xFFFFFF80;
	s1 =	sadd.s32 @!p1 $0x0, s1  }
0x49: {  	[tilespmem:s20], [sflag:$0x1] =	stream.linear.gather @!p1 [hbm4b:s1+s6], $0x800, $0x38;
	[tilespmem:$0x4500] =	vst v63  }
0x4a: {  	s1 =	simm.s32 @!p1 $0x2  }
0x4b: {  	_ =	swait.ge @!p1 [sflag:s1], $0x800  }
0x4c: {  	[sflag:s1] =	ssyncset.done @!p1 $0x0  }
0x4d: {  	s20 =	simm.s32 @!p1 $0x980;
	[sflag:s1] =	ssyncadd.s32 @!p1 $0xFFFFF800;
	s1 =	simm.s32 @!p1 $0x80  }
0x4e: {  	[spmem:s2] =	stream.indirect.scatter.add.f32 @!p1 [tilespmem:s20], [sflag:$0x4], $0x10, s1, s1, $0xb8;
	[tilespmem:$0x4500] =	vst v63  }
0x4f: {  	_ =	swait.ge @!p1 [sflag:s16], $0x800  }
0x50: {  	[sflag:s16] =	ssyncset.done @!p1 $0x0  }
0x51: {  	[sflag:s16] =	ssyncadd.s32 @!p1 $0xFFFFF800  }
0x52: {  	[tilespmem:s1], [sflag:$0x4] =	stream.linear.gather @!p1 [hbm4b:s5+s6], $0x80, $0x38;
	[tilespmem:$0x4500] =	vst v63  }
0x53: {  	_ =	swait.ge @!p1 [sflag:s16], $0x80  }
0x54: {  	[sflag:s16] =	ssyncset.done @!p1 $0x0  }
0x55: {  	s1 =	sadd.s32 @!p1 $0x0, s18;
	[sflag:s16] =	ssyncadd.s32 @!p1 $0xFFFFFF80  }
0x56: {  	[tilespmem:s20], [sflag:$0x2] =	stream.linear.gather @!p1 [hbm4b:s1+s6], $0x800, $0x38;
	[tilespmem:$0x4500] =	vst v63  }
0x57: {  	_ =	swait.ge [sflag:s29], $0x800  }
0x58: {  	[sflag:s29] =	ssyncset.done $0x0  }
0x59: {  	[sflag:s29] =	ssyncadd.s32 $0xFFFFF800  }
0x5a: {  	[spmem:s2] =	stream.indirect.scatter.add.f32 [tilespmem:s26], [sflag:$0x4], $0x10, s25, s23, $0xb8;
	[tilespmem:$0x4500] =	vst v63  }
0x5b: {  	s24 =	sadd.s32 $0x600, s19;
	s16 =	smov.u32 s5;
	_ =	swait.ge [sflag:s21], $0x800  }
0x5c: {  	s1 =	simm.s32 $0x6000;
	s20 =	sadd.s32 $0x3000, s17;
	[sflag:s21] =	ssyncset.done $0x0  }
.LBB2_2:
0x5d: {  	[sflag:s21] =	ssyncadd.s32 $0xFFFFF800  }
0x5e: {  	[tilespmem:s25], [sflag:$0x4] =	stream.linear.gather [hbm4b:s24+s3], $0x80, $0x38;
	[tilespmem:$0x4500] =	vst v63  }
0x5f: {  	_ =	swait.ge [sflag:s21], $0x80  }
0x60: {  	s6 =	smov.u32 s1;
	s7 =	rddreg [dreg:$0x3];
	[sflag:s21] =	ssyncset.done $0x0  }
0x61: {  	[sflag:s21] =	ssyncadd.s32 $0xFFFFFF80;
	s7 =	sadd.s32 s6, s7  }
0x62: {  	[tilespmem:s26], [sflag:$0x3] =	stream.linear.gather [hbm4b:s7+s3], $0x800, $0x38;
	[tilespmem:$0x4500] =	vst v63  }
0x63: {  	_ =	swait.ge [sflag:s28], $0x800  }
0x64: {  	[sflag:s28] =	ssyncset.done $0x0  }
0x65: {  	[sflag:s28] =	ssyncadd.s32 $0xFFFFF800  }
0x66: {  	[spmem:s2] =	stream.indirect.scatter.add.f32 [tilespmem:s22], [sflag:$0x4], $0x10, s3, s23, $0xb8;
	[tilespmem:$0x4500] =	vst v63  }
0x67: {  	_ =	swait.ge [sflag:s21], $0x800  }
0x68: {  	p2 =	seq.s32 s6, $0x96000;
	[sflag:s21] =	ssyncset.done $0x0  }
0x69: {  	s7 =	simm.s32 @p2 $0x2;
	[sflag:s21] =	ssyncadd.s32 $0xFFFFF800  }
0x6a: {  	_ =	swait.ge @p2 [sflag:s7], $0x800  }
0x6b: {  	s9 =	simm.s32 @p2 $0x4;
	[sflag:s7] =	ssyncset.done @p2 $0x0  }
0x6c: {  	s10 =	simm.s32 @p2 $0x980;
	[sflag:s7] =	ssyncadd.s32 @p2 $0xFFFFF800;
	s7 =	simm.s32 @p2 $0x80  }
0x6d: {  	[spmem:s2] =	stream.indirect.scatter.add.f32 @p2 [tilespmem:s10], [sflag:$0x4], $0x10, s7, s7, $0xb8;
	[tilespmem:$0x4500] =	vst v63  }
0x6e: {  	s8 =	sshrl.u32 @!p2 s20, $0x3;
	_ =	swait.ge @p2 [sflag:s9], $0x800  }
0x6f: {  	s8 =	sadd.s32 @!p2 s4, s8;
	[sflag:s9] =	ssyncset.done @p2 $0x0  }
0x70: {  	s7 =	simm.s32 @!p2 $0x0;
	[sflag:s9] =	ssyncadd.s32 @p2 $0xFFFFF800;
	s9 =	simm.s32 @!p2 $0x4  }
0x71: {  	[tilespmem:s7], [sflag:$0x4] =	stream.linear.gather @!p2 [hbm4b:s8+s7], $0x80, $0x38;
	[tilespmem:$0x4500] =	vst v63  }
0x72: {  	_ =	swait.ge @!p2 [sflag:s9], $0x80  }
0x73: {  	s11 =	simm.s32 @!p2 $0x180;
	s8 =	rddreg [dreg:$0x4];
	[sflag:s9] =	ssyncset.done @!p2 $0x0  }
0x74: {  	s10 =	simm.s32 @!p2 $0x2;
	[sflag:s9] =	ssyncadd.s32 @!p2 $0xFFFFFF80;
	s8 =	sadd.s32 @!p2 s6, s8  }
0x75: {  	[tilespmem:s11], [sflag:$0x1] =	stream.linear.gather @!p2 [hbm4b:s8+s7], $0x800, $0x38;
	[tilespmem:$0x4500] =	vst v63  }
0x76: {  	_ =	swait.ge @!p2 [sflag:s10], $0x800  }
0x77: {  	[sflag:s10] =	ssyncset.done @!p2 $0x0  }
0x78: {  	s8 =	simm.s32 @!p2 $0x80;
	[sflag:s10] =	ssyncadd.s32 @!p2 $0xFFFFF800;
	s10 =	simm.s32 @!p2 $0x980  }
0x79: {  	[spmem:s2] =	stream.indirect.scatter.add.f32 @!p2 [tilespmem:s10], [sflag:$0x4], $0x10, s8, s8, $0xb8;
	[tilespmem:$0x4500] =	vst v63  }
0x7a: {  	_ =	swait.ge @!p2 [sflag:s9], $0x800  }
0x7b: {  	[sflag:s9] =	ssyncset.done @!p2 $0x0  }
0x7c: {  	s16 =	sadd.s32 $0x600, s16;
	[sflag:s9] =	ssyncadd.s32 @!p2 $0xFFFFF800  }
0x7d: {  	[tilespmem:s8], [sflag:$0x4] =	stream.linear.gather @!p2 [hbm4b:s16+s7], $0x80, $0x38;
	[tilespmem:$0x4500] =	vst v63  }
0x7e: {  	_ =	swait.ge @!p2 [sflag:s9], $0x80  }
0x7f: {  	[sflag:s9] =	ssyncset.done @!p2 $0x0  }
0x80: {  	s1 =	sadd.s32 $0x6000, s1;
	s6 =	sadd.s32 @!p2 s6, s18;
	[sflag:s9] =	ssyncadd.s32 @!p2 $0xFFFFFF80  }
0x81: {  	[tilespmem:s10], [sflag:$0x2] =	stream.linear.gather @!p2 [hbm4b:s6+s7], $0x800, $0x38;
	[tilespmem:$0x4500] =	vst v63  }
0x82: {  	p1 =	sne.s32 s1, $0x9C000;
	_ =	swait.ge [sflag:s29], $0x800  }
.Ltmp0:
0x83: {  	[sflag:s29] =	ssyncset.done $0x0;
	(pc) =	sbr.rel @p1 .LBB2_2-.Ltmp0, $4  }
0x84: {  	[sflag:s29] =	ssyncadd.s32 $0xFFFFF800  }
0x85: {  	[spmem:s2] =	stream.indirect.scatter.add.f32 [tilespmem:s26], [sflag:$0x4], $0x10, s25, s23, $0xb8;
	[tilespmem:$0x4500] =	vst v63  }
0x86: {  	_ =	swait.ge [sflag:s21], $0x800  }
0x87: {  	s24 =	sadd.s32 $0x600, s24;
	s20 =	sadd.s32 $0x3000, s20;
	[sflag:s21] =	ssyncset.done $0x0  }
0x88: {  	[sflag:s21] =	ssyncadd.s32 $0xFFFFF800;
	s1 =	simm.s32 @!p0 $0x0;
	s6 =	simm.s32 @!p0 $0x4  }
0x89: {  	[tilespmem:s1], [sflag:$0x4] =	stream.linear.gather @!p0 [hbm4b:s12+s1], $0x80, $0x38;
	[tilespmem:$0x4500] =	vst v63  }
0x8a: {  	_ =	swait.ge @!p0 [sflag:s6], $0x80  }
0x8b: {  	[sflag:s6] =	ssyncset.done @!p0 $0x0  }
0x8c: {  	s7 =	simm.s32 @!p0 $0x180;
	s8 =	simm.s32 @!p0 $0x1;
	[sflag:s6] =	ssyncadd.s32 @!p0 $0xFFFFFF80  }
0x8d: {  	[tilespmem:s7], [sflag:$0x1] =	stream.linear.gather @!p0 [hbm4b:s13+s1], $0x800, $0x38;
	[tilespmem:$0x4500] =	vst v63  }
0x8e: {  	_ =	swait.ge @!p0 [sflag:s8], $0x800  }
0x8f: {  	[sflag:s8] =	ssyncset.done @!p0 $0x0  }
0x90: {  	[sflag:s8] =	ssyncadd.s32 @!p0 $0xFFFFF800;
	s8 =	simm.s32 @!p0 $0x80  }
0x91: {  	[spmem:s2] =	stream.indirect.scatter.add.f32 @!p0 [tilespmem:s7], [sflag:$0x4], $0x10, s1, s8, $0xb8;
	[tilespmem:$0x4500] =	vst v63  }
0x92: {  	_ =	swait.ge @!p0 [sflag:s6], $0x800  }
0x93: {  	s30 =	sadd.s32 $0x1, s30;
	[sflag:s6] =	ssyncset.done @!p0 $0x0  }
0x94: {  	p1 =	sne.s32 s30, s15;
	[sflag:s6] =	ssyncadd.s32 @!p0 $0xFFFFF800  }
.Ltmp1:
0x95: {  	[bflag:$0x0] =	sbarrier.arrive $0xFFFF;
	(pc) =	sbr.rel @p1 .LBB2_1-.Ltmp1, $4  }
0x96: {  	[hbm:s14], [sflag:s31] =	dma.local [spmem:s0], $0x4F0  }
0x97: {  	_ =	swait.ge [sflag:s21], $0x4F0  }
0x98: {  	[sflag:s21] =	ssyncset.done $0x0  }
0x99: {  	[sflag:s21] =	ssyncadd.s32 $0xFFFFFB10  }
0x9a: {  	_ =	sfence.sel $0x180000  }
0x9b: {  	[bflag:$0x0] =	sbarrier.arrive $0xFFFF  }
0x9c: {  	_ =	strace $0x9000004A  }
0x9d: {  	s0 =	stileid.u32;
	[bflag:$0x2] =	sbarrier.arrive $0xFFFF  }
0x9e: {  	p0 =	sne.s32 s0, $0x0;
	s0 =	rddreg [dreg:$0x2]  }
0x9f: {  	s0 =	sadd.s32 @!p0 $0x100000, s0  }
0xa0: {  	[sflag:s0] =	ssyncadd.tile.s32 @!p0 $0x1;
	_ =	shalt  }
.Lfunc_end2:
_tile_overlayer_lowered:
.L_overlay_start_2:
0xa1: {  	(tag) =	ssettag $0x2  }
0xa2: {  	s0 =	rddreg [dreg:$0x0];
	s2 =	stileid.u32  }
0xa3: {  	s1 =	rddreg [dreg:$0x1];
	p0 =	sne.s32 s2, $0x0  }
0xa4: {  	s3 =	rddreg [dreg:$0x2];
	[bflag:$0x3] =	sbarrier.arrive $0xFFFF;
	s2 =	simm.s32 @!p0 $0x1C04  }
0xa5: {  	[timem:s3], [sflag:s2] =	dma.local @!p0 [hbm:s0], s1  }
0xa6: {  	s0 =	simm.s32 @!p0 $0x4  }
0xa7: {  	_ =	swait.ge @!p0 [sflag:s0], s1  }
0xa8: {  	s1 =	ssub.s32 @!p0 $0x0, s1;
	[sflag:s0] =	ssyncset.done @!p0 $0x0  }
0xa9: {  	[sflag:s0] =	ssyncadd.s32 @!p0 s1  }
0xaa: {  	[bflag:$0x3] =	sbarrier.arrive $0xFFFF  }
0xab: {  	_ =	shalt  }

</sc_bundles>
